<compile_context>
chip_gen: v7x
topology: tpu7x:2x2x1
jax: 0.10.2.dev20260603
libtpu: 0.0.44.dev20260713+nightly
codegen_flags: <defaults>
</compile_context>

<pallas_src>
import functools

import jax
import jax.numpy as jnp
from jax import lax
from jax.experimental import pallas as pl
from jax.experimental.pallas import tpu as pltpu
from jax.experimental.pallas import tpu_sc as plsc

NC = 2
NS = 16
NW = NC * NS
CH = 128


def _make_agg(de, n_pad, cpw):
  mesh = plsc.VectorSubcoreMesh(core_axis_name="c", subcore_axis_name="s",
                                num_cores=NC, num_subcores=NS)
  rows_per_tile = n_pad // NS
  n0 = rows_per_tile // CH

  @functools.partial(
      pl.kernel,
      out_type=jax.ShapeDtypeStruct((NC, n_pad, de), jnp.float32),
      mesh=mesh,
      scratch_types=[
          pltpu.VMEM((2, 2, CH), jnp.int32),
          pltpu.VMEM((2, 2, CH), jnp.int32),
          pltpu.VMEM((CH, de), jnp.float32),
          pltpu.VMEM((CH, de), jnp.float32),
          pltpu.VMEM_SHARED((n_pad, de), jnp.float32),
          pltpu.SemaphoreType.DMA,
          pltpu.SemaphoreType.DMA,
          pltpu.SemaphoreType.DMA,
          pltpu.SemaphoreType.DMA,
          pltpu.SemaphoreType.DMA,
          pltpu.SemaphoreType.DMA,
      ],
      compiler_params=pltpu.CompilerParams(use_tc_tiling_on_sc=False),
  )
  def agg(x_hbm, edges_hbm, z_hbm, out_hbm,
          sidx, didx, rows0, rows1, acc,
          gsem0, gsem1, ssem0, ssem1, isem0, isem1):
    c = lax.axis_index("c")
    s = lax.axis_index("s")
    wid = c * NS + s
    rows = (rows0, rows1)
    gsems = (gsem0, gsem1)
    ssems = (ssem0, ssem1)
    isems = (isem0, isem1)

    pltpu.sync_copy(z_hbm, rows0)
    for k in range(n0):
      pltpu.async_copy(rows0, acc.at[pl.ds(s * rows_per_tile + k * CH, CH)],
                       gsem0)
    for k in range(n0):
      pltpu.make_async_copy(
          rows0, acc.at[pl.ds(s * rows_per_tile + k * CH, CH)], gsem0).wait()
    plsc.subcore_barrier()

    bc = wid * cpw

    def start_load_pair(c_next, j):
      pltpu.async_copy(edges_hbm.at[0, pl.ds(bc + c_next, 2)], sidx.at[j],
                       isems[j])
      pltpu.async_copy(edges_hbm.at[1, pl.ds(bc + c_next, 2)], didx.at[j],
                       isems[j])

    def wait_load_pair(c_next, j):
      pltpu.make_async_copy(edges_hbm.at[0, pl.ds(bc + c_next, 2)],
                            sidx.at[j], isems[j]).wait()
      pltpu.make_async_copy(edges_hbm.at[1, pl.ds(bc + c_next, 2)],
                            didx.at[j], isems[j]).wait()

    def start_gather(j, b):
      pltpu.async_copy(x_hbm.at[sidx.at[j, b]], rows[b], gsems[b])

    def wait_gather(j, b):
      pltpu.make_async_copy(x_hbm.at[sidx.at[j, b]], rows[b], gsems[b]).wait()

    def start_scatter(j, b):
      pltpu.async_copy(rows[b], acc.at[didx.at[j, b]], ssems[b], add=True)

    def wait_scatter(j, b):
      pltpu.make_async_copy(rows[b], acc.at[didx.at[j, b]], ssems[b]).wait()

    start_load_pair(0, 0)
    wait_load_pair(0, 0)
    start_gather(0, 0)
    start_load_pair(2, 1)
    wait_gather(0, 0)
    start_gather(0, 1)
    start_scatter(0, 0)
    wait_scatter(0, 0)
    wait_gather(0, 1)
    wait_load_pair(2, 1)
    start_gather(1, 0)
    start_scatter(0, 1)

    @pl.loop(2, cpw - 1, step=4)
    def _pipe(g):
      for i, (b, j) in enumerate(((0, 1), (1, 1), (0, 0), (1, 0))):
        c = g + i
        wait_scatter(j if b == 1 else 1 - j, 1 - b)
        if b == 0:
          start_load_pair(c + 2, 1 - j)
        wait_gather(j, b)
        if b == 1:
          wait_load_pair(c + 1, 1 - j)
        start_gather(j if b == 0 else 1 - j, 1 - b)
        start_scatter(j, b)

    wait_scatter(0, 1)
    wait_gather(1, 0)
    start_scatter(1, 0)
    wait_scatter(1, 0)
    plsc.subcore_barrier()

    def drain_r0(k):
      return s * rows_per_tile + k * CH

    for k in range(n0):
      b = k % 2
      if k >= 2:
        pltpu.make_async_copy(
            rows[b], out_hbm.at[c, pl.ds(drain_r0(k - 2), CH)],
            ssems[b]).wait()
      pltpu.sync_copy(acc.at[pl.ds(drain_r0(k), CH)], rows[b])
      pltpu.async_copy(rows[b], out_hbm.at[c, pl.ds(drain_r0(k), CH)],
                       ssems[b])
    for k in range(max(n0 - 2, 0), n0):
      pltpu.make_async_copy(
          rows[k % 2], out_hbm.at[c, pl.ds(drain_r0(k), CH)],
          ssems[k % 2]).wait()

  return agg


def _tc_layer1(p, x, wlT, bl, wrT):
  n, d = x.shape
  dp = p.shape[2]
  bn = 1000 if n % 1000 == 0 else 8
  grid = (n // bn,)

  def body(p_r, x_r, wl_r, bl_r, wr_r, h_r, rec_r):
    a = p_r[0] + p_r[1]
    rec = 1.0 / jnp.maximum(a[:, d:d + 1], 1.0)
    mean = a[:, :d] * rec
    h = jnp.dot(mean, wl_r[...], preferred_element_type=jnp.float32)
    h = h + bl_r[...]
    h = h + jnp.dot(x_r[...], wr_r[...], preferred_element_type=jnp.float32)
    h_r[...] = jnp.maximum(h, 0.0)
    rec_r[...] = rec

  return pl.pallas_call(
      body,
      grid=grid,
      in_specs=[
          pl.BlockSpec((2, bn, dp), lambda i: (0, i, 0)),
          pl.BlockSpec((bn, d), lambda i: (i, 0)),
          pl.BlockSpec((d, d), lambda i: (0, 0)),
          pl.BlockSpec((1, d), lambda i: (0, 0)),
          pl.BlockSpec((d, d), lambda i: (0, 0)),
      ],
      out_specs=[
          pl.BlockSpec((bn, d), lambda i: (i, 0)),
          pl.BlockSpec((bn, 1), lambda i: (i, 0)),
      ],
      out_shape=[
          jax.ShapeDtypeStruct((n, d), jnp.float32),
          jax.ShapeDtypeStruct((n, 1), jnp.float32),
      ],
  )(p, x, wlT, bl, wrT)


def _tc_layer2(q, rec, h1, wlT, bl, wrT):
  n, d = h1.shape
  bn = 1000 if n % 1000 == 0 else 8
  grid = (n // bn,)

  def body(q_r, rec_r, h1_r, wl_r, bl_r, wr_r, o_r):
    mean = (q_r[0] + q_r[1]) * rec_r[...]
    h = jnp.dot(mean, wl_r[...], preferred_element_type=jnp.float32)
    h = h + bl_r[...]
    h = h + jnp.dot(h1_r[...], wr_r[...], preferred_element_type=jnp.float32)
    h = h - jnp.max(h, axis=1, keepdims=True)
    o_r[...] = h - jnp.log(jnp.sum(jnp.exp(h), axis=1, keepdims=True))

  return pl.pallas_call(
      body,
      grid=grid,
      in_specs=[
          pl.BlockSpec((2, bn, d), lambda i: (0, i, 0)),
          pl.BlockSpec((bn, 1), lambda i: (i, 0)),
          pl.BlockSpec((bn, d), lambda i: (i, 0)),
          pl.BlockSpec((d, d), lambda i: (0, 0)),
          pl.BlockSpec((1, d), lambda i: (0, 0)),
          pl.BlockSpec((d, d), lambda i: (0, 0)),
      ],
      out_specs=pl.BlockSpec((bn, d), lambda i: (i, 0)),
      out_shape=jax.ShapeDtypeStruct((n, d), jnp.float32),
  )(q, rec, h1, wlT, bl, wrT)


def kernel(x, edge_index, W1l, b1l, W1r, W2l, b2l, W2r):
  n, d = x.shape
  e = edge_index.shape[1]
  de = d + 16
  n_pad = -(-(n + 1) // (NS * CH)) * (NS * CH)
  cpw = -(-e // (NW * CH))
  while cpw % 4 != 3:
    cpw += 1
  e_pad = NW * CH * cpw

  pad = e_pad + CH - e
  edges = edge_index
  if pad:
    pad_idx = jnp.arange(pad, dtype=jnp.int32)
    pad_blk = jnp.stack([pad_idx % n, n + pad_idx % (n_pad - n)])
    edges = jnp.concatenate([edge_index, pad_blk], axis=1)
  edges = edges.reshape(2, e_pad // CH + 1, CH)

  x_ext = jnp.concatenate(
      [x, jnp.ones((n, 1), jnp.float32), jnp.zeros((n, 15), jnp.float32)],
      axis=1)

  agg1 = _make_agg(de, n_pad, cpw)
  p = agg1(x_ext, edges, jnp.zeros((CH, de), jnp.float32))
  h1, rec = _tc_layer1(p, x, W1l.T, b1l.reshape(1, d), W1r.T)

  agg2 = _make_agg(d, n_pad, cpw)
  q = agg2(h1, edges, jnp.zeros((CH, d), jnp.float32))

  return _tc_layer2(q, rec, h1, W2l.T, b2l.reshape(1, d), W2r.T)

# --- scband reference (transcript-rebuilt; emitter-appended) ---
"""Pipeline reference for scband-graph-sage-7859790152290 (READ-ONLY COPY).

The authoritative reference and input builder live on the scoring server;
editing this copy changes nothing except your own understanding.
"""

import jax, jax.numpy as jnp
import numpy as np

N, E, D = 10000, 320000, 128

def setup_inputs(seed: int = 0) -> dict:
    key = jax.random.key(seed)
    ks = jax.random.split(key, 9)
    x = jax.random.normal(ks[0], (N, D), dtype=jnp.float32)
    edge_index = jax.random.randint(ks[1], (2, E), 0, N, dtype=jnp.int32)
    s = 0.05
    W1l = jax.random.normal(ks[2], (D, D), dtype=jnp.float32) * s
    b1l = jnp.zeros((D,), dtype=jnp.float32)
    W1r = jax.random.normal(ks[3], (D, D), dtype=jnp.float32) * s
    W2l = jax.random.normal(ks[4], (D, D), dtype=jnp.float32) * s
    b2l = jnp.zeros((D,), dtype=jnp.float32)
    W2r = jax.random.normal(ks[5], (D, D), dtype=jnp.float32) * s
    return {"x": x, "edge_index": edge_index, "W1l": W1l, "b1l": b1l, "W1r": W1r, "W2l": W2l, "b2l": b2l, "W2r": W2r}

def _sage_conv(x, edge_index, Wl, bl, Wr):
    # PyG SAGEConv (mean aggr): out = lin_l(mean_j x_j) + lin_r(x_i)
    src = edge_index[0]
    dst = edge_index[1]
    n = x.shape[0]
    msg = jnp.take(x, src, axis=0)                      # gather (SparseCore)
    aggr = jax.ops.segment_sum(msg, dst, num_segments=n)  # scatter-add
    cnt = jax.ops.segment_sum(jnp.ones((src.shape[0],), x.dtype), dst, num_segments=n)
    mean = aggr / jnp.clip(cnt, 1.0, None)[:, None]
    return mean @ Wl.T + bl + x @ Wr.T

def reference(x, edge_index, W1l, b1l, W1r, W2l, b2l, W2r):
    h = _sage_conv(x, edge_index, W1l, b1l, W1r)
    h = jax.nn.relu(h)
    # dropout is identity in eval mode
    h = _sage_conv(h, edge_index, W2l, b2l, W2r)
    return jax.nn.log_softmax(h, axis=-1)

if __name__ == "__main__":
    import jax
    _d = setup_inputs()
    print(jax.jit(kernel)(*tuple(_d.values())))

</pallas_src>

<mosaic_0001>
#map = affine_map<(d0, d1) -> (0, 0)>
#map1 = affine_map<(d0, d1) -> (0, 0, 0)>
module attributes {stable_mosaic.version = 14 : i64} {
  func.func @agg(%arg0: i32, %arg1: i32, %arg2: memref<10000x144xf32, #tpu.memory_space<hbm>>, %arg3: memref<2x2529x128xi32, #tpu.memory_space<hbm>>, %arg4: memref<128x144xf32, #tpu.memory_space<hbm>>, %arg5: memref<2x10240x144xf32, #tpu.memory_space<hbm>>, %arg6: memref<2x2x128xi32, #tpu.memory_space<vmem>>, %arg7: memref<2x2x128xi32, #tpu.memory_space<vmem>>, %arg8: memref<128x144xf32, #tpu.memory_space<vmem>>, %arg9: memref<128x144xf32, #tpu.memory_space<vmem>>, %arg10: memref<10240x144xf32, #tpu.memory_space<vmem_shared>>, %arg11: memref<!tpu.dma_semaphore, #tpu.memory_space<semaphore_mem>>, %arg12: memref<!tpu.dma_semaphore, #tpu.memory_space<semaphore_mem>>, %arg13: memref<!tpu.dma_semaphore, #tpu.memory_space<semaphore_mem>>, %arg14: memref<!tpu.dma_semaphore, #tpu.memory_space<semaphore_mem>>, %arg15: memref<!tpu.dma_semaphore, #tpu.memory_space<semaphore_mem>>, %arg16: memref<!tpu.dma_semaphore, #tpu.memory_space<semaphore_mem>>) attributes {dimension_semantics = [#tpu.dimension_semantics<core_parallel>, #tpu.dimension_semantics<subcore_parallel>], iteration_bounds = array<i64: 2, 16>, scalar_prefetch = 0 : i64, scratch_operands = 11 : i64, tpu.core_type = #tpu.core_type<sc_vector_subcore>, window_params = [{transform_indices = #map}, {transform_indices = #map1}, {transform_indices = #map}, {transform_indices = #map1}]} {
    %mul3A = arith.constant 16 : i32
    %mul3A_0 = arith.muli %arg0, %mul3A : i32
    %add3A = arith.addi %mul3A_0, %arg1 : i32
    "tpu.region"() ({
      %run_scoped3A = tpu.sem_alloc : memref<!tpu.dma_semaphore, #tpu.memory_space<semaphore_mem>>
      tpu.enqueue_dma source(%arg4 : memref<128x144xf32, #tpu.memory_space<hbm>>) target(%arg8 : memref<128x144xf32, #tpu.memory_space<vmem>>) target_semaphore(%run_scoped3A : memref<!tpu.dma_semaphore, #tpu.memory_space<semaphore_mem>>)
      tpu.wait_dma2 semaphore(%run_scoped3A : memref<!tpu.dma_semaphore, #tpu.memory_space<semaphore_mem>>) src(%arg4 : memref<128x144xf32, #tpu.memory_space<hbm>>) dst(%arg8 : memref<128x144xf32, #tpu.memory_space<vmem>>)
      tpu.yield
    }) : () -> ()
    %mul3A_1 = arith.constant 640 : i32
    %mul3A_2 = arith.muli %arg1, %mul3A_1 : i32
    %add3A_3 = arith.constant 0 : i32
    %add3A_4 = arith.addi %mul3A_2, %add3A_3 : i32
    %dma_start3A = arith.constant 0 : i32
    %dma_start3A_5 = tpu.memref_slice %arg10[%add3A_4, %dma_start3A] : memref<10240x144xf32, #tpu.memory_space<vmem_shared>> -> memref<128x144xf32, #tpu.memory_space<vmem_shared>>
    %dma_start3A_6 = arith.constant 0 : i32
    %dma_start3A_7 = tpu.memref_slice %arg10[%add3A_4, %dma_start3A_6] : memref<10240x144xf32, #tpu.memory_space<vmem_shared>> -> memref<128x144xf32, #tpu.memory_space<vmem_shared>>
    tpu.enqueue_dma source(%arg8 : memref<128x144xf32, #tpu.memory_space<vmem>>) target(%dma_start3A_7 : memref<128x144xf32, #tpu.memory_space<vmem_shared>>) target_semaphore(%arg11 : memref<!tpu.dma_semaphore, #tpu.memory_space<semaphore_mem>>)
    %mul3A_8 = arith.constant 640 : i32
    %mul3A_9 = arith.muli %arg1, %mul3A_8 : i32
    %add3A_10 = arith.constant 128 : i32
    %add3A_11 = arith.addi %mul3A_9, %add3A_10 : i32
    %dma_start3A_12 = arith.constant 0 : i32
    %dma_start3A_13 = tpu.memref_slice %arg10[%add3A_11, %dma_start3A_12] : memref<10240x144xf32, #tpu.memory_space<vmem_shared>> -> memref<128x144xf32, #tpu.memory_space<vmem_shared>>
    %dma_start3A_14 = arith.constant 0 : i32
    %dma_start3A_15 = tpu.memref_slice %arg10[%add3A_11, %dma_start3A_14] : memref<10240x144xf32, #tpu.memory_space<vmem_shared>> -> memref<128x144xf32, #tpu.memory_space<vmem_shared>>
    tpu.enqueue_dma source(%arg8 : memref<128x144xf32, #tpu.memory_space<vmem>>) target(%dma_start3A_15 : memref<128x144xf32, #tpu.memory_space<vmem_shared>>) target_semaphore(%arg11 : memref<!tpu.dma_semaphore, #tpu.memory_space<semaphore_mem>>)
    %mul3A_16 = arith.constant 640 : i32
    %mul3A_17 = arith.muli %arg1, %mul3A_16 : i32
    %add3A_18 = arith.constant 256 : i32
    %add3A_19 = arith.addi %mul3A_17, %add3A_18 : i32
    %dma_start3A_20 = arith.constant 0 : i32
    %dma_start3A_21 = tpu.memref_slice %arg10[%add3A_19, %dma_start3A_20] : memref<10240x144xf32, #tpu.memory_space<vmem_shared>> -> memref<128x144xf32, #tpu.memory_space<vmem_shared>>
    %dma_start3A_22 = arith.constant 0 : i32
    %dma_start3A_23 = tpu.memref_slice %arg10[%add3A_19, %dma_start3A_22] : memref<10240x144xf32, #tpu.memory_space<vmem_shared>> -> memref<128x144xf32, #tpu.memory_space<vmem_shared>>
    tpu.enqueue_dma source(%arg8 : memref<128x144xf32, #tpu.memory_space<vmem>>) target(%dma_start3A_23 : memref<128x144xf32, #tpu.memory_space<vmem_shared>>) target_semaphore(%arg11 : memref<!tpu.dma_semaphore, #tpu.memory_space<semaphore_mem>>)
    %mul3A_24 = arith.constant 640 : i32
    %mul3A_25 = arith.muli %arg1, %mul3A_24 : i32
    %add3A_26 = arith.constant 384 : i32
    %add3A_27 = arith.addi %mul3A_25, %add3A_26 : i32
    %dma_start3A_28 = arith.constant 0 : i32
    %dma_start3A_29 = tpu.memref_slice %arg10[%add3A_27, %dma_start3A_28] : memref<10240x144xf32, #tpu.memory_space<vmem_shared>> -> memref<128x144xf32, #tpu.memory_space<vmem_shared>>
    %dma_start3A_30 = arith.constant 0 : i32
    %dma_start3A_31 = tpu.memref_slice %arg10[%add3A_27, %dma_start3A_30] : memref<10240x144xf32, #tpu.memory_space<vmem_shared>> -> memref<128x144xf32, #tpu.memory_space<vmem_shared>>
    tpu.enqueue_dma source(%arg8 : memref<128x144xf32, #tpu.memory_space<vmem>>) target(%dma_start3A_31 : memref<128x144xf32, #tpu.memory_space<vmem_shared>>) target_semaphore(%arg11 : memref<!tpu.dma_semaphore, #tpu.memory_space<semaphore_mem>>)
    %mul3A_32 = arith.constant 640 : i32
    %mul3A_33 = arith.muli %arg1, %mul3A_32 : i32
    %add3A_34 = arith.constant 512 : i32
    %add3A_35 = arith.addi %mul3A_33, %add3A_34 : i32
    %dma_start3A_36 = arith.constant 0 : i32
    %dma_start3A_37 = tpu.memref_slice %arg10[%add3A_35, %dma_start3A_36] : memref<10240x144xf32, #tpu.memory_space<vmem_shared>> -> memref<128x144xf32, #tpu.memory_space<vmem_shared>>
    %dma_start3A_38 = arith.constant 0 : i32
    %dma_start3A_39 = tpu.memref_slice %arg10[%add3A_35, %dma_start3A_38] : memref<10240x144xf32, #tpu.memory_space<vmem_shared>> -> memref<128x144xf32, #tpu.memory_space<vmem_shared>>
    tpu.enqueue_dma source(%arg8 : memref<128x144xf32, #tpu.memory_space<vmem>>) target(%dma_start3A_39 : memref<128x144xf32, #tpu.memory_space<vmem_shared>>) target_semaphore(%arg11 : memref<!tpu.dma_semaphore, #tpu.memory_space<semaphore_mem>>)
    %mul3A_40 = arith.constant 640 : i32
    %mul3A_41 = arith.muli %arg1, %mul3A_40 : i32
    %add3A_42 = arith.constant 0 : i32
    %add3A_43 = arith.addi %mul3A_41, %add3A_42 : i32
    %dma_wait3A = arith.constant 0 : i32
    %dma_wait3A_44 = tpu.memref_slice %arg10[%add3A_43, %dma_wait3A] : memref<10240x144xf32, #tpu.memory_space<vmem_shared>> -> memref<128x144xf32, #tpu.memory_space<vmem_shared>>
    %dma_wait3A_45 = arith.constant 0 : i32
    %dma_wait3A_46 = tpu.memref_slice %arg10[%add3A_43, %dma_wait3A_45] : memref<10240x144xf32, #tpu.memory_space<vmem_shared>> -> memref<128x144xf32, #tpu.memory_space<vmem_shared>>
    tpu.wait_dma2 semaphore(%arg11 : memref<!tpu.dma_semaphore, #tpu.memory_space<semaphore_mem>>) src(%arg8 : memref<128x144xf32, #tpu.memory_space<vmem>>) dst(%dma_wait3A_46 : memref<128x144xf32, #tpu.memory_space<vmem_shared>>)
    %mul3A_47 = arith.constant 640 : i32
    %mul3A_48 = arith.muli %arg1, %mul3A_47 : i32
    %add3A_49 = arith.constant 128 : i32
    %add3A_50 = arith.addi %mul3A_48, %add3A_49 : i32
    %dma_wait3A_51 = arith.constant 0 : i32
    %dma_wait3A_52 = tpu.memref_slice %arg10[%add3A_50, %dma_wait3A_51] : memref<10240x144xf32, #tpu.memory_space<vmem_shared>> -> memref<128x144xf32, #tpu.memory_space<vmem_shared>>
    %dma_wait3A_53 = arith.constant 0 : i32
    %dma_wait3A_54 = tpu.memref_slice %arg10[%add3A_50, %dma_wait3A_53] : memref<10240x144xf32, #tpu.memory_space<vmem_shared>> -> memref<128x144xf32, #tpu.memory_space<vmem_shared>>
    tpu.wait_dma2 semaphore(%arg11 : memref<!tpu.dma_semaphore, #tpu.memory_space<semaphore_mem>>) src(%arg8 : memref<128x144xf32, #tpu.memory_space<vmem>>) dst(%dma_wait3A_54 : memref<128x144xf32, #tpu.memory_space<vmem_shared>>)
    %mul3A_55 = arith.constant 640 : i32
    %mul3A_56 = arith.muli %arg1, %mul3A_55 : i32
    %add3A_57 = arith.constant 256 : i32
    %add3A_58 = arith.addi %mul3A_56, %add3A_57 : i32
    %dma_wait3A_59 = arith.constant 0 : i32
    %dma_wait3A_60 = tpu.memref_slice %arg10[%add3A_58, %dma_wait3A_59] : memref<10240x144xf32, #tpu.memory_space<vmem_shared>> -> memref<128x144xf32, #tpu.memory_space<vmem_shared>>
    %dma_wait3A_61 = arith.constant 0 : i32
    %dma_wait3A_62 = tpu.memref_slice %arg10[%add3A_58, %dma_wait3A_61] : memref<10240x144xf32, #tpu.memory_space<vmem_shared>> -> memref<128x144xf32, #tpu.memory_space<vmem_shared>>
    tpu.wait_dma2 semaphore(%arg11 : memref<!tpu.dma_semaphore, #tpu.memory_space<semaphore_mem>>) src(%arg8 : memref<128x144xf32, #tpu.memory_space<vmem>>) dst(%dma_wait3A_62 : memref<128x144xf32, #tpu.memory_space<vmem_shared>>)
    %mul3A_63 = arith.constant 640 : i32
    %mul3A_64 = arith.muli %arg1, %mul3A_63 : i32
    %add3A_65 = arith.constant 384 : i32
    %add3A_66 = arith.addi %mul3A_64, %add3A_65 : i32
    %dma_wait3A_67 = arith.constant 0 : i32
    %dma_wait3A_68 = tpu.memref_slice %arg10[%add3A_66, %dma_wait3A_67] : memref<10240x144xf32, #tpu.memory_space<vmem_shared>> -> memref<128x144xf32, #tpu.memory_space<vmem_shared>>
    %dma_wait3A_69 = arith.constant 0 : i32
    %dma_wait3A_70 = tpu.memref_slice %arg10[%add3A_66, %dma_wait3A_69] : memref<10240x144xf32, #tpu.memory_space<vmem_shared>> -> memref<128x144xf32, #tpu.memory_space<vmem_shared>>
    tpu.wait_dma2 semaphore(%arg11 : memref<!tpu.dma_semaphore, #tpu.memory_space<semaphore_mem>>) src(%arg8 : memref<128x144xf32, #tpu.memory_space<vmem>>) dst(%dma_wait3A_70 : memref<128x144xf32, #tpu.memory_space<vmem_shared>>)
    %mul3A_71 = arith.constant 640 : i32
    %mul3A_72 = arith.muli %arg1, %mul3A_71 : i32
    %add3A_73 = arith.constant 512 : i32
    %add3A_74 = arith.addi %mul3A_72, %add3A_73 : i32
    %dma_wait3A_75 = arith.constant 0 : i32
    %dma_wait3A_76 = tpu.memref_slice %arg10[%add3A_74, %dma_wait3A_75] : memref<10240x144xf32, #tpu.memory_space<vmem_shared>> -> memref<128x144xf32, #tpu.memory_space<vmem_shared>>
    %dma_wait3A_77 = arith.constant 0 : i32
    %dma_wait3A_78 = tpu.memref_slice %arg10[%add3A_74, %dma_wait3A_77] : memref<10240x144xf32, #tpu.memory_space<vmem_shared>> -> memref<128x144xf32, #tpu.memory_space<vmem_shared>>
    tpu.wait_dma2 semaphore(%arg11 : memref<!tpu.dma_semaphore, #tpu.memory_space<semaphore_mem>>) src(%arg8 : memref<128x144xf32, #tpu.memory_space<vmem>>) dst(%dma_wait3A_78 : memref<128x144xf32, #tpu.memory_space<vmem_shared>>)
    %barrier3A = arith.constant 0 : index
    tpu.barrier barrier_id(%barrier3A)
    %mul3A_79 = arith.constant 79 : i32
    %mul3A_80 = arith.muli %add3A, %mul3A_79 : i32
    %add3A_81 = arith.constant 0 : i32
    %add3A_82 = arith.addi %mul3A_80, %add3A_81 : i32
    %dma_start3A_83 = arith.constant 0 : i32
    %dma_start3A_84 = arith.constant 0 : i32
    %dma_start3A_85 = arith.constant 0 : i32
    %dma_start3A_86 = arith.constant 0 : i32
    %dma_start3A_87 = tpu.memref_slice %arg6[%dma_start3A_84, %dma_start3A_85, %dma_start3A_86] : memref<2x2x128xi32, #tpu.memory_space<vmem>> -> memref<1x2x128xi32, #tpu.memory_space<vmem>>
    %dma_start3A_88 = tpu.memref_squeeze %dma_start3A_87 : memref<1x2x128xi32, #tpu.memory_space<vmem>> -> memref<2x128xi32, #tpu.memory_space<vmem>>
    %dma_start3A_89 = arith.constant 0 : i32
    %dma_start3A_90 = tpu.memref_slice %arg3[%dma_start3A_83, %add3A_82, %dma_start3A_89] : memref<2x2529x128xi32, #tpu.memory_space<hbm>> -> memref<1x2x128xi32, #tpu.memory_space<hbm>>
    %dma_start3A_91 = tpu.memref_squeeze %dma_start3A_90 : memref<1x2x128xi32, #tpu.memory_space<hbm>> -> memref<2x128xi32, #tpu.memory_space<hbm>>
    %dma_start3A_92 = arith.constant 0 : i32
    %dma_start3A_93 = arith.constant 0 : i32
    %dma_start3A_94 = tpu.memref_slice %arg6[%dma_start3A_84, %dma_start3A_92, %dma_start3A_93] : memref<2x2x128xi32, #tpu.memory_space<vmem>> -> memref<1x2x128xi32, #tpu.memory_space<vmem>>
    %dma_start3A_95 = tpu.memref_squeeze %dma_start3A_94 : memref<1x2x128xi32, #tpu.memory_space<vmem>> -> memref<2x128xi32, #tpu.memory_space<vmem>>
    %dma_start3A_96 = arith.constant 0 : i32
    %dma_start3A_97 = tpu.memref_slice %arg3[%dma_start3A_83, %add3A_82, %dma_start3A_96] : memref<2x2529x128xi32, #tpu.memory_space<hbm>> -> memref<1x2x128xi32, #tpu.memory_space<hbm>>
    %dma_start3A_98 = tpu.memref_squeeze %dma_start3A_97 : memref<1x2x128xi32, #tpu.memory_space<hbm>> -> memref<2x128xi32, #tpu.memory_space<hbm>>
    tpu.enqueue_dma source(%dma_start3A_98 : memref<2x128xi32, #tpu.memory_space<hbm>>) target(%dma_start3A_95 : memref<2x128xi32, #tpu.memory_space<vmem>>) target_semaphore(%arg15 : memref<!tpu.dma_semaphore, #tpu.memory_space<semaphore_mem>>)
    %add3A_99 = arith.constant 0 : i32
    %add3A_100 = arith.addi %mul3A_80, %add3A_99 : i32
    %dma_start3A_101 = arith.constant 1 : i32
    %dma_start3A_102 = arith.constant 0 : i32
    %dma_start3A_103 = arith.constant 0 : i32
    %dma_start3A_104 = arith.constant 0 : i32
    %dma_start3A_105 = tpu.memref_slice %arg7[%dma_start3A_102, %dma_start3A_103, %dma_start3A_104] : memref<2x2x128xi32, #tpu.memory_space<vmem>> -> memref<1x2x128xi32, #tpu.memory_space<vmem>>
    %dma_start3A_106 = tpu.memref_squeeze %dma_start3A_105 : memref<1x2x128xi32, #tpu.memory_space<vmem>> -> memref<2x128xi32, #tpu.memory_space<vmem>>
    %dma_start3A_107 = arith.constant 0 : i32
    %dma_start3A_108 = tpu.memref_slice %arg3[%dma_start3A_101, %add3A_100, %dma_start3A_107] : memref<2x2529x128xi32, #tpu.memory_space<hbm>> -> memref<1x2x128xi32, #tpu.memory_space<hbm>>
    %dma_start3A_109 = tpu.memref_squeeze %dma_start3A_108 : memref<1x2x128xi32, #tpu.memory_space<hbm>> -> memref<2x128xi32, #tpu.memory_space<hbm>>
    %dma_start3A_110 = arith.constant 0 : i32
    %dma_start3A_111 = arith.constant 0 : i32
    %dma_start3A_112 = tpu.memref_slice %arg7[%dma_start3A_102, %dma_start3A_110, %dma_start3A_111] : memref<2x2x128xi32, #tpu.memory_space<vmem>> -> memref<1x2x128xi32, #tpu.memory_space<vmem>>
    %dma_start3A_113 = tpu.memref_squeeze %dma_start3A_112 : memref<1x2x128xi32, #tpu.memory_space<vmem>> -> memref<2x128xi32, #tpu.memory_space<vmem>>
    %dma_start3A_114 = arith.constant 0 : i32
    %dma_start3A_115 = tpu.memref_slice %arg3[%dma_start3A_101, %add3A_100, %dma_start3A_114] : memref<2x2529x128xi32, #tpu.memory_space<hbm>> -> memref<1x2x128xi32, #tpu.memory_space<hbm>>
    %dma_start3A_116 = tpu.memref_squeeze %dma_start3A_115 : memref<1x2x128xi32, #tpu.memory_space<hbm>> -> memref<2x128xi32, #tpu.memory_space<hbm>>
    tpu.enqueue_dma source(%dma_start3A_116 : memref<2x128xi32, #tpu.memory_space<hbm>>) target(%dma_start3A_113 : memref<2x128xi32, #tpu.memory_space<vmem>>) target_semaphore(%arg15 : memref<!tpu.dma_semaphore, #tpu.memory_space<semaphore_mem>>)
    %add3A_117 = arith.constant 0 : i32
    %add3A_118 = arith.addi %mul3A_80, %add3A_117 : i32
    %dma_wait3A_119 = arith.constant 0 : i32
    %dma_wait3A_120 = arith.constant 0 : i32
    %dma_wait3A_121 = arith.constant 0 : i32
    %dma_wait3A_122 = arith.constant 0 : i32
    %dma_wait3A_123 = tpu.memref_slice %arg6[%dma_wait3A_120, %dma_wait3A_121, %dma_wait3A_122] : memref<2x2x128xi32, #tpu.memory_space<vmem>> -> memref<1x2x128xi32, #tpu.memory_space<vmem>>
    %dma_wait3A_124 = tpu.memref_squeeze %dma_wait3A_123 : memref<1x2x128xi32, #tpu.memory_space<vmem>> -> memref<2x128xi32, #tpu.memory_space<vmem>>
    %dma_wait3A_125 = arith.constant 0 : i32
    %dma_wait3A_126 = tpu.memref_slice %arg3[%dma_wait3A_119, %add3A_118, %dma_wait3A_125] : memref<2x2529x128xi32, #tpu.memory_space<hbm>> -> memref<1x2x128xi32, #tpu.memory_space<hbm>>
    %dma_wait3A_127 = tpu.memref_squeeze %dma_wait3A_126 : memref<1x2x128xi32, #tpu.memory_space<hbm>> -> memref<2x128xi32, #tpu.memory_space<hbm>>
    %dma_wait3A_128 = arith.constant 0 : i32
    %dma_wait3A_129 = arith.constant 0 : i32
    %dma_wait3A_130 = tpu.memref_slice %arg6[%dma_wait3A_120, %dma_wait3A_128, %dma_wait3A_129] : memref<2x2x128xi32, #tpu.memory_space<vmem>> -> memref<1x2x128xi32, #tpu.memory_space<vmem>>
    %dma_wait3A_131 = tpu.memref_squeeze %dma_wait3A_130 : memref<1x2x128xi32, #tpu.memory_space<vmem>> -> memref<2x128xi32, #tpu.memory_space<vmem>>
    %dma_wait3A_132 = arith.constant 0 : i32
    %dma_wait3A_133 = tpu.memref_slice %arg3[%dma_wait3A_119, %add3A_118, %dma_wait3A_132] : memref<2x2529x128xi32, #tpu.memory_space<hbm>> -> memref<1x2x128xi32, #tpu.memory_space<hbm>>
    %dma_wait3A_134 = tpu.memref_squeeze %dma_wait3A_133 : memref<1x2x128xi32, #tpu.memory_space<hbm>> -> memref<2x128xi32, #tpu.memory_space<hbm>>
    tpu.wait_dma2 semaphore(%arg15 : memref<!tpu.dma_semaphore, #tpu.memory_space<semaphore_mem>>) src(%dma_wait3A_134 : memref<2x128xi32, #tpu.memory_space<hbm>>) dst(%dma_wait3A_131 : memref<2x128xi32, #tpu.memory_space<vmem>>)
    %add3A_135 = arith.constant 0 : i32
    %add3A_136 = arith.addi %mul3A_80, %add3A_135 : i32
    %dma_wait3A_137 = arith.constant 1 : i32
    %dma_wait3A_138 = arith.constant 0 : i32
    %dma_wait3A_139 = arith.constant 0 : i32
    %dma_wait3A_140 = arith.constant 0 : i32
    %dma_wait3A_141 = tpu.memref_slice %arg7[%dma_wait3A_138, %dma_wait3A_139, %dma_wait3A_140] : memref<2x2x128xi32, #tpu.memory_space<vmem>> -> memref<1x2x128xi32, #tpu.memory_space<vmem>>
    %dma_wait3A_142 = tpu.memref_squeeze %dma_wait3A_141 : memref<1x2x128xi32, #tpu.memory_space<vmem>> -> memref<2x128xi32, #tpu.memory_space<vmem>>
    %dma_wait3A_143 = arith.constant 0 : i32
    %dma_wait3A_144 = tpu.memref_slice %arg3[%dma_wait3A_137, %add3A_136, %dma_wait3A_143] : memref<2x2529x128xi32, #tpu.memory_space<hbm>> -> memref<1x2x128xi32, #tpu.memory_space<hbm>>
    %dma_wait3A_145 = tpu.memref_squeeze %dma_wait3A_144 : memref<1x2x128xi32, #tpu.memory_space<hbm>> -> memref<2x128xi32, #tpu.memory_space<hbm>>
    %dma_wait3A_146 = arith.constant 0 : i32
    %dma_wait3A_147 = arith.constant 0 : i32
    %dma_wait3A_148 = tpu.memref_slice %arg7[%dma_wait3A_138, %dma_wait3A_146, %dma_wait3A_147] : memref<2x2x128xi32, #tpu.memory_space<vmem>> -> memref<1x2x128xi32, #tpu.memory_space<vmem>>
    %dma_wait3A_149 = tpu.memref_squeeze %dma_wait3A_148 : memref<1x2x128xi32, #tpu.memory_space<vmem>> -> memref<2x128xi32, #tpu.memory_space<vmem>>
    %dma_wait3A_150 = arith.constant 0 : i32
    %dma_wait3A_151 = tpu.memref_slice %arg3[%dma_wait3A_137, %add3A_136, %dma_wait3A_150] : memref<2x2529x128xi32, #tpu.memory_space<hbm>> -> memref<1x2x128xi32, #tpu.memory_space<hbm>>
    %dma_wait3A_152 = tpu.memref_squeeze %dma_wait3A_151 : memref<1x2x128xi32, #tpu.memory_space<hbm>> -> memref<2x128xi32, #tpu.memory_space<hbm>>
    tpu.wait_dma2 semaphore(%arg15 : memref<!tpu.dma_semaphore, #tpu.memory_space<semaphore_mem>>) src(%dma_wait3A_152 : memref<2x128xi32, #tpu.memory_space<hbm>>) dst(%dma_wait3A_149 : memref<2x128xi32, #tpu.memory_space<vmem>>)
    %dma_start3A_153 = arith.constant 0 : i32
    %dma_start3A_154 = arith.constant 0 : i32
    %dma_start3A_155 = arith.constant 0 : i32
    %dma_start3A_156 = tpu.memref_slice %arg6[%dma_start3A_153, %dma_start3A_154, %dma_start3A_155] : memref<2x2x128xi32, #tpu.memory_space<vmem>> -> memref<1x1x128xi32, #tpu.memory_space<vmem>>
    %dma_start3A_157 = tpu.memref_squeeze %dma_start3A_156 : memref<1x1x128xi32, #tpu.memory_space<vmem>> -> memref<128xi32, #tpu.memory_space<vmem>>
    %dma_start3A_158 = arith.constant 0 : i32
    %dma_start3A_159 = arith.constant 0 : i32
    %dma_start3A_160 = tpu.memref_slice %arg2[%dma_start3A_158, %dma_start3A_159] : memref<10000x144xf32, #tpu.memory_space<hbm>> -> memref<10000x144xf32, #tpu.memory_space<hbm>>
    tpu.enqueue_indirect_dma source(%dma_start3A_160 : memref<10000x144xf32, #tpu.memory_space<hbm>>) target(%arg8 : memref<128x144xf32, #tpu.memory_space<vmem>>) offsets(%dma_start3A_157 : memref<128xi32, #tpu.memory_space<vmem>>) semaphore(%arg11 : memref<!tpu.dma_semaphore, #tpu.memory_space<semaphore_mem>>)
    %add3A_161 = arith.constant 2 : i32
    %add3A_162 = arith.addi %mul3A_80, %add3A_161 : i32
    %dma_start3A_163 = arith.constant 0 : i32
    %dma_start3A_164 = arith.constant 1 : i32
    %dma_start3A_165 = arith.constant 0 : i32
    %dma_start3A_166 = arith.constant 0 : i32
    %dma_start3A_167 = tpu.memref_slice %arg6[%dma_start3A_164, %dma_start3A_165, %dma_start3A_166] : memref<2x2x128xi32, #tpu.memory_space<vmem>> -> memref<1x2x128xi32, #tpu.memory_space<vmem>>
    %dma_start3A_168 = tpu.memref_squeeze %dma_start3A_167 : memref<1x2x128xi32, #tpu.memory_space<vmem>> -> memref<2x128xi32, #tpu.memory_space<vmem>>
    %dma_start3A_169 = arith.constant 0 : i32
    %dma_start3A_170 = tpu.memref_slice %arg3[%dma_start3A_163, %add3A_162, %dma_start3A_169] : memref<2x2529x128xi32, #tpu.memory_space<hbm>> -> memref<1x2x128xi32, #tpu.memory_space<hbm>>
    %dma_start3A_171 = tpu.memref_squeeze %dma_start3A_170 : memref<1x2x128xi32, #tpu.memory_space<hbm>> -> memref<2x128xi32, #tpu.memory_space<hbm>>
    %dma_start3A_172 = arith.constant 0 : i32
    %dma_start3A_173 = arith.constant 0 : i32
    %dma_start3A_174 = tpu.memref_slice %arg6[%dma_start3A_164, %dma_start3A_172, %dma_start3A_173] : memref<2x2x128xi32, #tpu.memory_space<vmem>> -> memref<1x2x128xi32, #tpu.memory_space<vmem>>
    %dma_start3A_175 = tpu.memref_squeeze %dma_start3A_174 : memref<1x2x128xi32, #tpu.memory_space<vmem>> -> memref<2x128xi32, #tpu.memory_space<vmem>>
    %dma_start3A_176 = arith.constant 0 : i32
    %dma_start3A_177 = tpu.memref_slice %arg3[%dma_start3A_163, %add3A_162, %dma_start3A_176] : memref<2x2529x128xi32, #tpu.memory_space<hbm>> -> memref<1x2x128xi32, #tpu.memory_space<hbm>>
    %dma_start3A_178 = tpu.memref_squeeze %dma_start3A_177 : memref<1x2x128xi32, #tpu.memory_space<hbm>> -> memref<2x128xi32, #tpu.memory_space<hbm>>
    tpu.enqueue_dma source(%dma_start3A_178 : memref<2x128xi32, #tpu.memory_space<hbm>>) target(%dma_start3A_175 : memref<2x128xi32, #tpu.memory_space<vmem>>) target_semaphore(%arg16 : memref<!tpu.dma_semaphore, #tpu.memory_space<semaphore_mem>>)
    %add3A_179 = arith.constant 2 : i32
    %add3A_180 = arith.addi %mul3A_80, %add3A_179 : i32
    %dma_start3A_181 = arith.constant 1 : i32
    %dma_start3A_182 = arith.constant 1 : i32
    %dma_start3A_183 = arith.constant 0 : i32
    %dma_start3A_184 = arith.constant 0 : i32
    %dma_start3A_185 = tpu.memref_slice %arg7[%dma_start3A_182, %dma_start3A_183, %dma_start3A_184] : memref<2x2x128xi32, #tpu.memory_space<vmem>> -> memref<1x2x128xi32, #tpu.memory_space<vmem>>
    %dma_start3A_186 = tpu.memref_squeeze %dma_start3A_185 : memref<1x2x128xi32, #tpu.memory_space<vmem>> -> memref<2x128xi32, #tpu.memory_space<vmem>>
    %dma_start3A_187 = arith.constant 0 : i32
    %dma_start3A_188 = tpu.memref_slice %arg3[%dma_start3A_181, %add3A_180, %dma_start3A_187] : memref<2x2529x128xi32, #tpu.memory_space<hbm>> -> memref<1x2x128xi32, #tpu.memory_space<hbm>>
    %dma_start3A_189 = tpu.memref_squeeze %dma_start3A_188 : memref<1x2x128xi32, #tpu.memory_space<hbm>> -> memref<2x128xi32, #tpu.memory_space<hbm>>
    %dma_start3A_190 = arith.constant 0 : i32
    %dma_start3A_191 = arith.constant 0 : i32
    %dma_start3A_192 = tpu.memref_slice %arg7[%dma_start3A_182, %dma_start3A_190, %dma_start3A_191] : memref<2x2x128xi32, #tpu.memory_space<vmem>> -> memref<1x2x128xi32, #tpu.memory_space<vmem>>
    %dma_start3A_193 = tpu.memref_squeeze %dma_start3A_192 : memref<1x2x128xi32, #tpu.memory_space<vmem>> -> memref<2x128xi32, #tpu.memory_space<vmem>>
    %dma_start3A_194 = arith.constant 0 : i32
    %dma_start3A_195 = tpu.memref_slice %arg3[%dma_start3A_181, %add3A_180, %dma_start3A_194] : memref<2x2529x128xi32, #tpu.memory_space<hbm>> -> memref<1x2x128xi32, #tpu.memory_space<hbm>>
    %dma_start3A_196 = tpu.memref_squeeze %dma_start3A_195 : memref<1x2x128xi32, #tpu.memory_space<hbm>> -> memref<2x128xi32, #tpu.memory_space<hbm>>
    tpu.enqueue_dma source(%dma_start3A_196 : memref<2x128xi32, #tpu.memory_space<hbm>>) target(%dma_start3A_193 : memref<2x128xi32, #tpu.memory_space<vmem>>) target_semaphore(%arg16 : memref<!tpu.dma_semaphore, #tpu.memory_space<semaphore_mem>>)
    %dma_wait3A_197 = arith.constant 0 : i32
    %dma_wait3A_198 = arith.constant 0 : i32
    %dma_wait3A_199 = arith.constant 0 : i32
    %dma_wait3A_200 = tpu.memref_slice %arg6[%dma_wait3A_197, %dma_wait3A_198, %dma_wait3A_199] : memref<2x2x128xi32, #tpu.memory_space<vmem>> -> memref<1x1x128xi32, #tpu.memory_space<vmem>>
    %dma_wait3A_201 = tpu.memref_squeeze %dma_wait3A_200 : memref<1x1x128xi32, #tpu.memory_space<vmem>> -> memref<128xi32, #tpu.memory_space<vmem>>
    %dma_wait3A_202 = arith.constant 0 : i32
    %dma_wait3A_203 = arith.constant 0 : i32
    %dma_wait3A_204 = tpu.memref_slice %arg2[%dma_wait3A_202, %dma_wait3A_203] : memref<10000x144xf32, #tpu.memory_space<hbm>> -> memref<10000x144xf32, #tpu.memory_space<hbm>>
    tpu.wait_indirect_dma semaphore(%arg11 : memref<!tpu.dma_semaphore, #tpu.memory_space<semaphore_mem>>) src(%dma_wait3A_204 : memref<10000x144xf32, #tpu.memory_space<hbm>>) dst(%arg8 : memref<128x144xf32, #tpu.memory_space<vmem>>)
    %dma_start3A_205 = arith.constant 0 : i32
    %dma_start3A_206 = arith.constant 1 : i32
    %dma_start3A_207 = arith.constant 0 : i32
    %dma_start3A_208 = tpu.memref_slice %arg6[%dma_start3A_205, %dma_start3A_206, %dma_start3A_207] : memref<2x2x128xi32, #tpu.memory_space<vmem>> -> memref<1x1x128xi32, #tpu.memory_space<vmem>>
    %dma_start3A_209 = tpu.memref_squeeze %dma_start3A_208 : memref<1x1x128xi32, #tpu.memory_space<vmem>> -> memref<128xi32, #tpu.memory_space<vmem>>
    %dma_start3A_210 = arith.constant 0 : i32
    %dma_start3A_211 = arith.constant 0 : i32
    %dma_start3A_212 = tpu.memref_slice %arg2[%dma_start3A_210, %dma_start3A_211] : memref<10000x144xf32, #tpu.memory_space<hbm>> -> memref<10000x144xf32, #tpu.memory_space<hbm>>
    tpu.enqueue_indirect_dma source(%dma_start3A_212 : memref<10000x144xf32, #tpu.memory_space<hbm>>) target(%arg9 : memref<128x144xf32, #tpu.memory_space<vmem>>) offsets(%dma_start3A_209 : memref<128xi32, #tpu.memory_space<vmem>>) semaphore(%arg12 : memref<!tpu.dma_semaphore, #tpu.memory_space<semaphore_mem>>)
    %dma_start3A_213 = arith.constant 0 : i32
    %dma_start3A_214 = arith.constant 0 : i32
    %dma_start3A_215 = arith.constant 0 : i32
    %dma_start3A_216 = tpu.memref_slice %arg7[%dma_start3A_213, %dma_start3A_214, %dma_start3A_215] : memref<2x2x128xi32, #tpu.memory_space<vmem>> -> memref<1x1x128xi32, #tpu.memory_space<vmem>>
    %dma_start3A_217 = tpu.memref_squeeze %dma_start3A_216 : memref<1x1x128xi32, #tpu.memory_space<vmem>> -> memref<128xi32, #tpu.memory_space<vmem>>
    %dma_start3A_218 = arith.constant 0 : i32
    %dma_start3A_219 = arith.constant 0 : i32
    %dma_start3A_220 = tpu.memref_slice %arg10[%dma_start3A_218, %dma_start3A_219] : memref<10240x144xf32, #tpu.memory_space<vmem_shared>> -> memref<10240x144xf32, #tpu.memory_space<vmem_shared>>
    tpu.enqueue_indirect_dma source(%arg8 : memref<128x144xf32, #tpu.memory_space<vmem>>) target(%dma_start3A_220 : memref<10240x144xf32, #tpu.memory_space<vmem_shared>>) offsets(%dma_start3A_217 : memref<128xi32, #tpu.memory_space<vmem>>) semaphore(%arg13 : memref<!tpu.dma_semaphore, #tpu.memory_space<semaphore_mem>>) {add = true}
    %dma_wait3A_221 = arith.constant 0 : i32
    %dma_wait3A_222 = arith.constant 0 : i32
    %dma_wait3A_223 = arith.constant 0 : i32
    %dma_wait3A_224 = tpu.memref_slice %arg7[%dma_wait3A_221, %dma_wait3A_222, %dma_wait3A_223] : memref<2x2x128xi32, #tpu.memory_space<vmem>> -> memref<1x1x128xi32, #tpu.memory_space<vmem>>
    %dma_wait3A_225 = tpu.memref_squeeze %dma_wait3A_224 : memref<1x1x128xi32, #tpu.memory_space<vmem>> -> memref<128xi32, #tpu.memory_space<vmem>>
    %dma_wait3A_226 = arith.constant 0 : i32
    %dma_wait3A_227 = arith.constant 0 : i32
    %dma_wait3A_228 = tpu.memref_slice %arg10[%dma_wait3A_226, %dma_wait3A_227] : memref<10240x144xf32, #tpu.memory_space<vmem_shared>> -> memref<10240x144xf32, #tpu.memory_space<vmem_shared>>
    tpu.wait_indirect_dma semaphore(%arg13 : memref<!tpu.dma_semaphore, #tpu.memory_space<semaphore_mem>>) src(%arg8 : memref<128x144xf32, #tpu.memory_space<vmem>>) dst(%dma_wait3A_228 : memref<10240x144xf32, #tpu.memory_space<vmem_shared>>)
    %dma_wait3A_229 = arith.constant 0 : i32
    %dma_wait3A_230 = arith.constant 1 : i32
    %dma_wait3A_231 = arith.constant 0 : i32
    %dma_wait3A_232 = tpu.memref_slice %arg6[%dma_wait3A_229, %dma_wait3A_230, %dma_wait3A_231] : memref<2x2x128xi32, #tpu.memory_space<vmem>> -> memref<1x1x128xi32, #tpu.memory_space<vmem>>
    %dma_wait3A_233 = tpu.memref_squeeze %dma_wait3A_232 : memref<1x1x128xi32, #tpu.memory_space<vmem>> -> memref<128xi32, #tpu.memory_space<vmem>>
    %dma_wait3A_234 = arith.constant 0 : i32
    %dma_wait3A_235 = arith.constant 0 : i32
    %dma_wait3A_236 = tpu.memref_slice %arg2[%dma_wait3A_234, %dma_wait3A_235] : memref<10000x144xf32, #tpu.memory_space<hbm>> -> memref<10000x144xf32, #tpu.memory_space<hbm>>
    tpu.wait_indirect_dma semaphore(%arg12 : memref<!tpu.dma_semaphore, #tpu.memory_space<semaphore_mem>>) src(%dma_wait3A_236 : memref<10000x144xf32, #tpu.memory_space<hbm>>) dst(%arg9 : memref<128x144xf32, #tpu.memory_space<vmem>>)
    %add3A_237 = arith.constant 2 : i32
    %add3A_238 = arith.addi %mul3A_80, %add3A_237 : i32
    %dma_wait3A_239 = arith.constant 0 : i32
    %dma_wait3A_240 = arith.constant 1 : i32
    %dma_wait3A_241 = arith.constant 0 : i32
    %dma_wait3A_242 = arith.constant 0 : i32
    %dma_wait3A_243 = tpu.memref_slice %arg6[%dma_wait3A_240, %dma_wait3A_241, %dma_wait3A_242] : memref<2x2x128xi32, #tpu.memory_space<vmem>> -> memref<1x2x128xi32, #tpu.memory_space<vmem>>
    %dma_wait3A_244 = tpu.memref_squeeze %dma_wait3A_243 : memref<1x2x128xi32, #tpu.memory_space<vmem>> -> memref<2x128xi32, #tpu.memory_space<vmem>>
    %dma_wait3A_245 = arith.constant 0 : i32
    %dma_wait3A_246 = tpu.memref_slice %arg3[%dma_wait3A_239, %add3A_238, %dma_wait3A_245] : memref<2x2529x128xi32, #tpu.memory_space<hbm>> -> memref<1x2x128xi32, #tpu.memory_space<hbm>>
    %dma_wait3A_247 = tpu.memref_squeeze %dma_wait3A_246 : memref<1x2x128xi32, #tpu.memory_space<hbm>> -> memref<2x128xi32, #tpu.memory_space<hbm>>
    %dma_wait3A_248 = arith.constant 0 : i32
    %dma_wait3A_249 = arith.constant 0 : i32
    %dma_wait3A_250 = tpu.memref_slice %arg6[%dma_wait3A_240, %dma_wait3A_248, %dma_wait3A_249] : memref<2x2x128xi32, #tpu.memory_space<vmem>> -> memref<1x2x128xi32, #tpu.memory_space<vmem>>
    %dma_wait3A_251 = tpu.memref_squeeze %dma_wait3A_250 : memref<1x2x128xi32, #tpu.memory_space<vmem>> -> memref<2x128xi32, #tpu.memory_space<vmem>>
    %dma_wait3A_252 = arith.constant 0 : i32
    %dma_wait3A_253 = tpu.memref_slice %arg3[%dma_wait3A_239, %add3A_238, %dma_wait3A_252] : memref<2x2529x128xi32, #tpu.memory_space<hbm>> -> memref<1x2x128xi32, #tpu.memory_space<hbm>>
    %dma_wait3A_254 = tpu.memref_squeeze %dma_wait3A_253 : memref<1x2x128xi32, #tpu.memory_space<hbm>> -> memref<2x128xi32, #tpu.memory_space<hbm>>
    tpu.wait_dma2 semaphore(%arg16 : memref<!tpu.dma_semaphore, #tpu.memory_space<semaphore_mem>>) src(%dma_wait3A_254 : memref<2x128xi32, #tpu.memory_space<hbm>>) dst(%dma_wait3A_251 : memref<2x128xi32, #tpu.memory_space<vmem>>)
    %add3A_255 = arith.constant 2 : i32
    %add3A_256 = arith.addi %mul3A_80, %add3A_255 : i32
    %dma_wait3A_257 = arith.constant 1 : i32
    %dma_wait3A_258 = arith.constant 1 : i32
    %dma_wait3A_259 = arith.constant 0 : i32
    %dma_wait3A_260 = arith.constant 0 : i32
    %dma_wait3A_261 = tpu.memref_slice %arg7[%dma_wait3A_258, %dma_wait3A_259, %dma_wait3A_260] : memref<2x2x128xi32, #tpu.memory_space<vmem>> -> memref<1x2x128xi32, #tpu.memory_space<vmem>>
    %dma_wait3A_262 = tpu.memref_squeeze %dma_wait3A_261 : memref<1x2x128xi32, #tpu.memory_space<vmem>> -> memref<2x128xi32, #tpu.memory_space<vmem>>
    %dma_wait3A_263 = arith.constant 0 : i32
    %dma_wait3A_264 = tpu.memref_slice %arg3[%dma_wait3A_257, %add3A_256, %dma_wait3A_263] : memref<2x2529x128xi32, #tpu.memory_space<hbm>> -> memref<1x2x128xi32, #tpu.memory_space<hbm>>
    %dma_wait3A_265 = tpu.memref_squeeze %dma_wait3A_264 : memref<1x2x128xi32, #tpu.memory_space<hbm>> -> memref<2x128xi32, #tpu.memory_space<hbm>>
    %dma_wait3A_266 = arith.constant 0 : i32
    %dma_wait3A_267 = arith.constant 0 : i32
    %dma_wait3A_268 = tpu.memref_slice %arg7[%dma_wait3A_258, %dma_wait3A_266, %dma_wait3A_267] : memref<2x2x128xi32, #tpu.memory_space<vmem>> -> memref<1x2x128xi32, #tpu.memory_space<vmem>>
    %dma_wait3A_269 = tpu.memref_squeeze %dma_wait3A_268 : memref<1x2x128xi32, #tpu.memory_space<vmem>> -> memref<2x128xi32, #tpu.memory_space<vmem>>
    %dma_wait3A_270 = arith.constant 0 : i32
    %dma_wait3A_271 = tpu.memref_slice %arg3[%dma_wait3A_257, %add3A_256, %dma_wait3A_270] : memref<2x2529x128xi32, #tpu.memory_space<hbm>> -> memref<1x2x128xi32, #tpu.memory_space<hbm>>
    %dma_wait3A_272 = tpu.memref_squeeze %dma_wait3A_271 : memref<1x2x128xi32, #tpu.memory_space<hbm>> -> memref<2x128xi32, #tpu.memory_space<hbm>>
    tpu.wait_dma2 semaphore(%arg16 : memref<!tpu.dma_semaphore, #tpu.memory_space<semaphore_mem>>) src(%dma_wait3A_272 : memref<2x128xi32, #tpu.memory_space<hbm>>) dst(%dma_wait3A_269 : memref<2x128xi32, #tpu.memory_space<vmem>>)
    %dma_start3A_273 = arith.constant 1 : i32
    %dma_start3A_274 = arith.constant 0 : i32
    %dma_start3A_275 = arith.constant 0 : i32
    %dma_start3A_276 = tpu.memref_slice %arg6[%dma_start3A_273, %dma_start3A_274, %dma_start3A_275] : memref<2x2x128xi32, #tpu.memory_space<vmem>> -> memref<1x1x128xi32, #tpu.memory_space<vmem>>
    %dma_start3A_277 = tpu.memref_squeeze %dma_start3A_276 : memref<1x1x128xi32, #tpu.memory_space<vmem>> -> memref<128xi32, #tpu.memory_space<vmem>>
    %dma_start3A_278 = arith.constant 0 : i32
    %dma_start3A_279 = arith.constant 0 : i32
    %dma_start3A_280 = tpu.memref_slice %arg2[%dma_start3A_278, %dma_start3A_279] : memref<10000x144xf32, #tpu.memory_space<hbm>> -> memref<10000x144xf32, #tpu.memory_space<hbm>>
    tpu.enqueue_indirect_dma source(%dma_start3A_280 : memref<10000x144xf32, #tpu.memory_space<hbm>>) target(%arg8 : memref<128x144xf32, #tpu.memory_space<vmem>>) offsets(%dma_start3A_277 : memref<128xi32, #tpu.memory_space<vmem>>) semaphore(%arg11 : memref<!tpu.dma_semaphore, #tpu.memory_space<semaphore_mem>>)
    %dma_start3A_281 = arith.constant 0 : i32
    %dma_start3A_282 = arith.constant 1 : i32
    %dma_start3A_283 = arith.constant 0 : i32
    %dma_start3A_284 = tpu.memref_slice %arg7[%dma_start3A_281, %dma_start3A_282, %dma_start3A_283] : memref<2x2x128xi32, #tpu.memory_space<vmem>> -> memref<1x1x128xi32, #tpu.memory_space<vmem>>
    %dma_start3A_285 = tpu.memref_squeeze %dma_start3A_284 : memref<1x1x128xi32, #tpu.memory_space<vmem>> -> memref<128xi32, #tpu.memory_space<vmem>>
    %dma_start3A_286 = arith.constant 0 : i32
    %dma_start3A_287 = arith.constant 0 : i32
    %dma_start3A_288 = tpu.memref_slice %arg10[%dma_start3A_286, %dma_start3A_287] : memref<10240x144xf32, #tpu.memory_space<vmem_shared>> -> memref<10240x144xf32, #tpu.memory_space<vmem_shared>>
    tpu.enqueue_indirect_dma source(%arg9 : memref<128x144xf32, #tpu.memory_space<vmem>>) target(%dma_start3A_288 : memref<10240x144xf32, #tpu.memory_space<vmem_shared>>) offsets(%dma_start3A_285 : memref<128xi32, #tpu.memory_space<vmem>>) semaphore(%arg14 : memref<!tpu.dma_semaphore, #tpu.memory_space<semaphore_mem>>) {add = true}
    %scan3A = arith.constant 0 : i32
    %scan3A_289 = arith.constant 19 : i32
    %scan3A_290 = arith.addi %scan3A, %scan3A_289 : i32
    %scan3A_291 = arith.constant 1 : i32
    scf.for %scan3A_446 = %scan3A to %scan3A_290 step %scan3A_291  : i32 {
      %mul3A_447 = arith.constant 4 : i32
      %mul3A_448 = arith.muli %scan3A_446, %mul3A_447 : i32
      %add3A_449 = arith.constant 2 : i32
      %add3A_450 = arith.addi %add3A_449, %mul3A_448 : i32
      %add3A_451 = arith.constant 0 : i32
      %add3A_452 = arith.addi %add3A_450, %add3A_451 : i32
      %dma_wait3A_453 = arith.constant 0 : i32
      %dma_wait3A_454 = arith.constant 1 : i32
      %dma_wait3A_455 = arith.constant 0 : i32
      %dma_wait3A_456 = tpu.memref_slice %arg7[%dma_wait3A_453, %dma_wait3A_454, %dma_wait3A_455] : memref<2x2x128xi32, #tpu.memory_space<vmem>> -> memref<1x1x128xi32, #tpu.memory_space<vmem>>
      %dma_wait3A_457 = tpu.memref_squeeze %dma_wait3A_456 : memref<1x1x128xi32, #tpu.memory_space<vmem>> -> memref<128xi32, #tpu.memory_space<vmem>>
      %dma_wait3A_458 = arith.constant 0 : i32
      %dma_wait3A_459 = arith.constant 0 : i32
      %dma_wait3A_460 = tpu.memref_slice %arg10[%dma_wait3A_458, %dma_wait3A_459] : memref<10240x144xf32, #tpu.memory_space<vmem_shared>> -> memref<10240x144xf32, #tpu.memory_space<vmem_shared>>
      tpu.wait_indirect_dma semaphore(%arg14 : memref<!tpu.dma_semaphore, #tpu.memory_space<semaphore_mem>>) src(%arg9 : memref<128x144xf32, #tpu.memory_space<vmem>>) dst(%dma_wait3A_460 : memref<10240x144xf32, #tpu.memory_space<vmem_shared>>)
      %add3A_461 = arith.constant 2 : i32
      %add3A_462 = arith.addi %add3A_452, %add3A_461 : i32
      %add3A_463 = arith.addi %mul3A_80, %add3A_462 : i32
      %dma_start3A_464 = arith.constant 0 : i32
      %dma_start3A_465 = arith.constant 0 : i32
      %dma_start3A_466 = arith.constant 0 : i32
      %dma_start3A_467 = arith.constant 0 : i32
      %dma_start3A_468 = tpu.memref_slice %arg6[%dma_start3A_465, %dma_start3A_466, %dma_start3A_467] : memref<2x2x128xi32, #tpu.memory_space<vmem>> -> memref<1x2x128xi32, #tpu.memory_space<vmem>>
      %dma_start3A_469 = tpu.memref_squeeze %dma_start3A_468 : memref<1x2x128xi32, #tpu.memory_space<vmem>> -> memref<2x128xi32, #tpu.memory_space<vmem>>
      %dma_start3A_470 = arith.constant 0 : i32
      %dma_start3A_471 = tpu.memref_slice %arg3[%dma_start3A_464, %add3A_463, %dma_start3A_470] : memref<2x2529x128xi32, #tpu.memory_space<hbm>> -> memref<1x2x128xi32, #tpu.memory_space<hbm>>
      %dma_start3A_472 = tpu.memref_squeeze %dma_start3A_471 : memref<1x2x128xi32, #tpu.memory_space<hbm>> -> memref<2x128xi32, #tpu.memory_space<hbm>>
      %dma_start3A_473 = arith.constant 0 : i32
      %dma_start3A_474 = arith.constant 0 : i32
      %dma_start3A_475 = tpu.memref_slice %arg6[%dma_start3A_465, %dma_start3A_473, %dma_start3A_474] : memref<2x2x128xi32, #tpu.memory_space<vmem>> -> memref<1x2x128xi32, #tpu.memory_space<vmem>>
      %dma_start3A_476 = tpu.memref_squeeze %dma_start3A_475 : memref<1x2x128xi32, #tpu.memory_space<vmem>> -> memref<2x128xi32, #tpu.memory_space<vmem>>
      %dma_start3A_477 = arith.constant 0 : i32
      %dma_start3A_478 = tpu.memref_slice %arg3[%dma_start3A_464, %add3A_463, %dma_start3A_477] : memref<2x2529x128xi32, #tpu.memory_space<hbm>> -> memref<1x2x128xi32, #tpu.memory_space<hbm>>
      %dma_start3A_479 = tpu.memref_squeeze %dma_start3A_478 : memref<1x2x128xi32, #tpu.memory_space<hbm>> -> memref<2x128xi32, #tpu.memory_space<hbm>>
      tpu.enqueue_dma source(%dma_start3A_479 : memref<2x128xi32, #tpu.memory_space<hbm>>) target(%dma_start3A_476 : memref<2x128xi32, #tpu.memory_space<vmem>>) target_semaphore(%arg15 : memref<!tpu.dma_semaphore, #tpu.memory_space<semaphore_mem>>)
      %add3A_480 = arith.addi %mul3A_80, %add3A_462 : i32
      %dma_start3A_481 = arith.constant 1 : i32
      %dma_start3A_482 = arith.constant 0 : i32
      %dma_start3A_483 = arith.constant 0 : i32
      %dma_start3A_484 = arith.constant 0 : i32
      %dma_start3A_485 = tpu.memref_slice %arg7[%dma_start3A_482, %dma_start3A_483, %dma_start3A_484] : memref<2x2x128xi32, #tpu.memory_space<vmem>> -> memref<1x2x128xi32, #tpu.memory_space<vmem>>
      %dma_start3A_486 = tpu.memref_squeeze %dma_start3A_485 : memref<1x2x128xi32, #tpu.memory_space<vmem>> -> memref<2x128xi32, #tpu.memory_space<vmem>>
      %dma_start3A_487 = arith.constant 0 : i32
      %dma_start3A_488 = tpu.memref_slice %arg3[%dma_start3A_481, %add3A_480, %dma_start3A_487] : memref<2x2529x128xi32, #tpu.memory_space<hbm>> -> memref<1x2x128xi32, #tpu.memory_space<hbm>>
      %dma_start3A_489 = tpu.memref_squeeze %dma_start3A_488 : memref<1x2x128xi32, #tpu.memory_space<hbm>> -> memref<2x128xi32, #tpu.memory_space<hbm>>
      %dma_start3A_490 = arith.constant 0 : i32
      %dma_start3A_491 = arith.constant 0 : i32
      %dma_start3A_492 = tpu.memref_slice %arg7[%dma_start3A_482, %dma_start3A_490, %dma_start3A_491] : memref<2x2x128xi32, #tpu.memory_space<vmem>> -> memref<1x2x128xi32, #tpu.memory_space<vmem>>
      %dma_start3A_493 = tpu.memref_squeeze %dma_start3A_492 : memref<1x2x128xi32, #tpu.memory_space<vmem>> -> memref<2x128xi32, #tpu.memory_space<vmem>>
      %dma_start3A_494 = arith.constant 0 : i32
      %dma_start3A_495 = tpu.memref_slice %arg3[%dma_start3A_481, %add3A_480, %dma_start3A_494] : memref<2x2529x128xi32, #tpu.memory_space<hbm>> -> memref<1x2x128xi32, #tpu.memory_space<hbm>>
      %dma_start3A_496 = tpu.memref_squeeze %dma_start3A_495 : memref<1x2x128xi32, #tpu.memory_space<hbm>> -> memref<2x128xi32, #tpu.memory_space<hbm>>
      tpu.enqueue_dma source(%dma_start3A_496 : memref<2x128xi32, #tpu.memory_space<hbm>>) target(%dma_start3A_493 : memref<2x128xi32, #tpu.memory_space<vmem>>) target_semaphore(%arg15 : memref<!tpu.dma_semaphore, #tpu.memory_space<semaphore_mem>>)
      %dma_wait3A_497 = arith.constant 1 : i32
      %dma_wait3A_498 = arith.constant 0 : i32
      %dma_wait3A_499 = arith.constant 0 : i32
      %dma_wait3A_500 = tpu.memref_slice %arg6[%dma_wait3A_497, %dma_wait3A_498, %dma_wait3A_499] : memref<2x2x128xi32, #tpu.memory_space<vmem>> -> memref<1x1x128xi32, #tpu.memory_space<vmem>>
      %dma_wait3A_501 = tpu.memref_squeeze %dma_wait3A_500 : memref<1x1x128xi32, #tpu.memory_space<vmem>> -> memref<128xi32, #tpu.memory_space<vmem>>
      %dma_wait3A_502 = arith.constant 0 : i32
      %dma_wait3A_503 = arith.constant 0 : i32
      %dma_wait3A_504 = tpu.memref_slice %arg2[%dma_wait3A_502, %dma_wait3A_503] : memref<10000x144xf32, #tpu.memory_space<hbm>> -> memref<10000x144xf32, #tpu.memory_space<hbm>>
      tpu.wait_indirect_dma semaphore(%arg11 : memref<!tpu.dma_semaphore, #tpu.memory_space<semaphore_mem>>) src(%dma_wait3A_504 : memref<10000x144xf32, #tpu.memory_space<hbm>>) dst(%arg8 : memref<128x144xf32, #tpu.memory_space<vmem>>)
      %dma_start3A_505 = arith.constant 1 : i32
      %dma_start3A_506 = arith.constant 1 : i32
      %dma_start3A_507 = arith.constant 0 : i32
      %dma_start3A_508 = tpu.memref_slice %arg6[%dma_start3A_505, %dma_start3A_506, %dma_start3A_507] : memref<2x2x128xi32, #tpu.memory_space<vmem>> -> memref<1x1x128xi32, #tpu.memory_space<vmem>>
      %dma_start3A_509 = tpu.memref_squeeze %dma_start3A_508 : memref<1x1x128xi32, #tpu.memory_space<vmem>> -> memref<128xi32, #tpu.memory_space<vmem>>
      %dma_start3A_510 = arith.constant 0 : i32
      %dma_start3A_511 = arith.constant 0 : i32
      %dma_start3A_512 = tpu.memref_slice %arg2[%dma_start3A_510, %dma_start3A_511] : memref<10000x144xf32, #tpu.memory_space<hbm>> -> memref<10000x144xf32, #tpu.memory_space<hbm>>
      tpu.enqueue_indirect_dma source(%dma_start3A_512 : memref<10000x144xf32, #tpu.memory_space<hbm>>) target(%arg9 : memref<128x144xf32, #tpu.memory_space<vmem>>) offsets(%dma_start3A_509 : memref<128xi32, #tpu.memory_space<vmem>>) semaphore(%arg12 : memref<!tpu.dma_semaphore, #tpu.memory_space<semaphore_mem>>)
      %dma_start3A_513 = arith.constant 1 : i32
      %dma_start3A_514 = arith.constant 0 : i32
      %dma_start3A_515 = arith.constant 0 : i32
      %dma_start3A_516 = tpu.memref_slice %arg7[%dma_start3A_513, %dma_start3A_514, %dma_start3A_515] : memref<2x2x128xi32, #tpu.memory_space<vmem>> -> memref<1x1x128xi32, #tpu.memory_space<vmem>>
      %dma_start3A_517 = tpu.memref_squeeze %dma_start3A_516 : memref<1x1x128xi32, #tpu.memory_space<vmem>> -> memref<128xi32, #tpu.memory_space<vmem>>
      %dma_start3A_518 = arith.constant 0 : i32
      %dma_start3A_519 = arith.constant 0 : i32
      %dma_start3A_520 = tpu.memref_slice %arg10[%dma_start3A_518, %dma_start3A_519] : memref<10240x144xf32, #tpu.memory_space<vmem_shared>> -> memref<10240x144xf32, #tpu.memory_space<vmem_shared>>
      tpu.enqueue_indirect_dma source(%arg8 : memref<128x144xf32, #tpu.memory_space<vmem>>) target(%dma_start3A_520 : memref<10240x144xf32, #tpu.memory_space<vmem_shared>>) offsets(%dma_start3A_517 : memref<128xi32, #tpu.memory_space<vmem>>) semaphore(%arg13 : memref<!tpu.dma_semaphore, #tpu.memory_space<semaphore_mem>>) {add = true}
      %add3A_521 = arith.constant 1 : i32
      %add3A_522 = arith.addi %add3A_450, %add3A_521 : i32
      %dma_wait3A_523 = arith.constant 1 : i32
      %dma_wait3A_524 = arith.constant 0 : i32
      %dma_wait3A_525 = arith.constant 0 : i32
      %dma_wait3A_526 = tpu.memref_slice %arg7[%dma_wait3A_523, %dma_wait3A_524, %dma_wait3A_525] : memref<2x2x128xi32, #tpu.memory_space<vmem>> -> memref<1x1x128xi32, #tpu.memory_space<vmem>>
      %dma_wait3A_527 = tpu.memref_squeeze %dma_wait3A_526 : memref<1x1x128xi32, #tpu.memory_space<vmem>> -> memref<128xi32, #tpu.memory_space<vmem>>
      %dma_wait3A_528 = arith.constant 0 : i32
      %dma_wait3A_529 = arith.constant 0 : i32
      %dma_wait3A_530 = tpu.memref_slice %arg10[%dma_wait3A_528, %dma_wait3A_529] : memref<10240x144xf32, #tpu.memory_space<vmem_shared>> -> memref<10240x144xf32, #tpu.memory_space<vmem_shared>>
      tpu.wait_indirect_dma semaphore(%arg13 : memref<!tpu.dma_semaphore, #tpu.memory_space<semaphore_mem>>) src(%arg8 : memref<128x144xf32, #tpu.memory_space<vmem>>) dst(%dma_wait3A_530 : memref<10240x144xf32, #tpu.memory_space<vmem_shared>>)
      %dma_wait3A_531 = arith.constant 1 : i32
      %dma_wait3A_532 = arith.constant 1 : i32
      %dma_wait3A_533 = arith.constant 0 : i32
      %dma_wait3A_534 = tpu.memref_slice %arg6[%dma_wait3A_531, %dma_wait3A_532, %dma_wait3A_533] : memref<2x2x128xi32, #tpu.memory_space<vmem>> -> memref<1x1x128xi32, #tpu.memory_space<vmem>>
      %dma_wait3A_535 = tpu.memref_squeeze %dma_wait3A_534 : memref<1x1x128xi32, #tpu.memory_space<vmem>> -> memref<128xi32, #tpu.memory_space<vmem>>
      %dma_wait3A_536 = arith.constant 0 : i32
      %dma_wait3A_537 = arith.constant 0 : i32
      %dma_wait3A_538 = tpu.memref_slice %arg2[%dma_wait3A_536, %dma_wait3A_537] : memref<10000x144xf32, #tpu.memory_space<hbm>> -> memref<10000x144xf32, #tpu.memory_space<hbm>>
      tpu.wait_indirect_dma semaphore(%arg12 : memref<!tpu.dma_semaphore, #tpu.memory_space<semaphore_mem>>) src(%dma_wait3A_538 : memref<10000x144xf32, #tpu.memory_space<hbm>>) dst(%arg9 : memref<128x144xf32, #tpu.memory_space<vmem>>)
      %add3A_539 = arith.constant 1 : i32
      %add3A_540 = arith.addi %add3A_522, %add3A_539 : i32
      %add3A_541 = arith.addi %mul3A_80, %add3A_540 : i32
      %dma_wait3A_542 = arith.constant 0 : i32
      %dma_wait3A_543 = arith.constant 0 : i32
      %dma_wait3A_544 = arith.constant 0 : i32
      %dma_wait3A_545 = arith.constant 0 : i32
      %dma_wait3A_546 = tpu.memref_slice %arg6[%dma_wait3A_543, %dma_wait3A_544, %dma_wait3A_545] : memref<2x2x128xi32, #tpu.memory_space<vmem>> -> memref<1x2x128xi32, #tpu.memory_space<vmem>>
      %dma_wait3A_547 = tpu.memref_squeeze %dma_wait3A_546 : memref<1x2x128xi32, #tpu.memory_space<vmem>> -> memref<2x128xi32, #tpu.memory_space<vmem>>
      %dma_wait3A_548 = arith.constant 0 : i32
      %dma_wait3A_549 = tpu.memref_slice %arg3[%dma_wait3A_542, %add3A_541, %dma_wait3A_548] : memref<2x2529x128xi32, #tpu.memory_space<hbm>> -> memref<1x2x128xi32, #tpu.memory_space<hbm>>
      %dma_wait3A_550 = tpu.memref_squeeze %dma_wait3A_549 : memref<1x2x128xi32, #tpu.memory_space<hbm>> -> memref<2x128xi32, #tpu.memory_space<hbm>>
      %dma_wait3A_551 = arith.constant 0 : i32
      %dma_wait3A_552 = arith.constant 0 : i32
      %dma_wait3A_553 = tpu.memref_slice %arg6[%dma_wait3A_543, %dma_wait3A_551, %dma_wait3A_552] : memref<2x2x128xi32, #tpu.memory_space<vmem>> -> memref<1x2x128xi32, #tpu.memory_space<vmem>>
      %dma_wait3A_554 = tpu.memref_squeeze %dma_wait3A_553 : memref<1x2x128xi32, #tpu.memory_space<vmem>> -> memref<2x128xi32, #tpu.memory_space<vmem>>
      %dma_wait3A_555 = arith.constant 0 : i32
      %dma_wait3A_556 = tpu.memref_slice %arg3[%dma_wait3A_542, %add3A_541, %dma_wait3A_555] : memref<2x2529x128xi32, #tpu.memory_space<hbm>> -> memref<1x2x128xi32, #tpu.memory_space<hbm>>
      %dma_wait3A_557 = tpu.memref_squeeze %dma_wait3A_556 : memref<1x2x128xi32, #tpu.memory_space<hbm>> -> memref<2x128xi32, #tpu.memory_space<hbm>>
      tpu.wait_dma2 semaphore(%arg15 : memref<!tpu.dma_semaphore, #tpu.memory_space<semaphore_mem>>) src(%dma_wait3A_557 : memref<2x128xi32, #tpu.memory_space<hbm>>) dst(%dma_wait3A_554 : memref<2x128xi32, #tpu.memory_space<vmem>>)
      %add3A_558 = arith.addi %mul3A_80, %add3A_540 : i32
      %dma_wait3A_559 = arith.constant 1 : i32
      %dma_wait3A_560 = arith.constant 0 : i32
      %dma_wait3A_561 = arith.constant 0 : i32
      %dma_wait3A_562 = arith.constant 0 : i32
      %dma_wait3A_563 = tpu.memref_slice %arg7[%dma_wait3A_560, %dma_wait3A_561, %dma_wait3A_562] : memref<2x2x128xi32, #tpu.memory_space<vmem>> -> memref<1x2x128xi32, #tpu.memory_space<vmem>>
      %dma_wait3A_564 = tpu.memref_squeeze %dma_wait3A_563 : memref<1x2x128xi32, #tpu.memory_space<vmem>> -> memref<2x128xi32, #tpu.memory_space<vmem>>
      %dma_wait3A_565 = arith.constant 0 : i32
      %dma_wait3A_566 = tpu.memref_slice %arg3[%dma_wait3A_559, %add3A_558, %dma_wait3A_565] : memref<2x2529x128xi32, #tpu.memory_space<hbm>> -> memref<1x2x128xi32, #tpu.memory_space<hbm>>
      %dma_wait3A_567 = tpu.memref_squeeze %dma_wait3A_566 : memref<1x2x128xi32, #tpu.memory_space<hbm>> -> memref<2x128xi32, #tpu.memory_space<hbm>>
      %dma_wait3A_568 = arith.constant 0 : i32
      %dma_wait3A_569 = arith.constant 0 : i32
      %dma_wait3A_570 = tpu.memref_slice %arg7[%dma_wait3A_560, %dma_wait3A_568, %dma_wait3A_569] : memref<2x2x128xi32, #tpu.memory_space<vmem>> -> memref<1x2x128xi32, #tpu.memory_space<vmem>>
      %dma_wait3A_571 = tpu.memref_squeeze %dma_wait3A_570 : memref<1x2x128xi32, #tpu.memory_space<vmem>> -> memref<2x128xi32, #tpu.memory_space<vmem>>
      %dma_wait3A_572 = arith.constant 0 : i32
      %dma_wait3A_573 = tpu.memref_slice %arg3[%dma_wait3A_559, %add3A_558, %dma_wait3A_572] : memref<2x2529x128xi32, #tpu.memory_space<hbm>> -> memref<1x2x128xi32, #tpu.memory_space<hbm>>
      %dma_wait3A_574 = tpu.memref_squeeze %dma_wait3A_573 : memref<1x2x128xi32, #tpu.memory_space<hbm>> -> memref<2x128xi32, #tpu.memory_space<hbm>>
      tpu.wait_dma2 semaphore(%arg15 : memref<!tpu.dma_semaphore, #tpu.memory_space<semaphore_mem>>) src(%dma_wait3A_574 : memref<2x128xi32, #tpu.memory_space<hbm>>) dst(%dma_wait3A_571 : memref<2x128xi32, #tpu.memory_space<vmem>>)
      %dma_start3A_575 = arith.constant 0 : i32
      %dma_start3A_576 = arith.constant 0 : i32
      %dma_start3A_577 = arith.constant 0 : i32
      %dma_start3A_578 = tpu.memref_slice %arg6[%dma_start3A_575, %dma_start3A_576, %dma_start3A_577] : memref<2x2x128xi32, #tpu.memory_space<vmem>> -> memref<1x1x128xi32, #tpu.memory_space<vmem>>
      %dma_start3A_579 = tpu.memref_squeeze %dma_start3A_578 : memref<1x1x128xi32, #tpu.memory_space<vmem>> -> memref<128xi32, #tpu.memory_space<vmem>>
      %dma_start3A_580 = arith.constant 0 : i32
      %dma_start3A_581 = arith.constant 0 : i32
      %dma_start3A_582 = tpu.memref_slice %arg2[%dma_start3A_580, %dma_start3A_581] : memref<10000x144xf32, #tpu.memory_space<hbm>> -> memref<10000x144xf32, #tpu.memory_space<hbm>>
      tpu.enqueue_indirect_dma source(%dma_start3A_582 : memref<10000x144xf32, #tpu.memory_space<hbm>>) target(%arg8 : memref<128x144xf32, #tpu.memory_space<vmem>>) offsets(%dma_start3A_579 : memref<128xi32, #tpu.memory_space<vmem>>) semaphore(%arg11 : memref<!tpu.dma_semaphore, #tpu.memory_space<semaphore_mem>>)
      %dma_start3A_583 = arith.constant 1 : i32
      %dma_start3A_584 = arith.constant 1 : i32
      %dma_start3A_585 = arith.constant 0 : i32
      %dma_start3A_586 = tpu.memref_slice %arg7[%dma_start3A_583, %dma_start3A_584, %dma_start3A_585] : memref<2x2x128xi32, #tpu.memory_space<vmem>> -> memref<1x1x128xi32, #tpu.memory_space<vmem>>
      %dma_start3A_587 = tpu.memref_squeeze %dma_start3A_586 : memref<1x1x128xi32, #tpu.memory_space<vmem>> -> memref<128xi32, #tpu.memory_space<vmem>>
      %dma_start3A_588 = arith.constant 0 : i32
      %dma_start3A_589 = arith.constant 0 : i32
      %dma_start3A_590 = tpu.memref_slice %arg10[%dma_start3A_588, %dma_start3A_589] : memref<10240x144xf32, #tpu.memory_space<vmem_shared>> -> memref<10240x144xf32, #tpu.memory_space<vmem_shared>>
      tpu.enqueue_indirect_dma source(%arg9 : memref<128x144xf32, #tpu.memory_space<vmem>>) target(%dma_start3A_590 : memref<10240x144xf32, #tpu.memory_space<vmem_shared>>) offsets(%dma_start3A_587 : memref<128xi32, #tpu.memory_space<vmem>>) semaphore(%arg14 : memref<!tpu.dma_semaphore, #tpu.memory_space<semaphore_mem>>) {add = true}
      %add3A_591 = arith.constant 2 : i32
      %add3A_592 = arith.addi %add3A_450, %add3A_591 : i32
      %dma_wait3A_593 = arith.constant 1 : i32
      %dma_wait3A_594 = arith.constant 1 : i32
      %dma_wait3A_595 = arith.constant 0 : i32
      %dma_wait3A_596 = tpu.memref_slice %arg7[%dma_wait3A_593, %dma_wait3A_594, %dma_wait3A_595] : memref<2x2x128xi32, #tpu.memory_space<vmem>> -> memref<1x1x128xi32, #tpu.memory_space<vmem>>
      %dma_wait3A_597 = tpu.memref_squeeze %dma_wait3A_596 : memref<1x1x128xi32, #tpu.memory_space<vmem>> -> memref<128xi32, #tpu.memory_space<vmem>>
      %dma_wait3A_598 = arith.constant 0 : i32
      %dma_wait3A_599 = arith.constant 0 : i32
      %dma_wait3A_600 = tpu.memref_slice %arg10[%dma_wait3A_598, %dma_wait3A_599] : memref<10240x144xf32, #tpu.memory_space<vmem_shared>> -> memref<10240x144xf32, #tpu.memory_space<vmem_shared>>
      tpu.wait_indirect_dma semaphore(%arg14 : memref<!tpu.dma_semaphore, #tpu.memory_space<semaphore_mem>>) src(%arg9 : memref<128x144xf32, #tpu.memory_space<vmem>>) dst(%dma_wait3A_600 : memref<10240x144xf32, #tpu.memory_space<vmem_shared>>)
      %add3A_601 = arith.constant 2 : i32
      %add3A_602 = arith.addi %add3A_592, %add3A_601 : i32
      %add3A_603 = arith.addi %mul3A_80, %add3A_602 : i32
      %dma_start3A_604 = arith.constant 0 : i32
      %dma_start3A_605 = arith.constant 1 : i32
      %dma_start3A_606 = arith.constant 0 : i32
      %dma_start3A_607 = arith.constant 0 : i32
      %dma_start3A_608 = tpu.memref_slice %arg6[%dma_start3A_605, %dma_start3A_606, %dma_start3A_607] : memref<2x2x128xi32, #tpu.memory_space<vmem>> -> memref<1x2x128xi32, #tpu.memory_space<vmem>>
      %dma_start3A_609 = tpu.memref_squeeze %dma_start3A_608 : memref<1x2x128xi32, #tpu.memory_space<vmem>> -> memref<2x128xi32, #tpu.memory_space<vmem>>
      %dma_start3A_610 = arith.constant 0 : i32
      %dma_start3A_611 = tpu.memref_slice %arg3[%dma_start3A_604, %add3A_603, %dma_start3A_610] : memref<2x2529x128xi32, #tpu.memory_space<hbm>> -> memref<1x2x128xi32, #tpu.memory_space<hbm>>
      %dma_start3A_612 = tpu.memref_squeeze %dma_start3A_611 : memref<1x2x128xi32, #tpu.memory_space<hbm>> -> memref<2x128xi32, #tpu.memory_space<hbm>>
      %dma_start3A_613 = arith.constant 0 : i32
      %dma_start3A_614 = arith.constant 0 : i32
      %dma_start3A_615 = tpu.memref_slice %arg6[%dma_start3A_605, %dma_start3A_613, %dma_start3A_614] : memref<2x2x128xi32, #tpu.memory_space<vmem>> -> memref<1x2x128xi32, #tpu.memory_space<vmem>>
      %dma_start3A_616 = tpu.memref_squeeze %dma_start3A_615 : memref<1x2x128xi32, #tpu.memory_space<vmem>> -> memref<2x128xi32, #tpu.memory_space<vmem>>
      %dma_start3A_617 = arith.constant 0 : i32
      %dma_start3A_618 = tpu.memref_slice %arg3[%dma_start3A_604, %add3A_603, %dma_start3A_617] : memref<2x2529x128xi32, #tpu.memory_space<hbm>> -> memref<1x2x128xi32, #tpu.memory_space<hbm>>
      %dma_start3A_619 = tpu.memref_squeeze %dma_start3A_618 : memref<1x2x128xi32, #tpu.memory_space<hbm>> -> memref<2x128xi32, #tpu.memory_space<hbm>>
      tpu.enqueue_dma source(%dma_start3A_619 : memref<2x128xi32, #tpu.memory_space<hbm>>) target(%dma_start3A_616 : memref<2x128xi32, #tpu.memory_space<vmem>>) target_semaphore(%arg16 : memref<!tpu.dma_semaphore, #tpu.memory_space<semaphore_mem>>)
      %add3A_620 = arith.addi %mul3A_80, %add3A_602 : i32
      %dma_start3A_621 = arith.constant 1 : i32
      %dma_start3A_622 = arith.constant 1 : i32
      %dma_start3A_623 = arith.constant 0 : i32
      %dma_start3A_624 = arith.constant 0 : i32
      %dma_start3A_625 = tpu.memref_slice %arg7[%dma_start3A_622, %dma_start3A_623, %dma_start3A_624] : memref<2x2x128xi32, #tpu.memory_space<vmem>> -> memref<1x2x128xi32, #tpu.memory_space<vmem>>
      %dma_start3A_626 = tpu.memref_squeeze %dma_start3A_625 : memref<1x2x128xi32, #tpu.memory_space<vmem>> -> memref<2x128xi32, #tpu.memory_space<vmem>>
      %dma_start3A_627 = arith.constant 0 : i32
      %dma_start3A_628 = tpu.memref_slice %arg3[%dma_start3A_621, %add3A_620, %dma_start3A_627] : memref<2x2529x128xi32, #tpu.memory_space<hbm>> -> memref<1x2x128xi32, #tpu.memory_space<hbm>>
      %dma_start3A_629 = tpu.memref_squeeze %dma_start3A_628 : memref<1x2x128xi32, #tpu.memory_space<hbm>> -> memref<2x128xi32, #tpu.memory_space<hbm>>
      %dma_start3A_630 = arith.constant 0 : i32
      %dma_start3A_631 = arith.constant 0 : i32
      %dma_start3A_632 = tpu.memref_slice %arg7[%dma_start3A_622, %dma_start3A_630, %dma_start3A_631] : memref<2x2x128xi32, #tpu.memory_space<vmem>> -> memref<1x2x128xi32, #tpu.memory_space<vmem>>
      %dma_start3A_633 = tpu.memref_squeeze %dma_start3A_632 : memref<1x2x128xi32, #tpu.memory_space<vmem>> -> memref<2x128xi32, #tpu.memory_space<vmem>>
      %dma_start3A_634 = arith.constant 0 : i32
      %dma_start3A_635 = tpu.memref_slice %arg3[%dma_start3A_621, %add3A_620, %dma_start3A_634] : memref<2x2529x128xi32, #tpu.memory_space<hbm>> -> memref<1x2x128xi32, #tpu.memory_space<hbm>>
      %dma_start3A_636 = tpu.memref_squeeze %dma_start3A_635 : memref<1x2x128xi32, #tpu.memory_space<hbm>> -> memref<2x128xi32, #tpu.memory_space<hbm>>
      tpu.enqueue_dma source(%dma_start3A_636 : memref<2x128xi32, #tpu.memory_space<hbm>>) target(%dma_start3A_633 : memref<2x128xi32, #tpu.memory_space<vmem>>) target_semaphore(%arg16 : memref<!tpu.dma_semaphore, #tpu.memory_space<semaphore_mem>>)
      %dma_wait3A_637 = arith.constant 0 : i32
      %dma_wait3A_638 = arith.constant 0 : i32
      %dma_wait3A_639 = arith.constant 0 : i32
      %dma_wait3A_640 = tpu.memref_slice %arg6[%dma_wait3A_637, %dma_wait3A_638, %dma_wait3A_639] : memref<2x2x128xi32, #tpu.memory_space<vmem>> -> memref<1x1x128xi32, #tpu.memory_space<vmem>>
      %dma_wait3A_641 = tpu.memref_squeeze %dma_wait3A_640 : memref<1x1x128xi32, #tpu.memory_space<vmem>> -> memref<128xi32, #tpu.memory_space<vmem>>
      %dma_wait3A_642 = arith.constant 0 : i32
      %dma_wait3A_643 = arith.constant 0 : i32
      %dma_wait3A_644 = tpu.memref_slice %arg2[%dma_wait3A_642, %dma_wait3A_643] : memref<10000x144xf32, #tpu.memory_space<hbm>> -> memref<10000x144xf32, #tpu.memory_space<hbm>>
      tpu.wait_indirect_dma semaphore(%arg11 : memref<!tpu.dma_semaphore, #tpu.memory_space<semaphore_mem>>) src(%dma_wait3A_644 : memref<10000x144xf32, #tpu.memory_space<hbm>>) dst(%arg8 : memref<128x144xf32, #tpu.memory_space<vmem>>)
      %dma_start3A_645 = arith.constant 0 : i32
      %dma_start3A_646 = arith.constant 1 : i32
      %dma_start3A_647 = arith.constant 0 : i32
      %dma_start3A_648 = tpu.memref_slice %arg6[%dma_start3A_645, %dma_start3A_646, %dma_start3A_647] : memref<2x2x128xi32, #tpu.memory_space<vmem>> -> memref<1x1x128xi32, #tpu.memory_space<vmem>>
      %dma_start3A_649 = tpu.memref_squeeze %dma_start3A_648 : memref<1x1x128xi32, #tpu.memory_space<vmem>> -> memref<128xi32, #tpu.memory_space<vmem>>
      %dma_start3A_650 = arith.constant 0 : i32
      %dma_start3A_651 = arith.constant 0 : i32
      %dma_start3A_652 = tpu.memref_slice %arg2[%dma_start3A_650, %dma_start3A_651] : memref<10000x144xf32, #tpu.memory_space<hbm>> -> memref<10000x144xf32, #tpu.memory_space<hbm>>
      tpu.enqueue_indirect_dma source(%dma_start3A_652 : memref<10000x144xf32, #tpu.memory_space<hbm>>) target(%arg9 : memref<128x144xf32, #tpu.memory_space<vmem>>) offsets(%dma_start3A_649 : memref<128xi32, #tpu.memory_space<vmem>>) semaphore(%arg12 : memref<!tpu.dma_semaphore, #tpu.memory_space<semaphore_mem>>)
      %dma_start3A_653 = arith.constant 0 : i32
      %dma_start3A_654 = arith.constant 0 : i32
      %dma_start3A_655 = arith.constant 0 : i32
      %dma_start3A_656 = tpu.memref_slice %arg7[%dma_start3A_653, %dma_start3A_654, %dma_start3A_655] : memref<2x2x128xi32, #tpu.memory_space<vmem>> -> memref<1x1x128xi32, #tpu.memory_space<vmem>>
      %dma_start3A_657 = tpu.memref_squeeze %dma_start3A_656 : memref<1x1x128xi32, #tpu.memory_space<vmem>> -> memref<128xi32, #tpu.memory_space<vmem>>
      %dma_start3A_658 = arith.constant 0 : i32
      %dma_start3A_659 = arith.constant 0 : i32
      %dma_start3A_660 = tpu.memref_slice %arg10[%dma_start3A_658, %dma_start3A_659] : memref<10240x144xf32, #tpu.memory_space<vmem_shared>> -> memref<10240x144xf32, #tpu.memory_space<vmem_shared>>
      tpu.enqueue_indirect_dma source(%arg8 : memref<128x144xf32, #tpu.memory_space<vmem>>) target(%dma_start3A_660 : memref<10240x144xf32, #tpu.memory_space<vmem_shared>>) offsets(%dma_start3A_657 : memref<128xi32, #tpu.memory_space<vmem>>) semaphore(%arg13 : memref<!tpu.dma_semaphore, #tpu.memory_space<semaphore_mem>>) {add = true}
      %add3A_661 = arith.constant 3 : i32
      %add3A_662 = arith.addi %add3A_450, %add3A_661 : i32
      %dma_wait3A_663 = arith.constant 0 : i32
      %dma_wait3A_664 = arith.constant 0 : i32
      %dma_wait3A_665 = arith.constant 0 : i32
      %dma_wait3A_666 = tpu.memref_slice %arg7[%dma_wait3A_663, %dma_wait3A_664, %dma_wait3A_665] : memref<2x2x128xi32, #tpu.memory_space<vmem>> -> memref<1x1x128xi32, #tpu.memory_space<vmem>>
      %dma_wait3A_667 = tpu.memref_squeeze %dma_wait3A_666 : memref<1x1x128xi32, #tpu.memory_space<vmem>> -> memref<128xi32, #tpu.memory_space<vmem>>
      %dma_wait3A_668 = arith.constant 0 : i32
      %dma_wait3A_669 = arith.constant 0 : i32
      %dma_wait3A_670 = tpu.memref_slice %arg10[%dma_wait3A_668, %dma_wait3A_669] : memref<10240x144xf32, #tpu.memory_space<vmem_shared>> -> memref<10240x144xf32, #tpu.memory_space<vmem_shared>>
      tpu.wait_indirect_dma semaphore(%arg13 : memref<!tpu.dma_semaphore, #tpu.memory_space<semaphore_mem>>) src(%arg8 : memref<128x144xf32, #tpu.memory_space<vmem>>) dst(%dma_wait3A_670 : memref<10240x144xf32, #tpu.memory_space<vmem_shared>>)
      %dma_wait3A_671 = arith.constant 0 : i32
      %dma_wait3A_672 = arith.constant 1 : i32
      %dma_wait3A_673 = arith.constant 0 : i32
      %dma_wait3A_674 = tpu.memref_slice %arg6[%dma_wait3A_671, %dma_wait3A_672, %dma_wait3A_673] : memref<2x2x128xi32, #tpu.memory_space<vmem>> -> memref<1x1x128xi32, #tpu.memory_space<vmem>>
      %dma_wait3A_675 = tpu.memref_squeeze %dma_wait3A_674 : memref<1x1x128xi32, #tpu.memory_space<vmem>> -> memref<128xi32, #tpu.memory_space<vmem>>
      %dma_wait3A_676 = arith.constant 0 : i32
      %dma_wait3A_677 = arith.constant 0 : i32
      %dma_wait3A_678 = tpu.memref_slice %arg2[%dma_wait3A_676, %dma_wait3A_677] : memref<10000x144xf32, #tpu.memory_space<hbm>> -> memref<10000x144xf32, #tpu.memory_space<hbm>>
      tpu.wait_indirect_dma semaphore(%arg12 : memref<!tpu.dma_semaphore, #tpu.memory_space<semaphore_mem>>) src(%dma_wait3A_678 : memref<10000x144xf32, #tpu.memory_space<hbm>>) dst(%arg9 : memref<128x144xf32, #tpu.memory_space<vmem>>)
      %add3A_679 = arith.constant 1 : i32
      %add3A_680 = arith.addi %add3A_662, %add3A_679 : i32
      %add3A_681 = arith.addi %mul3A_80, %add3A_680 : i32
      %dma_wait3A_682 = arith.constant 0 : i32
      %dma_wait3A_683 = arith.constant 1 : i32
      %dma_wait3A_684 = arith.constant 0 : i32
      %dma_wait3A_685 = arith.constant 0 : i32
      %dma_wait3A_686 = tpu.memref_slice %arg6[%dma_wait3A_683, %dma_wait3A_684, %dma_wait3A_685] : memref<2x2x128xi32, #tpu.memory_space<vmem>> -> memref<1x2x128xi32, #tpu.memory_space<vmem>>
      %dma_wait3A_687 = tpu.memref_squeeze %dma_wait3A_686 : memref<1x2x128xi32, #tpu.memory_space<vmem>> -> memref<2x128xi32, #tpu.memory_space<vmem>>
      %dma_wait3A_688 = arith.constant 0 : i32
      %dma_wait3A_689 = tpu.memref_slice %arg3[%dma_wait3A_682, %add3A_681, %dma_wait3A_688] : memref<2x2529x128xi32, #tpu.memory_space<hbm>> -> memref<1x2x128xi32, #tpu.memory_space<hbm>>
      %dma_wait3A_690 = tpu.memref_squeeze %dma_wait3A_689 : memref<1x2x128xi32, #tpu.memory_space<hbm>> -> memref<2x128xi32, #tpu.memory_space<hbm>>
      %dma_wait3A_691 = arith.constant 0 : i32
      %dma_wait3A_692 = arith.constant 0 : i32
      %dma_wait3A_693 = tpu.memref_slice %arg6[%dma_wait3A_683, %dma_wait3A_691, %dma_wait3A_692] : memref<2x2x128xi32, #tpu.memory_space<vmem>> -> memref<1x2x128xi32, #tpu.memory_space<vmem>>
      %dma_wait3A_694 = tpu.memref_squeeze %dma_wait3A_693 : memref<1x2x128xi32, #tpu.memory_space<vmem>> -> memref<2x128xi32, #tpu.memory_space<vmem>>
      %dma_wait3A_695 = arith.constant 0 : i32
      %dma_wait3A_696 = tpu.memref_slice %arg3[%dma_wait3A_682, %add3A_681, %dma_wait3A_695] : memref<2x2529x128xi32, #tpu.memory_space<hbm>> -> memref<1x2x128xi32, #tpu.memory_space<hbm>>
      %dma_wait3A_697 = tpu.memref_squeeze %dma_wait3A_696 : memref<1x2x128xi32, #tpu.memory_space<hbm>> -> memref<2x128xi32, #tpu.memory_space<hbm>>
      tpu.wait_dma2 semaphore(%arg16 : memref<!tpu.dma_semaphore, #tpu.memory_space<semaphore_mem>>) src(%dma_wait3A_697 : memref<2x128xi32, #tpu.memory_space<hbm>>) dst(%dma_wait3A_694 : memref<2x128xi32, #tpu.memory_space<vmem>>)
      %add3A_698 = arith.addi %mul3A_80, %add3A_680 : i32
      %dma_wait3A_699 = arith.constant 1 : i32
      %dma_wait3A_700 = arith.constant 1 : i32
      %dma_wait3A_701 = arith.constant 0 : i32
      %dma_wait3A_702 = arith.constant 0 : i32
      %dma_wait3A_703 = tpu.memref_slice %arg7[%dma_wait3A_700, %dma_wait3A_701, %dma_wait3A_702] : memref<2x2x128xi32, #tpu.memory_space<vmem>> -> memref<1x2x128xi32, #tpu.memory_space<vmem>>
      %dma_wait3A_704 = tpu.memref_squeeze %dma_wait3A_703 : memref<1x2x128xi32, #tpu.memory_space<vmem>> -> memref<2x128xi32, #tpu.memory_space<vmem>>
      %dma_wait3A_705 = arith.constant 0 : i32
      %dma_wait3A_706 = tpu.memref_slice %arg3[%dma_wait3A_699, %add3A_698, %dma_wait3A_705] : memref<2x2529x128xi32, #tpu.memory_space<hbm>> -> memref<1x2x128xi32, #tpu.memory_space<hbm>>
      %dma_wait3A_707 = tpu.memref_squeeze %dma_wait3A_706 : memref<1x2x128xi32, #tpu.memory_space<hbm>> -> memref<2x128xi32, #tpu.memory_space<hbm>>
      %dma_wait3A_708 = arith.constant 0 : i32
      %dma_wait3A_709 = arith.constant 0 : i32
      %dma_wait3A_710 = tpu.memref_slice %arg7[%dma_wait3A_700, %dma_wait3A_708, %dma_wait3A_709] : memref<2x2x128xi32, #tpu.memory_space<vmem>> -> memref<1x2x128xi32, #tpu.memory_space<vmem>>
      %dma_wait3A_711 = tpu.memref_squeeze %dma_wait3A_710 : memref<1x2x128xi32, #tpu.memory_space<vmem>> -> memref<2x128xi32, #tpu.memory_space<vmem>>
      %dma_wait3A_712 = arith.constant 0 : i32
      %dma_wait3A_713 = tpu.memref_slice %arg3[%dma_wait3A_699, %add3A_698, %dma_wait3A_712] : memref<2x2529x128xi32, #tpu.memory_space<hbm>> -> memref<1x2x128xi32, #tpu.memory_space<hbm>>
      %dma_wait3A_714 = tpu.memref_squeeze %dma_wait3A_713 : memref<1x2x128xi32, #tpu.memory_space<hbm>> -> memref<2x128xi32, #tpu.memory_space<hbm>>
      tpu.wait_dma2 semaphore(%arg16 : memref<!tpu.dma_semaphore, #tpu.memory_space<semaphore_mem>>) src(%dma_wait3A_714 : memref<2x128xi32, #tpu.memory_space<hbm>>) dst(%dma_wait3A_711 : memref<2x128xi32, #tpu.memory_space<vmem>>)
      %dma_start3A_715 = arith.constant 1 : i32
      %dma_start3A_716 = arith.constant 0 : i32
      %dma_start3A_717 = arith.constant 0 : i32
      %dma_start3A_718 = tpu.memref_slice %arg6[%dma_start3A_715, %dma_start3A_716, %dma_start3A_717] : memref<2x2x128xi32, #tpu.memory_space<vmem>> -> memref<1x1x128xi32, #tpu.memory_space<vmem>>
      %dma_start3A_719 = tpu.memref_squeeze %dma_start3A_718 : memref<1x1x128xi32, #tpu.memory_space<vmem>> -> memref<128xi32, #tpu.memory_space<vmem>>
      %dma_start3A_720 = arith.constant 0 : i32
      %dma_start3A_721 = arith.constant 0 : i32
      %dma_start3A_722 = tpu.memref_slice %arg2[%dma_start3A_720, %dma_start3A_721] : memref<10000x144xf32, #tpu.memory_space<hbm>> -> memref<10000x144xf32, #tpu.memory_space<hbm>>
      tpu.enqueue_indirect_dma source(%dma_start3A_722 : memref<10000x144xf32, #tpu.memory_space<hbm>>) target(%arg8 : memref<128x144xf32, #tpu.memory_space<vmem>>) offsets(%dma_start3A_719 : memref<128xi32, #tpu.memory_space<vmem>>) semaphore(%arg11 : memref<!tpu.dma_semaphore, #tpu.memory_space<semaphore_mem>>)
      %dma_start3A_723 = arith.constant 0 : i32
      %dma_start3A_724 = arith.constant 1 : i32
      %dma_start3A_725 = arith.constant 0 : i32
      %dma_start3A_726 = tpu.memref_slice %arg7[%dma_start3A_723, %dma_start3A_724, %dma_start3A_725] : memref<2x2x128xi32, #tpu.memory_space<vmem>> -> memref<1x1x128xi32, #tpu.memory_space<vmem>>
      %dma_start3A_727 = tpu.memref_squeeze %dma_start3A_726 : memref<1x1x128xi32, #tpu.memory_space<vmem>> -> memref<128xi32, #tpu.memory_space<vmem>>
      %dma_start3A_728 = arith.constant 0 : i32
      %dma_start3A_729 = arith.constant 0 : i32
      %dma_start3A_730 = tpu.memref_slice %arg10[%dma_start3A_728, %dma_start3A_729] : memref<10240x144xf32, #tpu.memory_space<vmem_shared>> -> memref<10240x144xf32, #tpu.memory_space<vmem_shared>>
      tpu.enqueue_indirect_dma source(%arg9 : memref<128x144xf32, #tpu.memory_space<vmem>>) target(%dma_start3A_730 : memref<10240x144xf32, #tpu.memory_space<vmem_shared>>) offsets(%dma_start3A_727 : memref<128xi32, #tpu.memory_space<vmem>>) semaphore(%arg14 : memref<!tpu.dma_semaphore, #tpu.memory_space<semaphore_mem>>) {add = true}
    }
    %scan3A_292 = arith.constant 19 : i32
    %dma_wait3A_293 = arith.constant 0 : i32
    %dma_wait3A_294 = arith.constant 1 : i32
    %dma_wait3A_295 = arith.constant 0 : i32
    %dma_wait3A_296 = tpu.memref_slice %arg7[%dma_wait3A_293, %dma_wait3A_294, %dma_wait3A_295] : memref<2x2x128xi32, #tpu.memory_space<vmem>> -> memref<1x1x128xi32, #tpu.memory_space<vmem>>
    %dma_wait3A_297 = tpu.memref_squeeze %dma_wait3A_296 : memref<1x1x128xi32, #tpu.memory_space<vmem>> -> memref<128xi32, #tpu.memory_space<vmem>>
    %dma_wait3A_298 = arith.constant 0 : i32
    %dma_wait3A_299 = arith.constant 0 : i32
    %dma_wait3A_300 = tpu.memref_slice %arg10[%dma_wait3A_298, %dma_wait3A_299] : memref<10240x144xf32, #tpu.memory_space<vmem_shared>> -> memref<10240x144xf32, #tpu.memory_space<vmem_shared>>
    tpu.wait_indirect_dma semaphore(%arg14 : memref<!tpu.dma_semaphore, #tpu.memory_space<semaphore_mem>>) src(%arg9 : memref<128x144xf32, #tpu.memory_space<vmem>>) dst(%dma_wait3A_300 : memref<10240x144xf32, #tpu.memory_space<vmem_shared>>)
    %dma_wait3A_301 = arith.constant 1 : i32
    %dma_wait3A_302 = arith.constant 0 : i32
    %dma_wait3A_303 = arith.constant 0 : i32
    %dma_wait3A_304 = tpu.memref_slice %arg6[%dma_wait3A_301, %dma_wait3A_302, %dma_wait3A_303] : memref<2x2x128xi32, #tpu.memory_space<vmem>> -> memref<1x1x128xi32, #tpu.memory_space<vmem>>
    %dma_wait3A_305 = tpu.memref_squeeze %dma_wait3A_304 : memref<1x1x128xi32, #tpu.memory_space<vmem>> -> memref<128xi32, #tpu.memory_space<vmem>>
    %dma_wait3A_306 = arith.constant 0 : i32
    %dma_wait3A_307 = arith.constant 0 : i32
    %dma_wait3A_308 = tpu.memref_slice %arg2[%dma_wait3A_306, %dma_wait3A_307] : memref<10000x144xf32, #tpu.memory_space<hbm>> -> memref<10000x144xf32, #tpu.memory_space<hbm>>
    tpu.wait_indirect_dma semaphore(%arg11 : memref<!tpu.dma_semaphore, #tpu.memory_space<semaphore_mem>>) src(%dma_wait3A_308 : memref<10000x144xf32, #tpu.memory_space<hbm>>) dst(%arg8 : memref<128x144xf32, #tpu.memory_space<vmem>>)
    %dma_start3A_309 = arith.constant 1 : i32
    %dma_start3A_310 = arith.constant 0 : i32
    %dma_start3A_311 = arith.constant 0 : i32
    %dma_start3A_312 = tpu.memref_slice %arg7[%dma_start3A_309, %dma_start3A_310, %dma_start3A_311] : memref<2x2x128xi32, #tpu.memory_space<vmem>> -> memref<1x1x128xi32, #tpu.memory_space<vmem>>
    %dma_start3A_313 = tpu.memref_squeeze %dma_start3A_312 : memref<1x1x128xi32, #tpu.memory_space<vmem>> -> memref<128xi32, #tpu.memory_space<vmem>>
    %dma_start3A_314 = arith.constant 0 : i32
    %dma_start3A_315 = arith.constant 0 : i32
    %dma_start3A_316 = tpu.memref_slice %arg10[%dma_start3A_314, %dma_start3A_315] : memref<10240x144xf32, #tpu.memory_space<vmem_shared>> -> memref<10240x144xf32, #tpu.memory_space<vmem_shared>>
    tpu.enqueue_indirect_dma source(%arg8 : memref<128x144xf32, #tpu.memory_space<vmem>>) target(%dma_start3A_316 : memref<10240x144xf32, #tpu.memory_space<vmem_shared>>) offsets(%dma_start3A_313 : memref<128xi32, #tpu.memory_space<vmem>>) semaphore(%arg13 : memref<!tpu.dma_semaphore, #tpu.memory_space<semaphore_mem>>) {add = true}
    %dma_wait3A_317 = arith.constant 1 : i32
    %dma_wait3A_318 = arith.constant 0 : i32
    %dma_wait3A_319 = arith.constant 0 : i32
    %dma_wait3A_320 = tpu.memref_slice %arg7[%dma_wait3A_317, %dma_wait3A_318, %dma_wait3A_319] : memref<2x2x128xi32, #tpu.memory_space<vmem>> -> memref<1x1x128xi32, #tpu.memory_space<vmem>>
    %dma_wait3A_321 = tpu.memref_squeeze %dma_wait3A_320 : memref<1x1x128xi32, #tpu.memory_space<vmem>> -> memref<128xi32, #tpu.memory_space<vmem>>
    %dma_wait3A_322 = arith.constant 0 : i32
    %dma_wait3A_323 = arith.constant 0 : i32
    %dma_wait3A_324 = tpu.memref_slice %arg10[%dma_wait3A_322, %dma_wait3A_323] : memref<10240x144xf32, #tpu.memory_space<vmem_shared>> -> memref<10240x144xf32, #tpu.memory_space<vmem_shared>>
    tpu.wait_indirect_dma semaphore(%arg13 : memref<!tpu.dma_semaphore, #tpu.memory_space<semaphore_mem>>) src(%arg8 : memref<128x144xf32, #tpu.memory_space<vmem>>) dst(%dma_wait3A_324 : memref<10240x144xf32, #tpu.memory_space<vmem_shared>>)
    %barrier3A_325 = arith.constant 0 : index
    tpu.barrier barrier_id(%barrier3A_325)
    %mul3A_326 = arith.constant 640 : i32
    %mul3A_327 = arith.muli %arg1, %mul3A_326 : i32
    %add3A_328 = arith.constant 0 : i32
    %add3A_329 = arith.addi %mul3A_327, %add3A_328 : i32
    "tpu.region"() ({
      %run_scoped3A = tpu.sem_alloc : memref<!tpu.dma_semaphore, #tpu.memory_space<semaphore_mem>>
      %dma_start3A_446 = arith.constant 0 : i32
      %dma_start3A_447 = tpu.memref_slice %arg10[%add3A_329, %dma_start3A_446] : memref<10240x144xf32, #tpu.memory_space<vmem_shared>> -> memref<128x144xf32, #tpu.memory_space<vmem_shared>>
      %dma_start3A_448 = arith.constant 0 : i32
      %dma_start3A_449 = tpu.memref_slice %arg10[%add3A_329, %dma_start3A_448] : memref<10240x144xf32, #tpu.memory_space<vmem_shared>> -> memref<128x144xf32, #tpu.memory_space<vmem_shared>>
      tpu.enqueue_dma source(%dma_start3A_449 : memref<128x144xf32, #tpu.memory_space<vmem_shared>>) target(%arg8 : memref<128x144xf32, #tpu.memory_space<vmem>>) target_semaphore(%run_scoped3A : memref<!tpu.dma_semaphore, #tpu.memory_space<semaphore_mem>>)
      %dma_wait3A_450 = arith.constant 0 : i32
      %dma_wait3A_451 = tpu.memref_slice %arg10[%add3A_329, %dma_wait3A_450] : memref<10240x144xf32, #tpu.memory_space<vmem_shared>> -> memref<128x144xf32, #tpu.memory_space<vmem_shared>>
      %dma_wait3A_452 = arith.constant 0 : i32
      %dma_wait3A_453 = tpu.memref_slice %arg10[%add3A_329, %dma_wait3A_452] : memref<10240x144xf32, #tpu.memory_space<vmem_shared>> -> memref<128x144xf32, #tpu.memory_space<vmem_shared>>
      tpu.wait_dma2 semaphore(%run_scoped3A : memref<!tpu.dma_semaphore, #tpu.memory_space<semaphore_mem>>) src(%dma_wait3A_453 : memref<128x144xf32, #tpu.memory_space<vmem_shared>>) dst(%arg8 : memref<128x144xf32, #tpu.memory_space<vmem>>)
      tpu.yield
    }) : () -> ()
    %mul3A_330 = arith.constant 640 : i32
    %mul3A_331 = arith.muli %arg1, %mul3A_330 : i32
    %add3A_332 = arith.constant 0 : i32
    %add3A_333 = arith.addi %mul3A_331, %add3A_332 : i32
    %dma_start3A_334 = arith.constant 0 : i32
    %dma_start3A_335 = tpu.memref_slice %arg5[%arg0, %add3A_333, %dma_start3A_334] : memref<2x10240x144xf32, #tpu.memory_space<hbm>> -> memref<1x128x144xf32, #tpu.memory_space<hbm>>
    %dma_start3A_336 = tpu.memref_squeeze %dma_start3A_335 : memref<1x128x144xf32, #tpu.memory_space<hbm>> -> memref<128x144xf32, #tpu.memory_space<hbm>>
    %dma_start3A_337 = arith.constant 0 : i32
    %dma_start3A_338 = tpu.memref_slice %arg5[%arg0, %add3A_333, %dma_start3A_337] : memref<2x10240x144xf32, #tpu.memory_space<hbm>> -> memref<1x128x144xf32, #tpu.memory_space<hbm>>
    %dma_start3A_339 = tpu.memref_squeeze %dma_start3A_338 : memref<1x128x144xf32, #tpu.memory_space<hbm>> -> memref<128x144xf32, #tpu.memory_space<hbm>>
    tpu.enqueue_dma source(%arg8 : memref<128x144xf32, #tpu.memory_space<vmem>>) target(%dma_start3A_339 : memref<128x144xf32, #tpu.memory_space<hbm>>) target_semaphore(%arg13 : memref<!tpu.dma_semaphore, #tpu.memory_space<semaphore_mem>>)
    %mul3A_340 = arith.constant 640 : i32
    %mul3A_341 = arith.muli %arg1, %mul3A_340 : i32
    %add3A_342 = arith.constant 128 : i32
    %add3A_343 = arith.addi %mul3A_341, %add3A_342 : i32
    "tpu.region"() ({
      %run_scoped3A = tpu.sem_alloc : memref<!tpu.dma_semaphore, #tpu.memory_space<semaphore_mem>>
      %dma_start3A_446 = arith.constant 0 : i32
      %dma_start3A_447 = tpu.memref_slice %arg10[%add3A_343, %dma_start3A_446] : memref<10240x144xf32, #tpu.memory_space<vmem_shared>> -> memref<128x144xf32, #tpu.memory_space<vmem_shared>>
      %dma_start3A_448 = arith.constant 0 : i32
      %dma_start3A_449 = tpu.memref_slice %arg10[%add3A_343, %dma_start3A_448] : memref<10240x144xf32, #tpu.memory_space<vmem_shared>> -> memref<128x144xf32, #tpu.memory_space<vmem_shared>>
      tpu.enqueue_dma source(%dma_start3A_449 : memref<128x144xf32, #tpu.memory_space<vmem_shared>>) target(%arg9 : memref<128x144xf32, #tpu.memory_space<vmem>>) target_semaphore(%run_scoped3A : memref<!tpu.dma_semaphore, #tpu.memory_space<semaphore_mem>>)
      %dma_wait3A_450 = arith.constant 0 : i32
      %dma_wait3A_451 = tpu.memref_slice %arg10[%add3A_343, %dma_wait3A_450] : memref<10240x144xf32, #tpu.memory_space<vmem_shared>> -> memref<128x144xf32, #tpu.memory_space<vmem_shared>>
      %dma_wait3A_452 = arith.constant 0 : i32
      %dma_wait3A_453 = tpu.memref_slice %arg10[%add3A_343, %dma_wait3A_452] : memref<10240x144xf32, #tpu.memory_space<vmem_shared>> -> memref<128x144xf32, #tpu.memory_space<vmem_shared>>
      tpu.wait_dma2 semaphore(%run_scoped3A : memref<!tpu.dma_semaphore, #tpu.memory_space<semaphore_mem>>) src(%dma_wait3A_453 : memref<128x144xf32, #tpu.memory_space<vmem_shared>>) dst(%arg9 : memref<128x144xf32, #tpu.memory_space<vmem>>)
      tpu.yield
    }) : () -> ()
    %mul3A_344 = arith.constant 640 : i32
    %mul3A_345 = arith.muli %arg1, %mul3A_344 : i32
    %add3A_346 = arith.constant 128 : i32
    %add3A_347 = arith.addi %mul3A_345, %add3A_346 : i32
    %dma_start3A_348 = arith.constant 0 : i32
    %dma_start3A_349 = tpu.memref_slice %arg5[%arg0, %add3A_347, %dma_start3A_348] : memref<2x10240x144xf32, #tpu.memory_space<hbm>> -> memref<1x128x144xf32, #tpu.memory_space<hbm>>
    %dma_start3A_350 = tpu.memref_squeeze %dma_start3A_349 : memref<1x128x144xf32, #tpu.memory_space<hbm>> -> memref<128x144xf32, #tpu.memory_space<hbm>>
    %dma_start3A_351 = arith.constant 0 : i32
    %dma_start3A_352 = tpu.memref_slice %arg5[%arg0, %add3A_347, %dma_start3A_351] : memref<2x10240x144xf32, #tpu.memory_space<hbm>> -> memref<1x128x144xf32, #tpu.memory_space<hbm>>
    %dma_start3A_353 = tpu.memref_squeeze %dma_start3A_352 : memref<1x128x144xf32, #tpu.memory_space<hbm>> -> memref<128x144xf32, #tpu.memory_space<hbm>>
    tpu.enqueue_dma source(%arg9 : memref<128x144xf32, #tpu.memory_space<vmem>>) target(%dma_start3A_353 : memref<128x144xf32, #tpu.memory_space<hbm>>) target_semaphore(%arg14 : memref<!tpu.dma_semaphore, #tpu.memory_space<semaphore_mem>>)
    %mul3A_354 = arith.constant 640 : i32
    %mul3A_355 = arith.muli %arg1, %mul3A_354 : i32
    %add3A_356 = arith.constant 0 : i32
    %add3A_357 = arith.addi %mul3A_355, %add3A_356 : i32
    %dma_wait3A_358 = arith.constant 0 : i32
    %dma_wait3A_359 = tpu.memref_slice %arg5[%arg0, %add3A_357, %dma_wait3A_358] : memref<2x10240x144xf32, #tpu.memory_space<hbm>> -> memref<1x128x144xf32, #tpu.memory_space<hbm>>
    %dma_wait3A_360 = tpu.memref_squeeze %dma_wait3A_359 : memref<1x128x144xf32, #tpu.memory_space<hbm>> -> memref<128x144xf32, #tpu.memory_space<hbm>>
    %dma_wait3A_361 = arith.constant 0 : i32
    %dma_wait3A_362 = tpu.memref_slice %arg5[%arg0, %add3A_357, %dma_wait3A_361] : memref<2x10240x144xf32, #tpu.memory_space<hbm>> -> memref<1x128x144xf32, #tpu.memory_space<hbm>>
    %dma_wait3A_363 = tpu.memref_squeeze %dma_wait3A_362 : memref<1x128x144xf32, #tpu.memory_space<hbm>> -> memref<128x144xf32, #tpu.memory_space<hbm>>
    tpu.wait_dma2 semaphore(%arg13 : memref<!tpu.dma_semaphore, #tpu.memory_space<semaphore_mem>>) src(%arg8 : memref<128x144xf32, #tpu.memory_space<vmem>>) dst(%dma_wait3A_363 : memref<128x144xf32, #tpu.memory_space<hbm>>)
    %mul3A_364 = arith.constant 640 : i32
    %mul3A_365 = arith.muli %arg1, %mul3A_364 : i32
    %add3A_366 = arith.constant 256 : i32
    %add3A_367 = arith.addi %mul3A_365, %add3A_366 : i32
    "tpu.region"() ({
      %run_scoped3A = tpu.sem_alloc : memref<!tpu.dma_semaphore, #tpu.memory_space<semaphore_mem>>
      %dma_start3A_446 = arith.constant 0 : i32
      %dma_start3A_447 = tpu.memref_slice %arg10[%add3A_367, %dma_start3A_446] : memref<10240x144xf32, #tpu.memory_space<vmem_shared>> -> memref<128x144xf32, #tpu.memory_space<vmem_shared>>
      %dma_start3A_448 = arith.constant 0 : i32
      %dma_start3A_449 = tpu.memref_slice %arg10[%add3A_367, %dma_start3A_448] : memref<10240x144xf32, #tpu.memory_space<vmem_shared>> -> memref<128x144xf32, #tpu.memory_space<vmem_shared>>
      tpu.enqueue_dma source(%dma_start3A_449 : memref<128x144xf32, #tpu.memory_space<vmem_shared>>) target(%arg8 : memref<128x144xf32, #tpu.memory_space<vmem>>) target_semaphore(%run_scoped3A : memref<!tpu.dma_semaphore, #tpu.memory_space<semaphore_mem>>)
      %dma_wait3A_450 = arith.constant 0 : i32
      %dma_wait3A_451 = tpu.memref_slice %arg10[%add3A_367, %dma_wait3A_450] : memref<10240x144xf32, #tpu.memory_space<vmem_shared>> -> memref<128x144xf32, #tpu.memory_space<vmem_shared>>
      %dma_wait3A_452 = arith.constant 0 : i32
      %dma_wait3A_453 = tpu.memref_slice %arg10[%add3A_367, %dma_wait3A_452] : memref<10240x144xf32, #tpu.memory_space<vmem_shared>> -> memref<128x144xf32, #tpu.memory_space<vmem_shared>>
      tpu.wait_dma2 semaphore(%run_scoped3A : memref<!tpu.dma_semaphore, #tpu.memory_space<semaphore_mem>>) src(%dma_wait3A_453 : memref<128x144xf32, #tpu.memory_space<vmem_shared>>) dst(%arg8 : memref<128x144xf32, #tpu.memory_space<vmem>>)
      tpu.yield
    }) : () -> ()
    %mul3A_368 = arith.constant 640 : i32
    %mul3A_369 = arith.muli %arg1, %mul3A_368 : i32
    %add3A_370 = arith.constant 256 : i32
    %add3A_371 = arith.addi %mul3A_369, %add3A_370 : i32
    %dma_start3A_372 = arith.constant 0 : i32
    %dma_start3A_373 = tpu.memref_slice %arg5[%arg0, %add3A_371, %dma_start3A_372] : memref<2x10240x144xf32, #tpu.memory_space<hbm>> -> memref<1x128x144xf32, #tpu.memory_space<hbm>>
    %dma_start3A_374 = tpu.memref_squeeze %dma_start3A_373 : memref<1x128x144xf32, #tpu.memory_space<hbm>> -> memref<128x144xf32, #tpu.memory_space<hbm>>
    %dma_start3A_375 = arith.constant 0 : i32
    %dma_start3A_376 = tpu.memref_slice %arg5[%arg0, %add3A_371, %dma_start3A_375] : memref<2x10240x144xf32, #tpu.memory_space<hbm>> -> memref<1x128x144xf32, #tpu.memory_space<hbm>>
    %dma_start3A_377 = tpu.memref_squeeze %dma_start3A_376 : memref<1x128x144xf32, #tpu.memory_space<hbm>> -> memref<128x144xf32, #tpu.memory_space<hbm>>
    tpu.enqueue_dma source(%arg8 : memref<128x144xf32, #tpu.memory_space<vmem>>) target(%dma_start3A_377 : memref<128x144xf32, #tpu.memory_space<hbm>>) target_semaphore(%arg13 : memref<!tpu.dma_semaphore, #tpu.memory_space<semaphore_mem>>)
    %mul3A_378 = arith.constant 640 : i32
    %mul3A_379 = arith.muli %arg1, %mul3A_378 : i32
    %add3A_380 = arith.constant 128 : i32
    %add3A_381 = arith.addi %mul3A_379, %add3A_380 : i32
    %dma_wait3A_382 = arith.constant 0 : i32
    %dma_wait3A_383 = tpu.memref_slice %arg5[%arg0, %add3A_381, %dma_wait3A_382] : memref<2x10240x144xf32, #tpu.memory_space<hbm>> -> memref<1x128x144xf32, #tpu.memory_space<hbm>>
    %dma_wait3A_384 = tpu.memref_squeeze %dma_wait3A_383 : memref<1x128x144xf32, #tpu.memory_space<hbm>> -> memref<128x144xf32, #tpu.memory_space<hbm>>
    %dma_wait3A_385 = arith.constant 0 : i32
    %dma_wait3A_386 = tpu.memref_slice %arg5[%arg0, %add3A_381, %dma_wait3A_385] : memref<2x10240x144xf32, #tpu.memory_space<hbm>> -> memref<1x128x144xf32, #tpu.memory_space<hbm>>
    %dma_wait3A_387 = tpu.memref_squeeze %dma_wait3A_386 : memref<1x128x144xf32, #tpu.memory_space<hbm>> -> memref<128x144xf32, #tpu.memory_space<hbm>>
    tpu.wait_dma2 semaphore(%arg14 : memref<!tpu.dma_semaphore, #tpu.memory_space<semaphore_mem>>) src(%arg9 : memref<128x144xf32, #tpu.memory_space<vmem>>) dst(%dma_wait3A_387 : memref<128x144xf32, #tpu.memory_space<hbm>>)
    %mul3A_388 = arith.constant 640 : i32
    %mul3A_389 = arith.muli %arg1, %mul3A_388 : i32
    %add3A_390 = arith.constant 384 : i32
    %add3A_391 = arith.addi %mul3A_389, %add3A_390 : i32
    "tpu.region"() ({
      %run_scoped3A = tpu.sem_alloc : memref<!tpu.dma_semaphore, #tpu.memory_space<semaphore_mem>>
      %dma_start3A_446 = arith.constant 0 : i32
      %dma_start3A_447 = tpu.memref_slice %arg10[%add3A_391, %dma_start3A_446] : memref<10240x144xf32, #tpu.memory_space<vmem_shared>> -> memref<128x144xf32, #tpu.memory_space<vmem_shared>>
      %dma_start3A_448 = arith.constant 0 : i32
      %dma_start3A_449 = tpu.memref_slice %arg10[%add3A_391, %dma_start3A_448] : memref<10240x144xf32, #tpu.memory_space<vmem_shared>> -> memref<128x144xf32, #tpu.memory_space<vmem_shared>>
      tpu.enqueue_dma source(%dma_start3A_449 : memref<128x144xf32, #tpu.memory_space<vmem_shared>>) target(%arg9 : memref<128x144xf32, #tpu.memory_space<vmem>>) target_semaphore(%run_scoped3A : memref<!tpu.dma_semaphore, #tpu.memory_space<semaphore_mem>>)
      %dma_wait3A_450 = arith.constant 0 : i32
      %dma_wait3A_451 = tpu.memref_slice %arg10[%add3A_391, %dma_wait3A_450] : memref<10240x144xf32, #tpu.memory_space<vmem_shared>> -> memref<128x144xf32, #tpu.memory_space<vmem_shared>>
      %dma_wait3A_452 = arith.constant 0 : i32
      %dma_wait3A_453 = tpu.memref_slice %arg10[%add3A_391, %dma_wait3A_452] : memref<10240x144xf32, #tpu.memory_space<vmem_shared>> -> memref<128x144xf32, #tpu.memory_space<vmem_shared>>
      tpu.wait_dma2 semaphore(%run_scoped3A : memref<!tpu.dma_semaphore, #tpu.memory_space<semaphore_mem>>) src(%dma_wait3A_453 : memref<128x144xf32, #tpu.memory_space<vmem_shared>>) dst(%arg9 : memref<128x144xf32, #tpu.memory_space<vmem>>)
      tpu.yield
    }) : () -> ()
    %mul3A_392 = arith.constant 640 : i32
    %mul3A_393 = arith.muli %arg1, %mul3A_392 : i32
    %add3A_394 = arith.constant 384 : i32
    %add3A_395 = arith.addi %mul3A_393, %add3A_394 : i32
    %dma_start3A_396 = arith.constant 0 : i32
    %dma_start3A_397 = tpu.memref_slice %arg5[%arg0, %add3A_395, %dma_start3A_396] : memref<2x10240x144xf32, #tpu.memory_space<hbm>> -> memref<1x128x144xf32, #tpu.memory_space<hbm>>
    %dma_start3A_398 = tpu.memref_squeeze %dma_start3A_397 : memref<1x128x144xf32, #tpu.memory_space<hbm>> -> memref<128x144xf32, #tpu.memory_space<hbm>>
    %dma_start3A_399 = arith.constant 0 : i32
    %dma_start3A_400 = tpu.memref_slice %arg5[%arg0, %add3A_395, %dma_start3A_399] : memref<2x10240x144xf32, #tpu.memory_space<hbm>> -> memref<1x128x144xf32, #tpu.memory_space<hbm>>
    %dma_start3A_401 = tpu.memref_squeeze %dma_start3A_400 : memref<1x128x144xf32, #tpu.memory_space<hbm>> -> memref<128x144xf32, #tpu.memory_space<hbm>>
    tpu.enqueue_dma source(%arg9 : memref<128x144xf32, #tpu.memory_space<vmem>>) target(%dma_start3A_401 : memref<128x144xf32, #tpu.memory_space<hbm>>) target_semaphore(%arg14 : memref<!tpu.dma_semaphore, #tpu.memory_space<semaphore_mem>>)
    %mul3A_402 = arith.constant 640 : i32
    %mul3A_403 = arith.muli %arg1, %mul3A_402 : i32
    %add3A_404 = arith.constant 256 : i32
    %add3A_405 = arith.addi %mul3A_403, %add3A_404 : i32
    %dma_wait3A_406 = arith.constant 0 : i32
    %dma_wait3A_407 = tpu.memref_slice %arg5[%arg0, %add3A_405, %dma_wait3A_406] : memref<2x10240x144xf32, #tpu.memory_space<hbm>> -> memref<1x128x144xf32, #tpu.memory_space<hbm>>
    %dma_wait3A_408 = tpu.memref_squeeze %dma_wait3A_407 : memref<1x128x144xf32, #tpu.memory_space<hbm>> -> memref<128x144xf32, #tpu.memory_space<hbm>>
    %dma_wait3A_409 = arith.constant 0 : i32
    %dma_wait3A_410 = tpu.memref_slice %arg5[%arg0, %add3A_405, %dma_wait3A_409] : memref<2x10240x144xf32, #tpu.memory_space<hbm>> -> memref<1x128x144xf32, #tpu.memory_space<hbm>>
    %dma_wait3A_411 = tpu.memref_squeeze %dma_wait3A_410 : memref<1x128x144xf32, #tpu.memory_space<hbm>> -> memref<128x144xf32, #tpu.memory_space<hbm>>
    tpu.wait_dma2 semaphore(%arg13 : memref<!tpu.dma_semaphore, #tpu.memory_space<semaphore_mem>>) src(%arg8 : memref<128x144xf32, #tpu.memory_space<vmem>>) dst(%dma_wait3A_411 : memref<128x144xf32, #tpu.memory_space<hbm>>)
    %mul3A_412 = arith.constant 640 : i32
    %mul3A_413 = arith.muli %arg1, %mul3A_412 : i32
    %add3A_414 = arith.constant 512 : i32
    %add3A_415 = arith.addi %mul3A_413, %add3A_414 : i32
    "tpu.region"() ({
      %run_scoped3A = tpu.sem_alloc : memref<!tpu.dma_semaphore, #tpu.memory_space<semaphore_mem>>
      %dma_start3A_446 = arith.constant 0 : i32
      %dma_start3A_447 = tpu.memref_slice %arg10[%add3A_415, %dma_start3A_446] : memref<10240x144xf32, #tpu.memory_space<vmem_shared>> -> memref<128x144xf32, #tpu.memory_space<vmem_shared>>
      %dma_start3A_448 = arith.constant 0 : i32
      %dma_start3A_449 = tpu.memref_slice %arg10[%add3A_415, %dma_start3A_448] : memref<10240x144xf32, #tpu.memory_space<vmem_shared>> -> memref<128x144xf32, #tpu.memory_space<vmem_shared>>
      tpu.enqueue_dma source(%dma_start3A_449 : memref<128x144xf32, #tpu.memory_space<vmem_shared>>) target(%arg8 : memref<128x144xf32, #tpu.memory_space<vmem>>) target_semaphore(%run_scoped3A : memref<!tpu.dma_semaphore, #tpu.memory_space<semaphore_mem>>)
      %dma_wait3A_450 = arith.constant 0 : i32
      %dma_wait3A_451 = tpu.memref_slice %arg10[%add3A_415, %dma_wait3A_450] : memref<10240x144xf32, #tpu.memory_space<vmem_shared>> -> memref<128x144xf32, #tpu.memory_space<vmem_shared>>
      %dma_wait3A_452 = arith.constant 0 : i32
      %dma_wait3A_453 = tpu.memref_slice %arg10[%add3A_415, %dma_wait3A_452] : memref<10240x144xf32, #tpu.memory_space<vmem_shared>> -> memref<128x144xf32, #tpu.memory_space<vmem_shared>>
      tpu.wait_dma2 semaphore(%run_scoped3A : memref<!tpu.dma_semaphore, #tpu.memory_space<semaphore_mem>>) src(%dma_wait3A_453 : memref<128x144xf32, #tpu.memory_space<vmem_shared>>) dst(%arg8 : memref<128x144xf32, #tpu.memory_space<vmem>>)
      tpu.yield
    }) : () -> ()
    %mul3A_416 = arith.constant 640 : i32
    %mul3A_417 = arith.muli %arg1, %mul3A_416 : i32
    %add3A_418 = arith.constant 512 : i32
    %add3A_419 = arith.addi %mul3A_417, %add3A_418 : i32
    %dma_start3A_420 = arith.constant 0 : i32
    %dma_start3A_421 = tpu.memref_slice %arg5[%arg0, %add3A_419, %dma_start3A_420] : memref<2x10240x144xf32, #tpu.memory_space<hbm>> -> memref<1x128x144xf32, #tpu.memory_space<hbm>>
    %dma_start3A_422 = tpu.memref_squeeze %dma_start3A_421 : memref<1x128x144xf32, #tpu.memory_space<hbm>> -> memref<128x144xf32, #tpu.memory_space<hbm>>
    %dma_start3A_423 = arith.constant 0 : i32
    %dma_start3A_424 = tpu.memref_slice %arg5[%arg0, %add3A_419, %dma_start3A_423] : memref<2x10240x144xf32, #tpu.memory_space<hbm>> -> memref<1x128x144xf32, #tpu.memory_space<hbm>>
    %dma_start3A_425 = tpu.memref_squeeze %dma_start3A_424 : memref<1x128x144xf32, #tpu.memory_space<hbm>> -> memref<128x144xf32, #tpu.memory_space<hbm>>
    tpu.enqueue_dma source(%arg8 : memref<128x144xf32, #tpu.memory_space<vmem>>) target(%dma_start3A_425 : memref<128x144xf32, #tpu.memory_space<hbm>>) target_semaphore(%arg13 : memref<!tpu.dma_semaphore, #tpu.memory_space<semaphore_mem>>)
    %mul3A_426 = arith.constant 640 : i32
    %mul3A_427 = arith.muli %arg1, %mul3A_426 : i32
    %add3A_428 = arith.constant 384 : i32
    %add3A_429 = arith.addi %mul3A_427, %add3A_428 : i32
    %dma_wait3A_430 = arith.constant 0 : i32
    %dma_wait3A_431 = tpu.memref_slice %arg5[%arg0, %add3A_429, %dma_wait3A_430] : memref<2x10240x144xf32, #tpu.memory_space<hbm>> -> memref<1x128x144xf32, #tpu.memory_space<hbm>>
    %dma_wait3A_432 = tpu.memref_squeeze %dma_wait3A_431 : memref<1x128x144xf32, #tpu.memory_space<hbm>> -> memref<128x144xf32, #tpu.memory_space<hbm>>
    %dma_wait3A_433 = arith.constant 0 : i32
    %dma_wait3A_434 = tpu.memref_slice %arg5[%arg0, %add3A_429, %dma_wait3A_433] : memref<2x10240x144xf32, #tpu.memory_space<hbm>> -> memref<1x128x144xf32, #tpu.memory_space<hbm>>
    %dma_wait3A_435 = tpu.memref_squeeze %dma_wait3A_434 : memref<1x128x144xf32, #tpu.memory_space<hbm>> -> memref<128x144xf32, #tpu.memory_space<hbm>>
    tpu.wait_dma2 semaphore(%arg14 : memref<!tpu.dma_semaphore, #tpu.memory_space<semaphore_mem>>) src(%arg9 : memref<128x144xf32, #tpu.memory_space<vmem>>) dst(%dma_wait3A_435 : memref<128x144xf32, #tpu.memory_space<hbm>>)
    %mul3A_436 = arith.constant 640 : i32
    %mul3A_437 = arith.muli %arg1, %mul3A_436 : i32
    %add3A_438 = arith.constant 512 : i32
    %add3A_439 = arith.addi %mul3A_437, %add3A_438 : i32
    %dma_wait3A_440 = arith.constant 0 : i32
    %dma_wait3A_441 = tpu.memref_slice %arg5[%arg0, %add3A_439, %dma_wait3A_440] : memref<2x10240x144xf32, #tpu.memory_space<hbm>> -> memref<1x128x144xf32, #tpu.memory_space<hbm>>
    %dma_wait3A_442 = tpu.memref_squeeze %dma_wait3A_441 : memref<1x128x144xf32, #tpu.memory_space<hbm>> -> memref<128x144xf32, #tpu.memory_space<hbm>>
    %dma_wait3A_443 = arith.constant 0 : i32
    %dma_wait3A_444 = tpu.memref_slice %arg5[%arg0, %add3A_439, %dma_wait3A_443] : memref<2x10240x144xf32, #tpu.memory_space<hbm>> -> memref<1x128x144xf32, #tpu.memory_space<hbm>>
    %dma_wait3A_445 = tpu.memref_squeeze %dma_wait3A_444 : memref<1x128x144xf32, #tpu.memory_space<hbm>> -> memref<128x144xf32, #tpu.memory_space<hbm>>
    tpu.wait_dma2 semaphore(%arg13 : memref<!tpu.dma_semaphore, #tpu.memory_space<semaphore_mem>>) src(%arg8 : memref<128x144xf32, #tpu.memory_space<vmem>>) dst(%dma_wait3A_445 : memref<128x144xf32, #tpu.memory_space<hbm>>)
    return
  }
}

#map = affine_map<(d0, d1) -> (0, 0)>
#map1 = affine_map<(d0, d1) -> (0, 0, 0)>
module attributes {stable_mosaic.version = 14 : i64} {
  func.func @agg(%arg0: i32, %arg1: i32, %arg2: memref<10000x128xf32, #tpu.memory_space<hbm>>, %arg3: memref<2x2529x128xi32, #tpu.memory_space<hbm>>, %arg4: memref<128x128xf32, #tpu.memory_space<hbm>>, %arg5: memref<2x10240x128xf32, #tpu.memory_space<hbm>>, %arg6: memref<2x2x128xi32, #tpu.memory_space<vmem>>, %arg7: memref<2x2x128xi32, #tpu.memory_space<vmem>>, %arg8: memref<128x128xf32, #tpu.memory_space<vmem>>, %arg9: memref<128x128xf32, #tpu.memory_space<vmem>>, %arg10: memref<10240x128xf32, #tpu.memory_space<vmem_shared>>, %arg11: memref<!tpu.dma_semaphore, #tpu.memory_space<semaphore_mem>>, %arg12: memref<!tpu.dma_semaphore, #tpu.memory_space<semaphore_mem>>, %arg13: memref<!tpu.dma_semaphore, #tpu.memory_space<semaphore_mem>>, %arg14: memref<!tpu.dma_semaphore, #tpu.memory_space<semaphore_mem>>, %arg15: memref<!tpu.dma_semaphore, #tpu.memory_space<semaphore_mem>>, %arg16: memref<!tpu.dma_semaphore, #tpu.memory_space<semaphore_mem>>) attributes {dimension_semantics = [#tpu.dimension_semantics<core_parallel>, #tpu.dimension_semantics<subcore_parallel>], iteration_bounds = array<i64: 2, 16>, scalar_prefetch = 0 : i64, scratch_operands = 11 : i64, tpu.core_type = #tpu.core_type<sc_vector_subcore>, window_params = [{transform_indices = #map}, {transform_indices = #map1}, {transform_indices = #map}, {transform_indices = #map1}]} {
    %mul3A = arith.constant 16 : i32
    %mul3A_0 = arith.muli %arg0, %mul3A : i32
    %add3A = arith.addi %mul3A_0, %arg1 : i32
    "tpu.region"() ({
      %run_scoped3A = tpu.sem_alloc : memref<!tpu.dma_semaphore, #tpu.memory_space<semaphore_mem>>
      tpu.enqueue_dma source(%arg4 : memref<128x128xf32, #tpu.memory_space<hbm>>) target(%arg8 : memref<128x128xf32, #tpu.memory_space<vmem>>) target_semaphore(%run_scoped3A : memref<!tpu.dma_semaphore, #tpu.memory_space<semaphore_mem>>)
      tpu.wait_dma2 semaphore(%run_scoped3A : memref<!tpu.dma_semaphore, #tpu.memory_space<semaphore_mem>>) src(%arg4 : memref<128x128xf32, #tpu.memory_space<hbm>>) dst(%arg8 : memref<128x128xf32, #tpu.memory_space<vmem>>)
      tpu.yield
    }) : () -> ()
    %mul3A_1 = arith.constant 640 : i32
    %mul3A_2 = arith.muli %arg1, %mul3A_1 : i32
    %add3A_3 = arith.constant 0 : i32
    %add3A_4 = arith.addi %mul3A_2, %add3A_3 : i32
    %dma_start3A = arith.constant 0 : i32
    %dma_start3A_5 = tpu.memref_slice %arg10[%add3A_4, %dma_start3A] : memref<10240x128xf32, #tpu.memory_space<vmem_shared>> -> memref<128x128xf32, #tpu.memory_space<vmem_shared>>
    %dma_start3A_6 = arith.constant 0 : i32
    %dma_start3A_7 = tpu.memref_slice %arg10[%add3A_4, %dma_start3A_6] : memref<10240x128xf32, #tpu.memory_space<vmem_shared>> -> memref<128x128xf32, #tpu.memory_space<vmem_shared>>
    tpu.enqueue_dma source(%arg8 : memref<128x128xf32, #tpu.memory_space<vmem>>) target(%dma_start3A_7 : memref<128x128xf32, #tpu.memory_space<vmem_shared>>) target_semaphore(%arg11 : memref<!tpu.dma_semaphore, #tpu.memory_space<semaphore_mem>>)
    %mul3A_8 = arith.constant 640 : i32
    %mul3A_9 = arith.muli %arg1, %mul3A_8 : i32
    %add3A_10 = arith.constant 128 : i32
    %add3A_11 = arith.addi %mul3A_9, %add3A_10 : i32
    %dma_start3A_12 = arith.constant 0 : i32
    %dma_start3A_13 = tpu.memref_slice %arg10[%add3A_11, %dma_start3A_12] : memref<10240x128xf32, #tpu.memory_space<vmem_shared>> -> memref<128x128xf32, #tpu.memory_space<vmem_shared>>
    %dma_start3A_14 = arith.constant 0 : i32
    %dma_start3A_15 = tpu.memref_slice %arg10[%add3A_11, %dma_start3A_14] : memref<10240x128xf32, #tpu.memory_space<vmem_shared>> -> memref<128x128xf32, #tpu.memory_space<vmem_shared>>
    tpu.enqueue_dma source(%arg8 : memref<128x128xf32, #tpu.memory_space<vmem>>) target(%dma_start3A_15 : memref<128x128xf32, #tpu.memory_space<vmem_shared>>) target_semaphore(%arg11 : memref<!tpu.dma_semaphore, #tpu.memory_space<semaphore_mem>>)
    %mul3A_16 = arith.constant 640 : i32
    %mul3A_17 = arith.muli %arg1, %mul3A_16 : i32
    %add3A_18 = arith.constant 256 : i32
    %add3A_19 = arith.addi %mul3A_17, %add3A_18 : i32
    %dma_start3A_20 = arith.constant 0 : i32
    %dma_start3A_21 = tpu.memref_slice %arg10[%add3A_19, %dma_start3A_20] : memref<10240x128xf32, #tpu.memory_space<vmem_shared>> -> memref<128x128xf32, #tpu.memory_space<vmem_shared>>
    %dma_start3A_22 = arith.constant 0 : i32
    %dma_start3A_23 = tpu.memref_slice %arg10[%add3A_19, %dma_start3A_22] : memref<10240x128xf32, #tpu.memory_space<vmem_shared>> -> memref<128x128xf32, #tpu.memory_space<vmem_shared>>
    tpu.enqueue_dma source(%arg8 : memref<128x128xf32, #tpu.memory_space<vmem>>) target(%dma_start3A_23 : memref<128x128xf32, #tpu.memory_space<vmem_shared>>) target_semaphore(%arg11 : memref<!tpu.dma_semaphore, #tpu.memory_space<semaphore_mem>>)
    %mul3A_24 = arith.constant 640 : i32
    %mul3A_25 = arith.muli %arg1, %mul3A_24 : i32
    %add3A_26 = arith.constant 384 : i32
    %add3A_27 = arith.addi %mul3A_25, %add3A_26 : i32
    %dma_start3A_28 = arith.constant 0 : i32
    %dma_start3A_29 = tpu.memref_slice %arg10[%add3A_27, %dma_start3A_28] : memref<10240x128xf32, #tpu.memory_space<vmem_shared>> -> memref<128x128xf32, #tpu.memory_space<vmem_shared>>
    %dma_start3A_30 = arith.constant 0 : i32
    %dma_start3A_31 = tpu.memref_slice %arg10[%add3A_27, %dma_start3A_30] : memref<10240x128xf32, #tpu.memory_space<vmem_shared>> -> memref<128x128xf32, #tpu.memory_space<vmem_shared>>
    tpu.enqueue_dma source(%arg8 : memref<128x128xf32, #tpu.memory_space<vmem>>) target(%dma_start3A_31 : memref<128x128xf32, #tpu.memory_space<vmem_shared>>) target_semaphore(%arg11 : memref<!tpu.dma_semaphore, #tpu.memory_space<semaphore_mem>>)
    %mul3A_32 = arith.constant 640 : i32
    %mul3A_33 = arith.muli %arg1, %mul3A_32 : i32
    %add3A_34 = arith.constant 512 : i32
    %add3A_35 = arith.addi %mul3A_33, %add3A_34 : i32
    %dma_start3A_36 = arith.constant 0 : i32
    %dma_start3A_37 = tpu.memref_slice %arg10[%add3A_35, %dma_start3A_36] : memref<10240x128xf32, #tpu.memory_space<vmem_shared>> -> memref<128x128xf32, #tpu.memory_space<vmem_shared>>
    %dma_start3A_38 = arith.constant 0 : i32
    %dma_start3A_39 = tpu.memref_slice %arg10[%add3A_35, %dma_start3A_38] : memref<10240x128xf32, #tpu.memory_space<vmem_shared>> -> memref<128x128xf32, #tpu.memory_space<vmem_shared>>
    tpu.enqueue_dma source(%arg8 : memref<128x128xf32, #tpu.memory_space<vmem>>) target(%dma_start3A_39 : memref<128x128xf32, #tpu.memory_space<vmem_shared>>) target_semaphore(%arg11 : memref<!tpu.dma_semaphore, #tpu.memory_space<semaphore_mem>>)
    %mul3A_40 = arith.constant 640 : i32
    %mul3A_41 = arith.muli %arg1, %mul3A_40 : i32
    %add3A_42 = arith.constant 0 : i32
    %add3A_43 = arith.addi %mul3A_41, %add3A_42 : i32
    %dma_wait3A = arith.constant 0 : i32
    %dma_wait3A_44 = tpu.memref_slice %arg10[%add3A_43, %dma_wait3A] : memref<10240x128xf32, #tpu.memory_space<vmem_shared>> -> memref<128x128xf32, #tpu.memory_space<vmem_shared>>
    %dma_wait3A_45 = arith.constant 0 : i32
    %dma_wait3A_46 = tpu.memref_slice %arg10[%add3A_43, %dma_wait3A_45] : memref<10240x128xf32, #tpu.memory_space<vmem_shared>> -> memref<128x128xf32, #tpu.memory_space<vmem_shared>>
    tpu.wait_dma2 semaphore(%arg11 : memref<!tpu.dma_semaphore, #tpu.memory_space<semaphore_mem>>) src(%arg8 : memref<128x128xf32, #tpu.memory_space<vmem>>) dst(%dma_wait3A_46 : memref<128x128xf32, #tpu.memory_space<vmem_shared>>)
    %mul3A_47 = arith.constant 640 : i32
    %mul3A_48 = arith.muli %arg1, %mul3A_47 : i32
    %add3A_49 = arith.constant 128 : i32
    %add3A_50 = arith.addi %mul3A_48, %add3A_49 : i32
    %dma_wait3A_51 = arith.constant 0 : i32
    %dma_wait3A_52 = tpu.memref_slice %arg10[%add3A_50, %dma_wait3A_51] : memref<10240x128xf32, #tpu.memory_space<vmem_shared>> -> memref<128x128xf32, #tpu.memory_space<vmem_shared>>
    %dma_wait3A_53 = arith.constant 0 : i32
    %dma_wait3A_54 = tpu.memref_slice %arg10[%add3A_50, %dma_wait3A_53] : memref<10240x128xf32, #tpu.memory_space<vmem_shared>> -> memref<128x128xf32, #tpu.memory_space<vmem_shared>>
    tpu.wait_dma2 semaphore(%arg11 : memref<!tpu.dma_semaphore, #tpu.memory_space<semaphore_mem>>) src(%arg8 : memref<128x128xf32, #tpu.memory_space<vmem>>) dst(%dma_wait3A_54 : memref<128x128xf32, #tpu.memory_space<vmem_shared>>)
    %mul3A_55 = arith.constant 640 : i32
    %mul3A_56 = arith.muli %arg1, %mul3A_55 : i32
    %add3A_57 = arith.constant 256 : i32
    %add3A_58 = arith.addi %mul3A_56, %add3A_57 : i32
    %dma_wait3A_59 = arith.constant 0 : i32
    %dma_wait3A_60 = tpu.memref_slice %arg10[%add3A_58, %dma_wait3A_59] : memref<10240x128xf32, #tpu.memory_space<vmem_shared>> -> memref<128x128xf32, #tpu.memory_space<vmem_shared>>
    %dma_wait3A_61 = arith.constant 0 : i32
    %dma_wait3A_62 = tpu.memref_slice %arg10[%add3A_58, %dma_wait3A_61] : memref<10240x128xf32, #tpu.memory_space<vmem_shared>> -> memref<128x128xf32, #tpu.memory_space<vmem_shared>>
    tpu.wait_dma2 semaphore(%arg11 : memref<!tpu.dma_semaphore, #tpu.memory_space<semaphore_mem>>) src(%arg8 : memref<128x128xf32, #tpu.memory_space<vmem>>) dst(%dma_wait3A_62 : memref<128x128xf32, #tpu.memory_space<vmem_shared>>)
    %mul3A_63 = arith.constant 640 : i32
    %mul3A_64 = arith.muli %arg1, %mul3A_63 : i32
    %add3A_65 = arith.constant 384 : i32
    %add3A_66 = arith.addi %mul3A_64, %add3A_65 : i32
    %dma_wait3A_67 = arith.constant 0 : i32
    %dma_wait3A_68 = tpu.memref_slice %arg10[%add3A_66, %dma_wait3A_67] : memref<10240x128xf32, #tpu.memory_space<vmem_shared>> -> memref<128x128xf32, #tpu.memory_space<vmem_shared>>
    %dma_wait3A_69 = arith.constant 0 : i32
    %dma_wait3A_70 = tpu.memref_slice %arg10[%add3A_66, %dma_wait3A_69] : memref<10240x128xf32, #tpu.memory_space<vmem_shared>> -> memref<128x128xf32, #tpu.memory_space<vmem_shared>>
    tpu.wait_dma2 semaphore(%arg11 : memref<!tpu.dma_semaphore, #tpu.memory_space<semaphore_mem>>) src(%arg8 : memref<128x128xf32, #tpu.memory_space<vmem>>) dst(%dma_wait3A_70 : memref<128x128xf32, #tpu.memory_space<vmem_shared>>)
    %mul3A_71 = arith.constant 640 : i32
    %mul3A_72 = arith.muli %arg1, %mul3A_71 : i32
    %add3A_73 = arith.constant 512 : i32
    %add3A_74 = arith.addi %mul3A_72, %add3A_73 : i32
    %dma_wait3A_75 = arith.constant 0 : i32
    %dma_wait3A_76 = tpu.memref_slice %arg10[%add3A_74, %dma_wait3A_75] : memref<10240x128xf32, #tpu.memory_space<vmem_shared>> -> memref<128x128xf32, #tpu.memory_space<vmem_shared>>
    %dma_wait3A_77 = arith.constant 0 : i32
    %dma_wait3A_78 = tpu.memref_slice %arg10[%add3A_74, %dma_wait3A_77] : memref<10240x128xf32, #tpu.memory_space<vmem_shared>> -> memref<128x128xf32, #tpu.memory_space<vmem_shared>>
    tpu.wait_dma2 semaphore(%arg11 : memref<!tpu.dma_semaphore, #tpu.memory_space<semaphore_mem>>) src(%arg8 : memref<128x128xf32, #tpu.memory_space<vmem>>) dst(%dma_wait3A_78 : memref<128x128xf32, #tpu.memory_space<vmem_shared>>)
    %barrier3A = arith.constant 0 : index
    tpu.barrier barrier_id(%barrier3A)
    %mul3A_79 = arith.constant 79 : i32
    %mul3A_80 = arith.muli %add3A, %mul3A_79 : i32
    %add3A_81 = arith.constant 0 : i32
    %add3A_82 = arith.addi %mul3A_80, %add3A_81 : i32
    %dma_start3A_83 = arith.constant 0 : i32
    %dma_start3A_84 = arith.constant 0 : i32
    %dma_start3A_85 = arith.constant 0 : i32
    %dma_start3A_86 = arith.constant 0 : i32
    %dma_start3A_87 = tpu.memref_slice %arg6[%dma_start3A_84, %dma_start3A_85, %dma_start3A_86] : memref<2x2x128xi32, #tpu.memory_space<vmem>> -> memref<1x2x128xi32, #tpu.memory_space<vmem>>
    %dma_start3A_88 = tpu.memref_squeeze %dma_start3A_87 : memref<1x2x128xi32, #tpu.memory_space<vmem>> -> memref<2x128xi32, #tpu.memory_space<vmem>>
    %dma_start3A_89 = arith.constant 0 : i32
    %dma_start3A_90 = tpu.memref_slice %arg3[%dma_start3A_83, %add3A_82, %dma_start3A_89] : memref<2x2529x128xi32, #tpu.memory_space<hbm>> -> memref<1x2x128xi32, #tpu.memory_space<hbm>>
    %dma_start3A_91 = tpu.memref_squeeze %dma_start3A_90 : memref<1x2x128xi32, #tpu.memory_space<hbm>> -> memref<2x128xi32, #tpu.memory_space<hbm>>
    %dma_start3A_92 = arith.constant 0 : i32
    %dma_start3A_93 = arith.constant 0 : i32
    %dma_start3A_94 = tpu.memref_slice %arg6[%dma_start3A_84, %dma_start3A_92, %dma_start3A_93] : memref<2x2x128xi32, #tpu.memory_space<vmem>> -> memref<1x2x128xi32, #tpu.memory_space<vmem>>
    %dma_start3A_95 = tpu.memref_squeeze %dma_start3A_94 : memref<1x2x128xi32, #tpu.memory_space<vmem>> -> memref<2x128xi32, #tpu.memory_space<vmem>>
    %dma_start3A_96 = arith.constant 0 : i32
    %dma_start3A_97 = tpu.memref_slice %arg3[%dma_start3A_83, %add3A_82, %dma_start3A_96] : memref<2x2529x128xi32, #tpu.memory_space<hbm>> -> memref<1x2x128xi32, #tpu.memory_space<hbm>>
    %dma_start3A_98 = tpu.memref_squeeze %dma_start3A_97 : memref<1x2x128xi32, #tpu.memory_space<hbm>> -> memref<2x128xi32, #tpu.memory_space<hbm>>
    tpu.enqueue_dma source(%dma_start3A_98 : memref<2x128xi32, #tpu.memory_space<hbm>>) target(%dma_start3A_95 : memref<2x128xi32, #tpu.memory_space<vmem>>) target_semaphore(%arg15 : memref<!tpu.dma_semaphore, #tpu.memory_space<semaphore_mem>>)
    %add3A_99 = arith.constant 0 : i32
    %add3A_100 = arith.addi %mul3A_80, %add3A_99 : i32
    %dma_start3A_101 = arith.constant 1 : i32
    %dma_start3A_102 = arith.constant 0 : i32
    %dma_start3A_103 = arith.constant 0 : i32
    %dma_start3A_104 = arith.constant 0 : i32
    %dma_start3A_105 = tpu.memref_slice %arg7[%dma_start3A_102, %dma_start3A_103, %dma_start3A_104] : memref<2x2x128xi32, #tpu.memory_space<vmem>> -> memref<1x2x128xi32, #tpu.memory_space<vmem>>
    %dma_start3A_106 = tpu.memref_squeeze %dma_start3A_105 : memref<1x2x128xi32, #tpu.memory_space<vmem>> -> memref<2x128xi32, #tpu.memory_space<vmem>>
    %dma_start3A_107 = arith.constant 0 : i32
    %dma_start3A_108 = tpu.memref_slice %arg3[%dma_start3A_101, %add3A_100, %dma_start3A_107] : memref<2x2529x128xi32, #tpu.memory_space<hbm>> -> memref<1x2x128xi32, #tpu.memory_space<hbm>>
    %dma_start3A_109 = tpu.memref_squeeze %dma_start3A_108 : memref<1x2x128xi32, #tpu.memory_space<hbm>> -> memref<2x128xi32, #tpu.memory_space<hbm>>
    %dma_start3A_110 = arith.constant 0 : i32
    %dma_start3A_111 = arith.constant 0 : i32
    %dma_start3A_112 = tpu.memref_slice %arg7[%dma_start3A_102, %dma_start3A_110, %dma_start3A_111] : memref<2x2x128xi32, #tpu.memory_space<vmem>> -> memref<1x2x128xi32, #tpu.memory_space<vmem>>
    %dma_start3A_113 = tpu.memref_squeeze %dma_start3A_112 : memref<1x2x128xi32, #tpu.memory_space<vmem>> -> memref<2x128xi32, #tpu.memory_space<vmem>>
    %dma_start3A_114 = arith.constant 0 : i32
    %dma_start3A_115 = tpu.memref_slice %arg3[%dma_start3A_101, %add3A_100, %dma_start3A_114] : memref<2x2529x128xi32, #tpu.memory_space<hbm>> -> memref<1x2x128xi32, #tpu.memory_space<hbm>>
    %dma_start3A_116 = tpu.memref_squeeze %dma_start3A_115 : memref<1x2x128xi32, #tpu.memory_space<hbm>> -> memref<2x128xi32, #tpu.memory_space<hbm>>
    tpu.enqueue_dma source(%dma_start3A_116 : memref<2x128xi32, #tpu.memory_space<hbm>>) target(%dma_start3A_113 : memref<2x128xi32, #tpu.memory_space<vmem>>) target_semaphore(%arg15 : memref<!tpu.dma_semaphore, #tpu.memory_space<semaphore_mem>>)
    %add3A_117 = arith.constant 0 : i32
    %add3A_118 = arith.addi %mul3A_80, %add3A_117 : i32
    %dma_wait3A_119 = arith.constant 0 : i32
    %dma_wait3A_120 = arith.constant 0 : i32
    %dma_wait3A_121 = arith.constant 0 : i32
    %dma_wait3A_122 = arith.constant 0 : i32
    %dma_wait3A_123 = tpu.memref_slice %arg6[%dma_wait3A_120, %dma_wait3A_121, %dma_wait3A_122] : memref<2x2x128xi32, #tpu.memory_space<vmem>> -> memref<1x2x128xi32, #tpu.memory_space<vmem>>
    %dma_wait3A_124 = tpu.memref_squeeze %dma_wait3A_123 : memref<1x2x128xi32, #tpu.memory_space<vmem>> -> memref<2x128xi32, #tpu.memory_space<vmem>>
    %dma_wait3A_125 = arith.constant 0 : i32
    %dma_wait3A_126 = tpu.memref_slice %arg3[%dma_wait3A_119, %add3A_118, %dma_wait3A_125] : memref<2x2529x128xi32, #tpu.memory_space<hbm>> -> memref<1x2x128xi32, #tpu.memory_space<hbm>>
    %dma_wait3A_127 = tpu.memref_squeeze %dma_wait3A_126 : memref<1x2x128xi32, #tpu.memory_space<hbm>> -> memref<2x128xi32, #tpu.memory_space<hbm>>
    %dma_wait3A_128 = arith.constant 0 : i32
    %dma_wait3A_129 = arith.constant 0 : i32
    %dma_wait3A_130 = tpu.memref_slice %arg6[%dma_wait3A_120, %dma_wait3A_128, %dma_wait3A_129] : memref<2x2x128xi32, #tpu.memory_space<vmem>> -> memref<1x2x128xi32, #tpu.memory_space<vmem>>
    %dma_wait3A_131 = tpu.memref_squeeze %dma_wait3A_130 : memref<1x2x128xi32, #tpu.memory_space<vmem>> -> memref<2x128xi32, #tpu.memory_space<vmem>>
    %dma_wait3A_132 = arith.constant 0 : i32
    %dma_wait3A_133 = tpu.memref_slice %arg3[%dma_wait3A_119, %add3A_118, %dma_wait3A_132] : memref<2x2529x128xi32, #tpu.memory_space<hbm>> -> memref<1x2x128xi32, #tpu.memory_space<hbm>>
    %dma_wait3A_134 = tpu.memref_squeeze %dma_wait3A_133 : memref<1x2x128xi32, #tpu.memory_space<hbm>> -> memref<2x128xi32, #tpu.memory_space<hbm>>
    tpu.wait_dma2 semaphore(%arg15 : memref<!tpu.dma_semaphore, #tpu.memory_space<semaphore_mem>>) src(%dma_wait3A_134 : memref<2x128xi32, #tpu.memory_space<hbm>>) dst(%dma_wait3A_131 : memref<2x128xi32, #tpu.memory_space<vmem>>)
    %add3A_135 = arith.constant 0 : i32
    %add3A_136 = arith.addi %mul3A_80, %add3A_135 : i32
    %dma_wait3A_137 = arith.constant 1 : i32
    %dma_wait3A_138 = arith.constant 0 : i32
    %dma_wait3A_139 = arith.constant 0 : i32
    %dma_wait3A_140 = arith.constant 0 : i32
    %dma_wait3A_141 = tpu.memref_slice %arg7[%dma_wait3A_138, %dma_wait3A_139, %dma_wait3A_140] : memref<2x2x128xi32, #tpu.memory_space<vmem>> -> memref<1x2x128xi32, #tpu.memory_space<vmem>>
    %dma_wait3A_142 = tpu.memref_squeeze %dma_wait3A_141 : memref<1x2x128xi32, #tpu.memory_space<vmem>> -> memref<2x128xi32, #tpu.memory_space<vmem>>
    %dma_wait3A_143 = arith.constant 0 : i32
    %dma_wait3A_144 = tpu.memref_slice %arg3[%dma_wait3A_137, %add3A_136, %dma_wait3A_143] : memref<2x2529x128xi32, #tpu.memory_space<hbm>> -> memref<1x2x128xi32, #tpu.memory_space<hbm>>
    %dma_wait3A_145 = tpu.memref_squeeze %dma_wait3A_144 : memref<1x2x128xi32, #tpu.memory_space<hbm>> -> memref<2x128xi32, #tpu.memory_space<hbm>>
    %dma_wait3A_146 = arith.constant 0 : i32
    %dma_wait3A_147 = arith.constant 0 : i32
    %dma_wait3A_148 = tpu.memref_slice %arg7[%dma_wait3A_138, %dma_wait3A_146, %dma_wait3A_147] : memref<2x2x128xi32, #tpu.memory_space<vmem>> -> memref<1x2x128xi32, #tpu.memory_space<vmem>>
    %dma_wait3A_149 = tpu.memref_squeeze %dma_wait3A_148 : memref<1x2x128xi32, #tpu.memory_space<vmem>> -> memref<2x128xi32, #tpu.memory_space<vmem>>
    %dma_wait3A_150 = arith.constant 0 : i32
    %dma_wait3A_151 = tpu.memref_slice %arg3[%dma_wait3A_137, %add3A_136, %dma_wait3A_150] : memref<2x2529x128xi32, #tpu.memory_space<hbm>> -> memref<1x2x128xi32, #tpu.memory_space<hbm>>
    %dma_wait3A_152 = tpu.memref_squeeze %dma_wait3A_151 : memref<1x2x128xi32, #tpu.memory_space<hbm>> -> memref<2x128xi32, #tpu.memory_space<hbm>>
    tpu.wait_dma2 semaphore(%arg15 : memref<!tpu.dma_semaphore, #tpu.memory_space<semaphore_mem>>) src(%dma_wait3A_152 : memref<2x128xi32, #tpu.memory_space<hbm>>) dst(%dma_wait3A_149 : memref<2x128xi32, #tpu.memory_space<vmem>>)
    %dma_start3A_153 = arith.constant 0 : i32
    %dma_start3A_154 = arith.constant 0 : i32
    %dma_start3A_155 = arith.constant 0 : i32
    %dma_start3A_156 = tpu.memref_slice %arg6[%dma_start3A_153, %dma_start3A_154, %dma_start3A_155] : memref<2x2x128xi32, #tpu.memory_space<vmem>> -> memref<1x1x128xi32, #tpu.memory_space<vmem>>
    %dma_start3A_157 = tpu.memref_squeeze %dma_start3A_156 : memref<1x1x128xi32, #tpu.memory_space<vmem>> -> memref<128xi32, #tpu.memory_space<vmem>>
    %dma_start3A_158 = arith.constant 0 : i32
    %dma_start3A_159 = arith.constant 0 : i32
    %dma_start3A_160 = tpu.memref_slice %arg2[%dma_start3A_158, %dma_start3A_159] : memref<10000x128xf32, #tpu.memory_space<hbm>> -> memref<10000x128xf32, #tpu.memory_space<hbm>>
    tpu.enqueue_indirect_dma source(%dma_start3A_160 : memref<10000x128xf32, #tpu.memory_space<hbm>>) target(%arg8 : memref<128x128xf32, #tpu.memory_space<vmem>>) offsets(%dma_start3A_157 : memref<128xi32, #tpu.memory_space<vmem>>) semaphore(%arg11 : memref<!tpu.dma_semaphore, #tpu.memory_space<semaphore_mem>>)
    %add3A_161 = arith.constant 2 : i32
    %add3A_162 = arith.addi %mul3A_80, %add3A_161 : i32
    %dma_start3A_163 = arith.constant 0 : i32
    %dma_start3A_164 = arith.constant 1 : i32
    %dma_start3A_165 = arith.constant 0 : i32
    %dma_start3A_166 = arith.constant 0 : i32
    %dma_start3A_167 = tpu.memref_slice %arg6[%dma_start3A_164, %dma_start3A_165, %dma_start3A_166] : memref<2x2x128xi32, #tpu.memory_space<vmem>> -> memref<1x2x128xi32, #tpu.memory_space<vmem>>
    %dma_start3A_168 = tpu.memref_squeeze %dma_start3A_167 : memref<1x2x128xi32, #tpu.memory_space<vmem>> -> memref<2x128xi32, #tpu.memory_space<vmem>>
    %dma_start3A_169 = arith.constant 0 : i32
    %dma_start3A_170 = tpu.memref_slice %arg3[%dma_start3A_163, %add3A_162, %dma_start3A_169] : memref<2x2529x128xi32, #tpu.memory_space<hbm>> -> memref<1x2x128xi32, #tpu.memory_space<hbm>>
    %dma_start3A_171 = tpu.memref_squeeze %dma_start3A_170 : memref<1x2x128xi32, #tpu.memory_space<hbm>> -> memref<2x128xi32, #tpu.memory_space<hbm>>
    %dma_start3A_172 = arith.constant 0 : i32
    %dma_start3A_173 = arith.constant 0 : i32
    %dma_start3A_174 = tpu.memref_slice %arg6[%dma_start3A_164, %dma_start3A_172, %dma_start3A_173] : memref<2x2x128xi32, #tpu.memory_space<vmem>> -> memref<1x2x128xi32, #tpu.memory_space<vmem>>
    %dma_start3A_175 = tpu.memref_squeeze %dma_start3A_174 : memref<1x2x128xi32, #tpu.memory_space<vmem>> -> memref<2x128xi32, #tpu.memory_space<vmem>>
    %dma_start3A_176 = arith.constant 0 : i32
    %dma_start3A_177 = tpu.memref_slice %arg3[%dma_start3A_163, %add3A_162, %dma_start3A_176] : memref<2x2529x128xi32, #tpu.memory_space<hbm>> -> memref<1x2x128xi32, #tpu.memory_space<hbm>>
    %dma_start3A_178 = tpu.memref_squeeze %dma_start3A_177 : memref<1x2x128xi32, #tpu.memory_space<hbm>> -> memref<2x128xi32, #tpu.memory_space<hbm>>
    tpu.enqueue_dma source(%dma_start3A_178 : memref<2x128xi32, #tpu.memory_space<hbm>>) target(%dma_start3A_175 : memref<2x128xi32, #tpu.memory_space<vmem>>) target_semaphore(%arg16 : memref<!tpu.dma_semaphore, #tpu.memory_space<semaphore_mem>>)
    %add3A_179 = arith.constant 2 : i32
    %add3A_180 = arith.addi %mul3A_80, %add3A_179 : i32
    %dma_start3A_181 = arith.constant 1 : i32
    %dma_start3A_182 = arith.constant 1 : i32
    %dma_start3A_183 = arith.constant 0 : i32
    %dma_start3A_184 = arith.constant 0 : i32
    %dma_start3A_185 = tpu.memref_slice %arg7[%dma_start3A_182, %dma_start3A_183, %dma_start3A_184] : memref<2x2x128xi32, #tpu.memory_space<vmem>> -> memref<1x2x128xi32, #tpu.memory_space<vmem>>
    %dma_start3A_186 = tpu.memref_squeeze %dma_start3A_185 : memref<1x2x128xi32, #tpu.memory_space<vmem>> -> memref<2x128xi32, #tpu.memory_space<vmem>>
    %dma_start3A_187 = arith.constant 0 : i32
    %dma_start3A_188 = tpu.memref_slice %arg3[%dma_start3A_181, %add3A_180, %dma_start3A_187] : memref<2x2529x128xi32, #tpu.memory_space<hbm>> -> memref<1x2x128xi32, #tpu.memory_space<hbm>>
    %dma_start3A_189 = tpu.memref_squeeze %dma_start3A_188 : memref<1x2x128xi32, #tpu.memory_space<hbm>> -> memref<2x128xi32, #tpu.memory_space<hbm>>
    %dma_start3A_190 = arith.constant 0 : i32
    %dma_start3A_191 = arith.constant 0 : i32
    %dma_start3A_192 = tpu.memref_slice %arg7[%dma_start3A_182, %dma_start3A_190, %dma_start3A_191] : memref<2x2x128xi32, #tpu.memory_space<vmem>> -> memref<1x2x128xi32, #tpu.memory_space<vmem>>
    %dma_start3A_193 = tpu.memref_squeeze %dma_start3A_192 : memref<1x2x128xi32, #tpu.memory_space<vmem>> -> memref<2x128xi32, #tpu.memory_space<vmem>>
    %dma_start3A_194 = arith.constant 0 : i32
    %dma_start3A_195 = tpu.memref_slice %arg3[%dma_start3A_181, %add3A_180, %dma_start3A_194] : memref<2x2529x128xi32, #tpu.memory_space<hbm>> -> memref<1x2x128xi32, #tpu.memory_space<hbm>>
    %dma_start3A_196 = tpu.memref_squeeze %dma_start3A_195 : memref<1x2x128xi32, #tpu.memory_space<hbm>> -> memref<2x128xi32, #tpu.memory_space<hbm>>
    tpu.enqueue_dma source(%dma_start3A_196 : memref<2x128xi32, #tpu.memory_space<hbm>>) target(%dma_start3A_193 : memref<2x128xi32, #tpu.memory_space<vmem>>) target_semaphore(%arg16 : memref<!tpu.dma_semaphore, #tpu.memory_space<semaphore_mem>>)
    %dma_wait3A_197 = arith.constant 0 : i32
    %dma_wait3A_198 = arith.constant 0 : i32
    %dma_wait3A_199 = arith.constant 0 : i32
    %dma_wait3A_200 = tpu.memref_slice %arg6[%dma_wait3A_197, %dma_wait3A_198, %dma_wait3A_199] : memref<2x2x128xi32, #tpu.memory_space<vmem>> -> memref<1x1x128xi32, #tpu.memory_space<vmem>>
    %dma_wait3A_201 = tpu.memref_squeeze %dma_wait3A_200 : memref<1x1x128xi32, #tpu.memory_space<vmem>> -> memref<128xi32, #tpu.memory_space<vmem>>
    %dma_wait3A_202 = arith.constant 0 : i32
    %dma_wait3A_203 = arith.constant 0 : i32
    %dma_wait3A_204 = tpu.memref_slice %arg2[%dma_wait3A_202, %dma_wait3A_203] : memref<10000x128xf32, #tpu.memory_space<hbm>> -> memref<10000x128xf32, #tpu.memory_space<hbm>>
    tpu.wait_indirect_dma semaphore(%arg11 : memref<!tpu.dma_semaphore, #tpu.memory_space<semaphore_mem>>) src(%dma_wait3A_204 : memref<10000x128xf32, #tpu.memory_space<hbm>>) dst(%arg8 : memref<128x128xf32, #tpu.memory_space<vmem>>)
    %dma_start3A_205 = arith.constant 0 : i32
    %dma_start3A_206 = arith.constant 1 : i32
    %dma_start3A_207 = arith.constant 0 : i32
    %dma_start3A_208 = tpu.memref_slice %arg6[%dma_start3A_205, %dma_start3A_206, %dma_start3A_207] : memref<2x2x128xi32, #tpu.memory_space<vmem>> -> memref<1x1x128xi32, #tpu.memory_space<vmem>>
    %dma_start3A_209 = tpu.memref_squeeze %dma_start3A_208 : memref<1x1x128xi32, #tpu.memory_space<vmem>> -> memref<128xi32, #tpu.memory_space<vmem>>
    %dma_start3A_210 = arith.constant 0 : i32
    %dma_start3A_211 = arith.constant 0 : i32
    %dma_start3A_212 = tpu.memref_slice %arg2[%dma_start3A_210, %dma_start3A_211] : memref<10000x128xf32, #tpu.memory_space<hbm>> -> memref<10000x128xf32, #tpu.memory_space<hbm>>
    tpu.enqueue_indirect_dma source(%dma_start3A_212 : memref<10000x128xf32, #tpu.memory_space<hbm>>) target(%arg9 : memref<128x128xf32, #tpu.memory_space<vmem>>) offsets(%dma_start3A_209 : memref<128xi32, #tpu.memory_space<vmem>>) semaphore(%arg12 : memref<!tpu.dma_semaphore, #tpu.memory_space<semaphore_mem>>)
    %dma_start3A_213 = arith.constant 0 : i32
    %dma_start3A_214 = arith.constant 0 : i32
    %dma_start3A_215 = arith.constant 0 : i32
    %dma_start3A_216 = tpu.memref_slice %arg7[%dma_start3A_213, %dma_start3A_214, %dma_start3A_215] : memref<2x2x128xi32, #tpu.memory_space<vmem>> -> memref<1x1x128xi32, #tpu.memory_space<vmem>>
    %dma_start3A_217 = tpu.memref_squeeze %dma_start3A_216 : memref<1x1x128xi32, #tpu.memory_space<vmem>> -> memref<128xi32, #tpu.memory_space<vmem>>
    %dma_start3A_218 = arith.constant 0 : i32
    %dma_start3A_219 = arith.constant 0 : i32
    %dma_start3A_220 = tpu.memref_slice %arg10[%dma_start3A_218, %dma_start3A_219] : memref<10240x128xf32, #tpu.memory_space<vmem_shared>> -> memref<10240x128xf32, #tpu.memory_space<vmem_shared>>
    tpu.enqueue_indirect_dma source(%arg8 : memref<128x128xf32, #tpu.memory_space<vmem>>) target(%dma_start3A_220 : memref<10240x128xf32, #tpu.memory_space<vmem_shared>>) offsets(%dma_start3A_217 : memref<128xi32, #tpu.memory_space<vmem>>) semaphore(%arg13 : memref<!tpu.dma_semaphore, #tpu.memory_space<semaphore_mem>>) {add = true}
    %dma_wait3A_221 = arith.constant 0 : i32
    %dma_wait3A_222 = arith.constant 0 : i32
    %dma_wait3A_223 = arith.constant 0 : i32
    %dma_wait3A_224 = tpu.memref_slice %arg7[%dma_wait3A_221, %dma_wait3A_222, %dma_wait3A_223] : memref<2x2x128xi32, #tpu.memory_space<vmem>> -> memref<1x1x128xi32, #tpu.memory_space<vmem>>
    %dma_wait3A_225 = tpu.memref_squeeze %dma_wait3A_224 : memref<1x1x128xi32, #tpu.memory_space<vmem>> -> memref<128xi32, #tpu.memory_space<vmem>>
    %dma_wait3A_226 = arith.constant 0 : i32
    %dma_wait3A_227 = arith.constant 0 : i32
    %dma_wait3A_228 = tpu.memref_slice %arg10[%dma_wait3A_226, %dma_wait3A_227] : memref<10240x128xf32, #tpu.memory_space<vmem_shared>> -> memref<10240x128xf32, #tpu.memory_space<vmem_shared>>
    tpu.wait_indirect_dma semaphore(%arg13 : memref<!tpu.dma_semaphore, #tpu.memory_space<semaphore_mem>>) src(%arg8 : memref<128x128xf32, #tpu.memory_space<vmem>>) dst(%dma_wait3A_228 : memref<10240x128xf32, #tpu.memory_space<vmem_shared>>)
    %dma_wait3A_229 = arith.constant 0 : i32
    %dma_wait3A_230 = arith.constant 1 : i32
    %dma_wait3A_231 = arith.constant 0 : i32
    %dma_wait3A_232 = tpu.memref_slice %arg6[%dma_wait3A_229, %dma_wait3A_230, %dma_wait3A_231] : memref<2x2x128xi32, #tpu.memory_space<vmem>> -> memref<1x1x128xi32, #tpu.memory_space<vmem>>
    %dma_wait3A_233 = tpu.memref_squeeze %dma_wait3A_232 : memref<1x1x128xi32, #tpu.memory_space<vmem>> -> memref<128xi32, #tpu.memory_space<vmem>>
    %dma_wait3A_234 = arith.constant 0 : i32
    %dma_wait3A_235 = arith.constant 0 : i32
    %dma_wait3A_236 = tpu.memref_slice %arg2[%dma_wait3A_234, %dma_wait3A_235] : memref<10000x128xf32, #tpu.memory_space<hbm>> -> memref<10000x128xf32, #tpu.memory_space<hbm>>
    tpu.wait_indirect_dma semaphore(%arg12 : memref<!tpu.dma_semaphore, #tpu.memory_space<semaphore_mem>>) src(%dma_wait3A_236 : memref<10000x128xf32, #tpu.memory_space<hbm>>) dst(%arg9 : memref<128x128xf32, #tpu.memory_space<vmem>>)
    %add3A_237 = arith.constant 2 : i32
    %add3A_238 = arith.addi %mul3A_80, %add3A_237 : i32
    %dma_wait3A_239 = arith.constant 0 : i32
    %dma_wait3A_240 = arith.constant 1 : i32
    %dma_wait3A_241 = arith.constant 0 : i32
    %dma_wait3A_242 = arith.constant 0 : i32
    %dma_wait3A_243 = tpu.memref_slice %arg6[%dma_wait3A_240, %dma_wait3A_241, %dma_wait3A_242] : memref<2x2x128xi32, #tpu.memory_space<vmem>> -> memref<1x2x128xi32, #tpu.memory_space<vmem>>
    %dma_wait3A_244 = tpu.memref_squeeze %dma_wait3A_243 : memref<1x2x128xi32, #tpu.memory_space<vmem>> -> memref<2x128xi32, #tpu.memory_space<vmem>>
    %dma_wait3A_245 = arith.constant 0 : i32
    %dma_wait3A_246 = tpu.memref_slice %arg3[%dma_wait3A_239, %add3A_238, %dma_wait3A_245] : memref<2x2529x128xi32, #tpu.memory_space<hbm>> -> memref<1x2x128xi32, #tpu.memory_space<hbm>>
    %dma_wait3A_247 = tpu.memref_squeeze %dma_wait3A_246 : memref<1x2x128xi32, #tpu.memory_space<hbm>> -> memref<2x128xi32, #tpu.memory_space<hbm>>
    %dma_wait3A_248 = arith.constant 0 : i32
    %dma_wait3A_249 = arith.constant 0 : i32
    %dma_wait3A_250 = tpu.memref_slice %arg6[%dma_wait3A_240, %dma_wait3A_248, %dma_wait3A_249] : memref<2x2x128xi32, #tpu.memory_space<vmem>> -> memref<1x2x128xi32, #tpu.memory_space<vmem>>
    %dma_wait3A_251 = tpu.memref_squeeze %dma_wait3A_250 : memref<1x2x128xi32, #tpu.memory_space<vmem>> -> memref<2x128xi32, #tpu.memory_space<vmem>>
    %dma_wait3A_252 = arith.constant 0 : i32
    %dma_wait3A_253 = tpu.memref_slice %arg3[%dma_wait3A_239, %add3A_238, %dma_wait3A_252] : memref<2x2529x128xi32, #tpu.memory_space<hbm>> -> memref<1x2x128xi32, #tpu.memory_space<hbm>>
    %dma_wait3A_254 = tpu.memref_squeeze %dma_wait3A_253 : memref<1x2x128xi32, #tpu.memory_space<hbm>> -> memref<2x128xi32, #tpu.memory_space<hbm>>
    tpu.wait_dma2 semaphore(%arg16 : memref<!tpu.dma_semaphore, #tpu.memory_space<semaphore_mem>>) src(%dma_wait3A_254 : memref<2x128xi32, #tpu.memory_space<hbm>>) dst(%dma_wait3A_251 : memref<2x128xi32, #tpu.memory_space<vmem>>)
    %add3A_255 = arith.constant 2 : i32
    %add3A_256 = arith.addi %mul3A_80, %add3A_255 : i32
    %dma_wait3A_257 = arith.constant 1 : i32
    %dma_wait3A_258 = arith.constant 1 : i32
    %dma_wait3A_259 = arith.constant 0 : i32
    %dma_wait3A_260 = arith.constant 0 : i32
    %dma_wait3A_261 = tpu.memref_slice %arg7[%dma_wait3A_258, %dma_wait3A_259, %dma_wait3A_260] : memref<2x2x128xi32, #tpu.memory_space<vmem>> -> memref<1x2x128xi32, #tpu.memory_space<vmem>>
    %dma_wait3A_262 = tpu.memref_squeeze %dma_wait3A_261 : memref<1x2x128xi32, #tpu.memory_space<vmem>> -> memref<2x128xi32, #tpu.memory_space<vmem>>
    %dma_wait3A_263 = arith.constant 0 : i32
    %dma_wait3A_264 = tpu.memref_slice %arg3[%dma_wait3A_257, %add3A_256, %dma_wait3A_263] : memref<2x2529x128xi32, #tpu.memory_space<hbm>> -> memref<1x2x128xi32, #tpu.memory_space<hbm>>
    %dma_wait3A_265 = tpu.memref_squeeze %dma_wait3A_264 : memref<1x2x128xi32, #tpu.memory_space<hbm>> -> memref<2x128xi32, #tpu.memory_space<hbm>>
    %dma_wait3A_266 = arith.constant 0 : i32
    %dma_wait3A_267 = arith.constant 0 : i32
    %dma_wait3A_268 = tpu.memref_slice %arg7[%dma_wait3A_258, %dma_wait3A_266, %dma_wait3A_267] : memref<2x2x128xi32, #tpu.memory_space<vmem>> -> memref<1x2x128xi32, #tpu.memory_space<vmem>>
    %dma_wait3A_269 = tpu.memref_squeeze %dma_wait3A_268 : memref<1x2x128xi32, #tpu.memory_space<vmem>> -> memref<2x128xi32, #tpu.memory_space<vmem>>
    %dma_wait3A_270 = arith.constant 0 : i32
    %dma_wait3A_271 = tpu.memref_slice %arg3[%dma_wait3A_257, %add3A_256, %dma_wait3A_270] : memref<2x2529x128xi32, #tpu.memory_space<hbm>> -> memref<1x2x128xi32, #tpu.memory_space<hbm>>
    %dma_wait3A_272 = tpu.memref_squeeze %dma_wait3A_271 : memref<1x2x128xi32, #tpu.memory_space<hbm>> -> memref<2x128xi32, #tpu.memory_space<hbm>>
    tpu.wait_dma2 semaphore(%arg16 : memref<!tpu.dma_semaphore, #tpu.memory_space<semaphore_mem>>) src(%dma_wait3A_272 : memref<2x128xi32, #tpu.memory_space<hbm>>) dst(%dma_wait3A_269 : memref<2x128xi32, #tpu.memory_space<vmem>>)
    %dma_start3A_273 = arith.constant 1 : i32
    %dma_start3A_274 = arith.constant 0 : i32
    %dma_start3A_275 = arith.constant 0 : i32
    %dma_start3A_276 = tpu.memref_slice %arg6[%dma_start3A_273, %dma_start3A_274, %dma_start3A_275] : memref<2x2x128xi32, #tpu.memory_space<vmem>> -> memref<1x1x128xi32, #tpu.memory_space<vmem>>
    %dma_start3A_277 = tpu.memref_squeeze %dma_start3A_276 : memref<1x1x128xi32, #tpu.memory_space<vmem>> -> memref<128xi32, #tpu.memory_space<vmem>>
    %dma_start3A_278 = arith.constant 0 : i32
    %dma_start3A_279 = arith.constant 0 : i32
    %dma_start3A_280 = tpu.memref_slice %arg2[%dma_start3A_278, %dma_start3A_279] : memref<10000x128xf32, #tpu.memory_space<hbm>> -> memref<10000x128xf32, #tpu.memory_space<hbm>>
    tpu.enqueue_indirect_dma source(%dma_start3A_280 : memref<10000x128xf32, #tpu.memory_space<hbm>>) target(%arg8 : memref<128x128xf32, #tpu.memory_space<vmem>>) offsets(%dma_start3A_277 : memref<128xi32, #tpu.memory_space<vmem>>) semaphore(%arg11 : memref<!tpu.dma_semaphore, #tpu.memory_space<semaphore_mem>>)
    %dma_start3A_281 = arith.constant 0 : i32
    %dma_start3A_282 = arith.constant 1 : i32
    %dma_start3A_283 = arith.constant 0 : i32
    %dma_start3A_284 = tpu.memref_slice %arg7[%dma_start3A_281, %dma_start3A_282, %dma_start3A_283] : memref<2x2x128xi32, #tpu.memory_space<vmem>> -> memref<1x1x128xi32, #tpu.memory_space<vmem>>
    %dma_start3A_285 = tpu.memref_squeeze %dma_start3A_284 : memref<1x1x128xi32, #tpu.memory_space<vmem>> -> memref<128xi32, #tpu.memory_space<vmem>>
    %dma_start3A_286 = arith.constant 0 : i32
    %dma_start3A_287 = arith.constant 0 : i32
    %dma_start3A_288 = tpu.memref_slice %arg10[%dma_start3A_286, %dma_start3A_287] : memref<10240x128xf32, #tpu.memory_space<vmem_shared>> -> memref<10240x128xf32, #tpu.memory_space<vmem_shared>>
    tpu.enqueue_indirect_dma source(%arg9 : memref<128x128xf32, #tpu.memory_space<vmem>>) target(%dma_start3A_288 : memref<10240x128xf32, #tpu.memory_space<vmem_shared>>) offsets(%dma_start3A_285 : memref<128xi32, #tpu.memory_space<vmem>>) semaphore(%arg14 : memref<!tpu.dma_semaphore, #tpu.memory_space<semaphore_mem>>) {add = true}
    %scan3A = arith.constant 0 : i32
    %scan3A_289 = arith.constant 19 : i32
    %scan3A_290 = arith.addi %scan3A, %scan3A_289 : i32
    %scan3A_291 = arith.constant 1 : i32
    scf.for %scan3A_446 = %scan3A to %scan3A_290 step %scan3A_291  : i32 {
      %mul3A_447 = arith.constant 4 : i32
      %mul3A_448 = arith.muli %scan3A_446, %mul3A_447 : i32
      %add3A_449 = arith.constant 2 : i32
      %add3A_450 = arith.addi %add3A_449, %mul3A_448 : i32
      %add3A_451 = arith.constant 0 : i32
      %add3A_452 = arith.addi %add3A_450, %add3A_451 : i32
      %dma_wait3A_453 = arith.constant 0 : i32
      %dma_wait3A_454 = arith.constant 1 : i32
      %dma_wait3A_455 = arith.constant 0 : i32
      %dma_wait3A_456 = tpu.memref_slice %arg7[%dma_wait3A_453, %dma_wait3A_454, %dma_wait3A_455] : memref<2x2x128xi32, #tpu.memory_space<vmem>> -> memref<1x1x128xi32, #tpu.memory_space<vmem>>
      %dma_wait3A_457 = tpu.memref_squeeze %dma_wait3A_456 : memref<1x1x128xi32, #tpu.memory_space<vmem>> -> memref<128xi32, #tpu.memory_space<vmem>>
      %dma_wait3A_458 = arith.constant 0 : i32
      %dma_wait3A_459 = arith.constant 0 : i32
      %dma_wait3A_460 = tpu.memref_slice %arg10[%dma_wait3A_458, %dma_wait3A_459] : memref<10240x128xf32, #tpu.memory_space<vmem_shared>> -> memref<10240x128xf32, #tpu.memory_space<vmem_shared>>
      tpu.wait_indirect_dma semaphore(%arg14 : memref<!tpu.dma_semaphore, #tpu.memory_space<semaphore_mem>>) src(%arg9 : memref<128x128xf32, #tpu.memory_space<vmem>>) dst(%dma_wait3A_460 : memref<10240x128xf32, #tpu.memory_space<vmem_shared>>)
      %add3A_461 = arith.constant 2 : i32
      %add3A_462 = arith.addi %add3A_452, %add3A_461 : i32
      %add3A_463 = arith.addi %mul3A_80, %add3A_462 : i32
      %dma_start3A_464 = arith.constant 0 : i32
      %dma_start3A_465 = arith.constant 0 : i32
      %dma_start3A_466 = arith.constant 0 : i32
      %dma_start3A_467 = arith.constant 0 : i32
      %dma_start3A_468 = tpu.memref_slice %arg6[%dma_start3A_465, %dma_start3A_466, %dma_start3A_467] : memref<2x2x128xi32, #tpu.memory_space<vmem>> -> memref<1x2x128xi32, #tpu.memory_space<vmem>>
      %dma_start3A_469 = tpu.memref_squeeze %dma_start3A_468 : memref<1x2x128xi32, #tpu.memory_space<vmem>> -> memref<2x128xi32, #tpu.memory_space<vmem>>
      %dma_start3A_470 = arith.constant 0 : i32
      %dma_start3A_471 = tpu.memref_slice %arg3[%dma_start3A_464, %add3A_463, %dma_start3A_470] : memref<2x2529x128xi32, #tpu.memory_space<hbm>> -> memref<1x2x128xi32, #tpu.memory_space<hbm>>
      %dma_start3A_472 = tpu.memref_squeeze %dma_start3A_471 : memref<1x2x128xi32, #tpu.memory_space<hbm>> -> memref<2x128xi32, #tpu.memory_space<hbm>>
      %dma_start3A_473 = arith.constant 0 : i32
      %dma_start3A_474 = arith.constant 0 : i32
      %dma_start3A_475 = tpu.memref_slice %arg6[%dma_start3A_465, %dma_start3A_473, %dma_start3A_474] : memref<2x2x128xi32, #tpu.memory_space<vmem>> -> memref<1x2x128xi32, #tpu.memory_space<vmem>>
      %dma_start3A_476 = tpu.memref_squeeze %dma_start3A_475 : memref<1x2x128xi32, #tpu.memory_space<vmem>> -> memref<2x128xi32, #tpu.memory_space<vmem>>
      %dma_start3A_477 = arith.constant 0 : i32
      %dma_start3A_478 = tpu.memref_slice %arg3[%dma_start3A_464, %add3A_463, %dma_start3A_477] : memref<2x2529x128xi32, #tpu.memory_space<hbm>> -> memref<1x2x128xi32, #tpu.memory_space<hbm>>
      %dma_start3A_479 = tpu.memref_squeeze %dma_start3A_478 : memref<1x2x128xi32, #tpu.memory_space<hbm>> -> memref<2x128xi32, #tpu.memory_space<hbm>>
      tpu.enqueue_dma source(%dma_start3A_479 : memref<2x128xi32, #tpu.memory_space<hbm>>) target(%dma_start3A_476 : memref<2x128xi32, #tpu.memory_space<vmem>>) target_semaphore(%arg15 : memref<!tpu.dma_semaphore, #tpu.memory_space<semaphore_mem>>)
      %add3A_480 = arith.addi %mul3A_80, %add3A_462 : i32
      %dma_start3A_481 = arith.constant 1 : i32
      %dma_start3A_482 = arith.constant 0 : i32
      %dma_start3A_483 = arith.constant 0 : i32
      %dma_start3A_484 = arith.constant 0 : i32
      %dma_start3A_485 = tpu.memref_slice %arg7[%dma_start3A_482, %dma_start3A_483, %dma_start3A_484] : memref<2x2x128xi32, #tpu.memory_space<vmem>> -> memref<1x2x128xi32, #tpu.memory_space<vmem>>
      %dma_start3A_486 = tpu.memref_squeeze %dma_start3A_485 : memref<1x2x128xi32, #tpu.memory_space<vmem>> -> memref<2x128xi32, #tpu.memory_space<vmem>>
      %dma_start3A_487 = arith.constant 0 : i32
      %dma_start3A_488 = tpu.memref_slice %arg3[%dma_start3A_481, %add3A_480, %dma_start3A_487] : memref<2x2529x128xi32, #tpu.memory_space<hbm>> -> memref<1x2x128xi32, #tpu.memory_space<hbm>>
      %dma_start3A_489 = tpu.memref_squeeze %dma_start3A_488 : memref<1x2x128xi32, #tpu.memory_space<hbm>> -> memref<2x128xi32, #tpu.memory_space<hbm>>
      %dma_start3A_490 = arith.constant 0 : i32
      %dma_start3A_491 = arith.constant 0 : i32
      %dma_start3A_492 = tpu.memref_slice %arg7[%dma_start3A_482, %dma_start3A_490, %dma_start3A_491] : memref<2x2x128xi32, #tpu.memory_space<vmem>> -> memref<1x2x128xi32, #tpu.memory_space<vmem>>
      %dma_start3A_493 = tpu.memref_squeeze %dma_start3A_492 : memref<1x2x128xi32, #tpu.memory_space<vmem>> -> memref<2x128xi32, #tpu.memory_space<vmem>>
      %dma_start3A_494 = arith.constant 0 : i32
      %dma_start3A_495 = tpu.memref_slice %arg3[%dma_start3A_481, %add3A_480, %dma_start3A_494] : memref<2x2529x128xi32, #tpu.memory_space<hbm>> -> memref<1x2x128xi32, #tpu.memory_space<hbm>>
      %dma_start3A_496 = tpu.memref_squeeze %dma_start3A_495 : memref<1x2x128xi32, #tpu.memory_space<hbm>> -> memref<2x128xi32, #tpu.memory_space<hbm>>
      tpu.enqueue_dma source(%dma_start3A_496 : memref<2x128xi32, #tpu.memory_space<hbm>>) target(%dma_start3A_493 : memref<2x128xi32, #tpu.memory_space<vmem>>) target_semaphore(%arg15 : memref<!tpu.dma_semaphore, #tpu.memory_space<semaphore_mem>>)
      %dma_wait3A_497 = arith.constant 1 : i32
      %dma_wait3A_498 = arith.constant 0 : i32
      %dma_wait3A_499 = arith.constant 0 : i32
      %dma_wait3A_500 = tpu.memref_slice %arg6[%dma_wait3A_497, %dma_wait3A_498, %dma_wait3A_499] : memref<2x2x128xi32, #tpu.memory_space<vmem>> -> memref<1x1x128xi32, #tpu.memory_space<vmem>>
      %dma_wait3A_501 = tpu.memref_squeeze %dma_wait3A_500 : memref<1x1x128xi32, #tpu.memory_space<vmem>> -> memref<128xi32, #tpu.memory_space<vmem>>
      %dma_wait3A_502 = arith.constant 0 : i32
      %dma_wait3A_503 = arith.constant 0 : i32
      %dma_wait3A_504 = tpu.memref_slice %arg2[%dma_wait3A_502, %dma_wait3A_503] : memref<10000x128xf32, #tpu.memory_space<hbm>> -> memref<10000x128xf32, #tpu.memory_space<hbm>>
      tpu.wait_indirect_dma semaphore(%arg11 : memref<!tpu.dma_semaphore, #tpu.memory_space<semaphore_mem>>) src(%dma_wait3A_504 : memref<10000x128xf32, #tpu.memory_space<hbm>>) dst(%arg8 : memref<128x128xf32, #tpu.memory_space<vmem>>)
      %dma_start3A_505 = arith.constant 1 : i32
      %dma_start3A_506 = arith.constant 1 : i32
      %dma_start3A_507 = arith.constant 0 : i32
      %dma_start3A_508 = tpu.memref_slice %arg6[%dma_start3A_505, %dma_start3A_506, %dma_start3A_507] : memref<2x2x128xi32, #tpu.memory_space<vmem>> -> memref<1x1x128xi32, #tpu.memory_space<vmem>>
      %dma_start3A_509 = tpu.memref_squeeze %dma_start3A_508 : memref<1x1x128xi32, #tpu.memory_space<vmem>> -> memref<128xi32, #tpu.memory_space<vmem>>
      %dma_start3A_510 = arith.constant 0 : i32
      %dma_start3A_511 = arith.constant 0 : i32
      %dma_start3A_512 = tpu.memref_slice %arg2[%dma_start3A_510, %dma_start3A_511] : memref<10000x128xf32, #tpu.memory_space<hbm>> -> memref<10000x128xf32, #tpu.memory_space<hbm>>
      tpu.enqueue_indirect_dma source(%dma_start3A_512 : memref<10000x128xf32, #tpu.memory_space<hbm>>) target(%arg9 : memref<128x128xf32, #tpu.memory_space<vmem>>) offsets(%dma_start3A_509 : memref<128xi32, #tpu.memory_space<vmem>>) semaphore(%arg12 : memref<!tpu.dma_semaphore, #tpu.memory_space<semaphore_mem>>)
      %dma_start3A_513 = arith.constant 1 : i32
      %dma_start3A_514 = arith.constant 0 : i32
      %dma_start3A_515 = arith.constant 0 : i32
      %dma_start3A_516 = tpu.memref_slice %arg7[%dma_start3A_513, %dma_start3A_514, %dma_start3A_515] : memref<2x2x128xi32, #tpu.memory_space<vmem>> -> memref<1x1x128xi32, #tpu.memory_space<vmem>>
      %dma_start3A_517 = tpu.memref_squeeze %dma_start3A_516 : memref<1x1x128xi32, #tpu.memory_space<vmem>> -> memref<128xi32, #tpu.memory_space<vmem>>
      %dma_start3A_518 = arith.constant 0 : i32
      %dma_start3A_519 = arith.constant 0 : i32
      %dma_start3A_520 = tpu.memref_slice %arg10[%dma_start3A_518, %dma_start3A_519] : memref<10240x128xf32, #tpu.memory_space<vmem_shared>> -> memref<10240x128xf32, #tpu.memory_space<vmem_shared>>
      tpu.enqueue_indirect_dma source(%arg8 : memref<128x128xf32, #tpu.memory_space<vmem>>) target(%dma_start3A_520 : memref<10240x128xf32, #tpu.memory_space<vmem_shared>>) offsets(%dma_start3A_517 : memref<128xi32, #tpu.memory_space<vmem>>) semaphore(%arg13 : memref<!tpu.dma_semaphore, #tpu.memory_space<semaphore_mem>>) {add = true}
      %add3A_521 = arith.constant 1 : i32
      %add3A_522 = arith.addi %add3A_450, %add3A_521 : i32
      %dma_wait3A_523 = arith.constant 1 : i32
      %dma_wait3A_524 = arith.constant 0 : i32
      %dma_wait3A_525 = arith.constant 0 : i32
      %dma_wait3A_526 = tpu.memref_slice %arg7[%dma_wait3A_523, %dma_wait3A_524, %dma_wait3A_525] : memref<2x2x128xi32, #tpu.memory_space<vmem>> -> memref<1x1x128xi32, #tpu.memory_space<vmem>>
      %dma_wait3A_527 = tpu.memref_squeeze %dma_wait3A_526 : memref<1x1x128xi32, #tpu.memory_space<vmem>> -> memref<128xi32, #tpu.memory_space<vmem>>
      %dma_wait3A_528 = arith.constant 0 : i32
      %dma_wait3A_529 = arith.constant 0 : i32
      %dma_wait3A_530 = tpu.memref_slice %arg10[%dma_wait3A_528, %dma_wait3A_529] : memref<10240x128xf32, #tpu.memory_space<vmem_shared>> -> memref<10240x128xf32, #tpu.memory_space<vmem_shared>>
      tpu.wait_indirect_dma semaphore(%arg13 : memref<!tpu.dma_semaphore, #tpu.memory_space<semaphore_mem>>) src(%arg8 : memref<128x128xf32, #tpu.memory_space<vmem>>) dst(%dma_wait3A_530 : memref<10240x128xf32, #tpu.memory_space<vmem_shared>>)
      %dma_wait3A_531 = arith.constant 1 : i32
      %dma_wait3A_532 = arith.constant 1 : i32
      %dma_wait3A_533 = arith.constant 0 : i32
      %dma_wait3A_534 = tpu.memref_slice %arg6[%dma_wait3A_531, %dma_wait3A_532, %dma_wait3A_533] : memref<2x2x128xi32, #tpu.memory_space<vmem>> -> memref<1x1x128xi32, #tpu.memory_space<vmem>>
      %dma_wait3A_535 = tpu.memref_squeeze %dma_wait3A_534 : memref<1x1x128xi32, #tpu.memory_space<vmem>> -> memref<128xi32, #tpu.memory_space<vmem>>
      %dma_wait3A_536 = arith.constant 0 : i32
      %dma_wait3A_537 = arith.constant 0 : i32
      %dma_wait3A_538 = tpu.memref_slice %arg2[%dma_wait3A_536, %dma_wait3A_537] : memref<10000x128xf32, #tpu.memory_space<hbm>> -> memref<10000x128xf32, #tpu.memory_space<hbm>>
      tpu.wait_indirect_dma semaphore(%arg12 : memref<!tpu.dma_semaphore, #tpu.memory_space<semaphore_mem>>) src(%dma_wait3A_538 : memref<10000x128xf32, #tpu.memory_space<hbm>>) dst(%arg9 : memref<128x128xf32, #tpu.memory_space<vmem>>)
      %add3A_539 = arith.constant 1 : i32
      %add3A_540 = arith.addi %add3A_522, %add3A_539 : i32
      %add3A_541 = arith.addi %mul3A_80, %add3A_540 : i32
      %dma_wait3A_542 = arith.constant 0 : i32
      %dma_wait3A_543 = arith.constant 0 : i32
      %dma_wait3A_544 = arith.constant 0 : i32
      %dma_wait3A_545 = arith.constant 0 : i32
      %dma_wait3A_546 = tpu.memref_slice %arg6[%dma_wait3A_543, %dma_wait3A_544, %dma_wait3A_545] : memref<2x2x128xi32, #tpu.memory_space<vmem>> -> memref<1x2x128xi32, #tpu.memory_space<vmem>>
      %dma_wait3A_547 = tpu.memref_squeeze %dma_wait3A_546 : memref<1x2x128xi32, #tpu.memory_space<vmem>> -> memref<2x128xi32, #tpu.memory_space<vmem>>
      %dma_wait3A_548 = arith.constant 0 : i32
      %dma_wait3A_549 = tpu.memref_slice %arg3[%dma_wait3A_542, %add3A_541, %dma_wait3A_548] : memref<2x2529x128xi32, #tpu.memory_space<hbm>> -> memref<1x2x128xi32, #tpu.memory_space<hbm>>
      %dma_wait3A_550 = tpu.memref_squeeze %dma_wait3A_549 : memref<1x2x128xi32, #tpu.memory_space<hbm>> -> memref<2x128xi32, #tpu.memory_space<hbm>>
      %dma_wait3A_551 = arith.constant 0 : i32
      %dma_wait3A_552 = arith.constant 0 : i32
      %dma_wait3A_553 = tpu.memref_slice %arg6[%dma_wait3A_543, %dma_wait3A_551, %dma_wait3A_552] : memref<2x2x128xi32, #tpu.memory_space<vmem>> -> memref<1x2x128xi32, #tpu.memory_space<vmem>>
      %dma_wait3A_554 = tpu.memref_squeeze %dma_wait3A_553 : memref<1x2x128xi32, #tpu.memory_space<vmem>> -> memref<2x128xi32, #tpu.memory_space<vmem>>
      %dma_wait3A_555 = arith.constant 0 : i32
      %dma_wait3A_556 = tpu.memref_slice %arg3[%dma_wait3A_542, %add3A_541, %dma_wait3A_555] : memref<2x2529x128xi32, #tpu.memory_space<hbm>> -> memref<1x2x128xi32, #tpu.memory_space<hbm>>
      %dma_wait3A_557 = tpu.memref_squeeze %dma_wait3A_556 : memref<1x2x128xi32, #tpu.memory_space<hbm>> -> memref<2x128xi32, #tpu.memory_space<hbm>>
      tpu.wait_dma2 semaphore(%arg15 : memref<!tpu.dma_semaphore, #tpu.memory_space<semaphore_mem>>) src(%dma_wait3A_557 : memref<2x128xi32, #tpu.memory_space<hbm>>) dst(%dma_wait3A_554 : memref<2x128xi32, #tpu.memory_space<vmem>>)
      %add3A_558 = arith.addi %mul3A_80, %add3A_540 : i32
      %dma_wait3A_559 = arith.constant 1 : i32
      %dma_wait3A_560 = arith.constant 0 : i32
      %dma_wait3A_561 = arith.constant 0 : i32
      %dma_wait3A_562 = arith.constant 0 : i32
      %dma_wait3A_563 = tpu.memref_slice %arg7[%dma_wait3A_560, %dma_wait3A_561, %dma_wait3A_562] : memref<2x2x128xi32, #tpu.memory_space<vmem>> -> memref<1x2x128xi32, #tpu.memory_space<vmem>>
      %dma_wait3A_564 = tpu.memref_squeeze %dma_wait3A_563 : memref<1x2x128xi32, #tpu.memory_space<vmem>> -> memref<2x128xi32, #tpu.memory_space<vmem>>
      %dma_wait3A_565 = arith.constant 0 : i32
      %dma_wait3A_566 = tpu.memref_slice %arg3[%dma_wait3A_559, %add3A_558, %dma_wait3A_565] : memref<2x2529x128xi32, #tpu.memory_space<hbm>> -> memref<1x2x128xi32, #tpu.memory_space<hbm>>
      %dma_wait3A_567 = tpu.memref_squeeze %dma_wait3A_566 : memref<1x2x128xi32, #tpu.memory_space<hbm>> -> memref<2x128xi32, #tpu.memory_space<hbm>>
      %dma_wait3A_568 = arith.constant 0 : i32
      %dma_wait3A_569 = arith.constant 0 : i32
      %dma_wait3A_570 = tpu.memref_slice %arg7[%dma_wait3A_560, %dma_wait3A_568, %dma_wait3A_569] : memref<2x2x128xi32, #tpu.memory_space<vmem>> -> memref<1x2x128xi32, #tpu.memory_space<vmem>>
      %dma_wait3A_571 = tpu.memref_squeeze %dma_wait3A_570 : memref<1x2x128xi32, #tpu.memory_space<vmem>> -> memref<2x128xi32, #tpu.memory_space<vmem>>
      %dma_wait3A_572 = arith.constant 0 : i32
      %dma_wait3A_573 = tpu.memref_slice %arg3[%dma_wait3A_559, %add3A_558, %dma_wait3A_572] : memref<2x2529x128xi32, #tpu.memory_space<hbm>> -> memref<1x2x128xi32, #tpu.memory_space<hbm>>
      %dma_wait3A_574 = tpu.memref_squeeze %dma_wait3A_573 : memref<1x2x128xi32, #tpu.memory_space<hbm>> -> memref<2x128xi32, #tpu.memory_space<hbm>>
      tpu.wait_dma2 semaphore(%arg15 : memref<!tpu.dma_semaphore, #tpu.memory_space<semaphore_mem>>) src(%dma_wait3A_574 : memref<2x128xi32, #tpu.memory_space<hbm>>) dst(%dma_wait3A_571 : memref<2x128xi32, #tpu.memory_space<vmem>>)
      %dma_start3A_575 = arith.constant 0 : i32
      %dma_start3A_576 = arith.constant 0 : i32
      %dma_start3A_577 = arith.constant 0 : i32
      %dma_start3A_578 = tpu.memref_slice %arg6[%dma_start3A_575, %dma_start3A_576, %dma_start3A_577] : memref<2x2x128xi32, #tpu.memory_space<vmem>> -> memref<1x1x128xi32, #tpu.memory_space<vmem>>
      %dma_start3A_579 = tpu.memref_squeeze %dma_start3A_578 : memref<1x1x128xi32, #tpu.memory_space<vmem>> -> memref<128xi32, #tpu.memory_space<vmem>>
      %dma_start3A_580 = arith.constant 0 : i32
      %dma_start3A_581 = arith.constant 0 : i32
      %dma_start3A_582 = tpu.memref_slice %arg2[%dma_start3A_580, %dma_start3A_581] : memref<10000x128xf32, #tpu.memory_space<hbm>> -> memref<10000x128xf32, #tpu.memory_space<hbm>>
      tpu.enqueue_indirect_dma source(%dma_start3A_582 : memref<10000x128xf32, #tpu.memory_space<hbm>>) target(%arg8 : memref<128x128xf32, #tpu.memory_space<vmem>>) offsets(%dma_start3A_579 : memref<128xi32, #tpu.memory_space<vmem>>) semaphore(%arg11 : memref<!tpu.dma_semaphore, #tpu.memory_space<semaphore_mem>>)
      %dma_start3A_583 = arith.constant 1 : i32
      %dma_start3A_584 = arith.constant 1 : i32
      %dma_start3A_585 = arith.constant 0 : i32
      %dma_start3A_586 = tpu.memref_slice %arg7[%dma_start3A_583, %dma_start3A_584, %dma_start3A_585] : memref<2x2x128xi32, #tpu.memory_space<vmem>> -> memref<1x1x128xi32, #tpu.memory_space<vmem>>
      %dma_start3A_587 = tpu.memref_squeeze %dma_start3A_586 : memref<1x1x128xi32, #tpu.memory_space<vmem>> -> memref<128xi32, #tpu.memory_space<vmem>>
      %dma_start3A_588 = arith.constant 0 : i32
      %dma_start3A_589 = arith.constant 0 : i32
      %dma_start3A_590 = tpu.memref_slice %arg10[%dma_start3A_588, %dma_start3A_589] : memref<10240x128xf32, #tpu.memory_space<vmem_shared>> -> memref<10240x128xf32, #tpu.memory_space<vmem_shared>>
      tpu.enqueue_indirect_dma source(%arg9 : memref<128x128xf32, #tpu.memory_space<vmem>>) target(%dma_start3A_590 : memref<10240x128xf32, #tpu.memory_space<vmem_shared>>) offsets(%dma_start3A_587 : memref<128xi32, #tpu.memory_space<vmem>>) semaphore(%arg14 : memref<!tpu.dma_semaphore, #tpu.memory_space<semaphore_mem>>) {add = true}
      %add3A_591 = arith.constant 2 : i32
      %add3A_592 = arith.addi %add3A_450, %add3A_591 : i32
      %dma_wait3A_593 = arith.constant 1 : i32
      %dma_wait3A_594 = arith.constant 1 : i32
      %dma_wait3A_595 = arith.constant 0 : i32
      %dma_wait3A_596 = tpu.memref_slice %arg7[%dma_wait3A_593, %dma_wait3A_594, %dma_wait3A_595] : memref<2x2x128xi32, #tpu.memory_space<vmem>> -> memref<1x1x128xi32, #tpu.memory_space<vmem>>
      %dma_wait3A_597 = tpu.memref_squeeze %dma_wait3A_596 : memref<1x1x128xi32, #tpu.memory_space<vmem>> -> memref<128xi32, #tpu.memory_space<vmem>>
      %dma_wait3A_598 = arith.constant 0 : i32
      %dma_wait3A_599 = arith.constant 0 : i32
      %dma_wait3A_600 = tpu.memref_slice %arg10[%dma_wait3A_598, %dma_wait3A_599] : memref<10240x128xf32, #tpu.memory_space<vmem_shared>> -> memref<10240x128xf32, #tpu.memory_space<vmem_shared>>
      tpu.wait_indirect_dma semaphore(%arg14 : memref<!tpu.dma_semaphore, #tpu.memory_space<semaphore_mem>>) src(%arg9 : memref<128x128xf32, #tpu.memory_space<vmem>>) dst(%dma_wait3A_600 : memref<10240x128xf32, #tpu.memory_space<vmem_shared>>)
      %add3A_601 = arith.constant 2 : i32
      %add3A_602 = arith.addi %add3A_592, %add3A_601 : i32
      %add3A_603 = arith.addi %mul3A_80, %add3A_602 : i32
      %dma_start3A_604 = arith.constant 0 : i32
      %dma_start3A_605 = arith.constant 1 : i32
      %dma_start3A_606 = arith.constant 0 : i32
      %dma_start3A_607 = arith.constant 0 : i32
      %dma_start3A_608 = tpu.memref_slice %arg6[%dma_start3A_605, %dma_start3A_606, %dma_start3A_607] : memref<2x2x128xi32, #tpu.memory_space<vmem>> -> memref<1x2x128xi32, #tpu.memory_space<vmem>>
      %dma_start3A_609 = tpu.memref_squeeze %dma_start3A_608 : memref<1x2x128xi32, #tpu.memory_space<vmem>> -> memref<2x128xi32, #tpu.memory_space<vmem>>
      %dma_start3A_610 = arith.constant 0 : i32
      %dma_start3A_611 = tpu.memref_slice %arg3[%dma_start3A_604, %add3A_603, %dma_start3A_610] : memref<2x2529x128xi32, #tpu.memory_space<hbm>> -> memref<1x2x128xi32, #tpu.memory_space<hbm>>
      %dma_start3A_612 = tpu.memref_squeeze %dma_start3A_611 : memref<1x2x128xi32, #tpu.memory_space<hbm>> -> memref<2x128xi32, #tpu.memory_space<hbm>>
      %dma_start3A_613 = arith.constant 0 : i32
      %dma_start3A_614 = arith.constant 0 : i32
      %dma_start3A_615 = tpu.memref_slice %arg6[%dma_start3A_605, %dma_start3A_613, %dma_start3A_614] : memref<2x2x128xi32, #tpu.memory_space<vmem>> -> memref<1x2x128xi32, #tpu.memory_space<vmem>>
      %dma_start3A_616 = tpu.memref_squeeze %dma_start3A_615 : memref<1x2x128xi32, #tpu.memory_space<vmem>> -> memref<2x128xi32, #tpu.memory_space<vmem>>
      %dma_start3A_617 = arith.constant 0 : i32
      %dma_start3A_618 = tpu.memref_slice %arg3[%dma_start3A_604, %add3A_603, %dma_start3A_617] : memref<2x2529x128xi32, #tpu.memory_space<hbm>> -> memref<1x2x128xi32, #tpu.memory_space<hbm>>
      %dma_start3A_619 = tpu.memref_squeeze %dma_start3A_618 : memref<1x2x128xi32, #tpu.memory_space<hbm>> -> memref<2x128xi32, #tpu.memory_space<hbm>>
      tpu.enqueue_dma source(%dma_start3A_619 : memref<2x128xi32, #tpu.memory_space<hbm>>) target(%dma_start3A_616 : memref<2x128xi32, #tpu.memory_space<vmem>>) target_semaphore(%arg16 : memref<!tpu.dma_semaphore, #tpu.memory_space<semaphore_mem>>)
      %add3A_620 = arith.addi %mul3A_80, %add3A_602 : i32
      %dma_start3A_621 = arith.constant 1 : i32
      %dma_start3A_622 = arith.constant 1 : i32
      %dma_start3A_623 = arith.constant 0 : i32
      %dma_start3A_624 = arith.constant 0 : i32
      %dma_start3A_625 = tpu.memref_slice %arg7[%dma_start3A_622, %dma_start3A_623, %dma_start3A_624] : memref<2x2x128xi32, #tpu.memory_space<vmem>> -> memref<1x2x128xi32, #tpu.memory_space<vmem>>
      %dma_start3A_626 = tpu.memref_squeeze %dma_start3A_625 : memref<1x2x128xi32, #tpu.memory_space<vmem>> -> memref<2x128xi32, #tpu.memory_space<vmem>>
      %dma_start3A_627 = arith.constant 0 : i32
      %dma_start3A_628 = tpu.memref_slice %arg3[%dma_start3A_621, %add3A_620, %dma_start3A_627] : memref<2x2529x128xi32, #tpu.memory_space<hbm>> -> memref<1x2x128xi32, #tpu.memory_space<hbm>>
      %dma_start3A_629 = tpu.memref_squeeze %dma_start3A_628 : memref<1x2x128xi32, #tpu.memory_space<hbm>> -> memref<2x128xi32, #tpu.memory_space<hbm>>
      %dma_start3A_630 = arith.constant 0 : i32
      %dma_start3A_631 = arith.constant 0 : i32
      %dma_start3A_632 = tpu.memref_slice %arg7[%dma_start3A_622, %dma_start3A_630, %dma_start3A_631] : memref<2x2x128xi32, #tpu.memory_space<vmem>> -> memref<1x2x128xi32, #tpu.memory_space<vmem>>
      %dma_start3A_633 = tpu.memref_squeeze %dma_start3A_632 : memref<1x2x128xi32, #tpu.memory_space<vmem>> -> memref<2x128xi32, #tpu.memory_space<vmem>>
      %dma_start3A_634 = arith.constant 0 : i32
      %dma_start3A_635 = tpu.memref_slice %arg3[%dma_start3A_621, %add3A_620, %dma_start3A_634] : memref<2x2529x128xi32, #tpu.memory_space<hbm>> -> memref<1x2x128xi32, #tpu.memory_space<hbm>>
      %dma_start3A_636 = tpu.memref_squeeze %dma_start3A_635 : memref<1x2x128xi32, #tpu.memory_space<hbm>> -> memref<2x128xi32, #tpu.memory_space<hbm>>
      tpu.enqueue_dma source(%dma_start3A_636 : memref<2x128xi32, #tpu.memory_space<hbm>>) target(%dma_start3A_633 : memref<2x128xi32, #tpu.memory_space<vmem>>) target_semaphore(%arg16 : memref<!tpu.dma_semaphore, #tpu.memory_space<semaphore_mem>>)
      %dma_wait3A_637 = arith.constant 0 : i32
      %dma_wait3A_638 = arith.constant 0 : i32
      %dma_wait3A_639 = arith.constant 0 : i32
      %dma_wait3A_640 = tpu.memref_slice %arg6[%dma_wait3A_637, %dma_wait3A_638, %dma_wait3A_639] : memref<2x2x128xi32, #tpu.memory_space<vmem>> -> memref<1x1x128xi32, #tpu.memory_space<vmem>>
      %dma_wait3A_641 = tpu.memref_squeeze %dma_wait3A_640 : memref<1x1x128xi32, #tpu.memory_space<vmem>> -> memref<128xi32, #tpu.memory_space<vmem>>
      %dma_wait3A_642 = arith.constant 0 : i32
      %dma_wait3A_643 = arith.constant 0 : i32
      %dma_wait3A_644 = tpu.memref_slice %arg2[%dma_wait3A_642, %dma_wait3A_643] : memref<10000x128xf32, #tpu.memory_space<hbm>> -> memref<10000x128xf32, #tpu.memory_space<hbm>>
      tpu.wait_indirect_dma semaphore(%arg11 : memref<!tpu.dma_semaphore, #tpu.memory_space<semaphore_mem>>) src(%dma_wait3A_644 : memref<10000x128xf32, #tpu.memory_space<hbm>>) dst(%arg8 : memref<128x128xf32, #tpu.memory_space<vmem>>)
      %dma_start3A_645 = arith.constant 0 : i32
      %dma_start3A_646 = arith.constant 1 : i32
      %dma_start3A_647 = arith.constant 0 : i32
      %dma_start3A_648 = tpu.memref_slice %arg6[%dma_start3A_645, %dma_start3A_646, %dma_start3A_647] : memref<2x2x128xi32, #tpu.memory_space<vmem>> -> memref<1x1x128xi32, #tpu.memory_space<vmem>>
      %dma_start3A_649 = tpu.memref_squeeze %dma_start3A_648 : memref<1x1x128xi32, #tpu.memory_space<vmem>> -> memref<128xi32, #tpu.memory_space<vmem>>
      %dma_start3A_650 = arith.constant 0 : i32
      %dma_start3A_651 = arith.constant 0 : i32
      %dma_start3A_652 = tpu.memref_slice %arg2[%dma_start3A_650, %dma_start3A_651] : memref<10000x128xf32, #tpu.memory_space<hbm>> -> memref<10000x128xf32, #tpu.memory_space<hbm>>
      tpu.enqueue_indirect_dma source(%dma_start3A_652 : memref<10000x128xf32, #tpu.memory_space<hbm>>) target(%arg9 : memref<128x128xf32, #tpu.memory_space<vmem>>) offsets(%dma_start3A_649 : memref<128xi32, #tpu.memory_space<vmem>>) semaphore(%arg12 : memref<!tpu.dma_semaphore, #tpu.memory_space<semaphore_mem>>)
      %dma_start3A_653 = arith.constant 0 : i32
      %dma_start3A_654 = arith.constant 0 : i32
      %dma_start3A_655 = arith.constant 0 : i32
      %dma_start3A_656 = tpu.memref_slice %arg7[%dma_start3A_653, %dma_start3A_654, %dma_start3A_655] : memref<2x2x128xi32, #tpu.memory_space<vmem>> -> memref<1x1x128xi32, #tpu.memory_space<vmem>>
      %dma_start3A_657 = tpu.memref_squeeze %dma_start3A_656 : memref<1x1x128xi32, #tpu.memory_space<vmem>> -> memref<128xi32, #tpu.memory_space<vmem>>
      %dma_start3A_658 = arith.constant 0 : i32
      %dma_start3A_659 = arith.constant 0 : i32
      %dma_start3A_660 = tpu.memref_slice %arg10[%dma_start3A_658, %dma_start3A_659] : memref<10240x128xf32, #tpu.memory_space<vmem_shared>> -> memref<10240x128xf32, #tpu.memory_space<vmem_shared>>
      tpu.enqueue_indirect_dma source(%arg8 : memref<128x128xf32, #tpu.memory_space<vmem>>) target(%dma_start3A_660 : memref<10240x128xf32, #tpu.memory_space<vmem_shared>>) offsets(%dma_start3A_657 : memref<128xi32, #tpu.memory_space<vmem>>) semaphore(%arg13 : memref<!tpu.dma_semaphore, #tpu.memory_space<semaphore_mem>>) {add = true}
      %add3A_661 = arith.constant 3 : i32
      %add3A_662 = arith.addi %add3A_450, %add3A_661 : i32
      %dma_wait3A_663 = arith.constant 0 : i32
      %dma_wait3A_664 = arith.constant 0 : i32
      %dma_wait3A_665 = arith.constant 0 : i32
      %dma_wait3A_666 = tpu.memref_slice %arg7[%dma_wait3A_663, %dma_wait3A_664, %dma_wait3A_665] : memref<2x2x128xi32, #tpu.memory_space<vmem>> -> memref<1x1x128xi32, #tpu.memory_space<vmem>>
      %dma_wait3A_667 = tpu.memref_squeeze %dma_wait3A_666 : memref<1x1x128xi32, #tpu.memory_space<vmem>> -> memref<128xi32, #tpu.memory_space<vmem>>
      %dma_wait3A_668 = arith.constant 0 : i32
      %dma_wait3A_669 = arith.constant 0 : i32
      %dma_wait3A_670 = tpu.memref_slice %arg10[%dma_wait3A_668, %dma_wait3A_669] : memref<10240x128xf32, #tpu.memory_space<vmem_shared>> -> memref<10240x128xf32, #tpu.memory_space<vmem_shared>>
      tpu.wait_indirect_dma semaphore(%arg13 : memref<!tpu.dma_semaphore, #tpu.memory_space<semaphore_mem>>) src(%arg8 : memref<128x128xf32, #tpu.memory_space<vmem>>) dst(%dma_wait3A_670 : memref<10240x128xf32, #tpu.memory_space<vmem_shared>>)
      %dma_wait3A_671 = arith.constant 0 : i32
      %dma_wait3A_672 = arith.constant 1 : i32
      %dma_wait3A_673 = arith.constant 0 : i32
      %dma_wait3A_674 = tpu.memref_slice %arg6[%dma_wait3A_671, %dma_wait3A_672, %dma_wait3A_673] : memref<2x2x128xi32, #tpu.memory_space<vmem>> -> memref<1x1x128xi32, #tpu.memory_space<vmem>>
      %dma_wait3A_675 = tpu.memref_squeeze %dma_wait3A_674 : memref<1x1x128xi32, #tpu.memory_space<vmem>> -> memref<128xi32, #tpu.memory_space<vmem>>
      %dma_wait3A_676 = arith.constant 0 : i32
      %dma_wait3A_677 = arith.constant 0 : i32
      %dma_wait3A_678 = tpu.memref_slice %arg2[%dma_wait3A_676, %dma_wait3A_677] : memref<10000x128xf32, #tpu.memory_space<hbm>> -> memref<10000x128xf32, #tpu.memory_space<hbm>>
      tpu.wait_indirect_dma semaphore(%arg12 : memref<!tpu.dma_semaphore, #tpu.memory_space<semaphore_mem>>) src(%dma_wait3A_678 : memref<10000x128xf32, #tpu.memory_space<hbm>>) dst(%arg9 : memref<128x128xf32, #tpu.memory_space<vmem>>)
      %add3A_679 = arith.constant 1 : i32
      %add3A_680 = arith.addi %add3A_662, %add3A_679 : i32
      %add3A_681 = arith.addi %mul3A_80, %add3A_680 : i32
      %dma_wait3A_682 = arith.constant 0 : i32
      %dma_wait3A_683 = arith.constant 1 : i32
      %dma_wait3A_684 = arith.constant 0 : i32
      %dma_wait3A_685 = arith.constant 0 : i32
      %dma_wait3A_686 = tpu.memref_slice %arg6[%dma_wait3A_683, %dma_wait3A_684, %dma_wait3A_685] : memref<2x2x128xi32, #tpu.memory_space<vmem>> -> memref<1x2x128xi32, #tpu.memory_space<vmem>>
      %dma_wait3A_687 = tpu.memref_squeeze %dma_wait3A_686 : memref<1x2x128xi32, #tpu.memory_space<vmem>> -> memref<2x128xi32, #tpu.memory_space<vmem>>
      %dma_wait3A_688 = arith.constant 0 : i32
      %dma_wait3A_689 = tpu.memref_slice %arg3[%dma_wait3A_682, %add3A_681, %dma_wait3A_688] : memref<2x2529x128xi32, #tpu.memory_space<hbm>> -> memref<1x2x128xi32, #tpu.memory_space<hbm>>
      %dma_wait3A_690 = tpu.memref_squeeze %dma_wait3A_689 : memref<1x2x128xi32, #tpu.memory_space<hbm>> -> memref<2x128xi32, #tpu.memory_space<hbm>>
      %dma_wait3A_691 = arith.constant 0 : i32
      %dma_wait3A_692 = arith.constant 0 : i32
      %dma_wait3A_693 = tpu.memref_slice %arg6[%dma_wait3A_683, %dma_wait3A_691, %dma_wait3A_692] : memref<2x2x128xi32, #tpu.memory_space<vmem>> -> memref<1x2x128xi32, #tpu.memory_space<vmem>>
      %dma_wait3A_694 = tpu.memref_squeeze %dma_wait3A_693 : memref<1x2x128xi32, #tpu.memory_space<vmem>> -> memref<2x128xi32, #tpu.memory_space<vmem>>
      %dma_wait3A_695 = arith.constant 0 : i32
      %dma_wait3A_696 = tpu.memref_slice %arg3[%dma_wait3A_682, %add3A_681, %dma_wait3A_695] : memref<2x2529x128xi32, #tpu.memory_space<hbm>> -> memref<1x2x128xi32, #tpu.memory_space<hbm>>
      %dma_wait3A_697 = tpu.memref_squeeze %dma_wait3A_696 : memref<1x2x128xi32, #tpu.memory_space<hbm>> -> memref<2x128xi32, #tpu.memory_space<hbm>>
      tpu.wait_dma2 semaphore(%arg16 : memref<!tpu.dma_semaphore, #tpu.memory_space<semaphore_mem>>) src(%dma_wait3A_697 : memref<2x128xi32, #tpu.memory_space<hbm>>) dst(%dma_wait3A_694 : memref<2x128xi32, #tpu.memory_space<vmem>>)
      %add3A_698 = arith.addi %mul3A_80, %add3A_680 : i32
      %dma_wait3A_699 = arith.constant 1 : i32
      %dma_wait3A_700 = arith.constant 1 : i32
      %dma_wait3A_701 = arith.constant 0 : i32
      %dma_wait3A_702 = arith.constant 0 : i32
      %dma_wait3A_703 = tpu.memref_slice %arg7[%dma_wait3A_700, %dma_wait3A_701, %dma_wait3A_702] : memref<2x2x128xi32, #tpu.memory_space<vmem>> -> memref<1x2x128xi32, #tpu.memory_space<vmem>>
      %dma_wait3A_704 = tpu.memref_squeeze %dma_wait3A_703 : memref<1x2x128xi32, #tpu.memory_space<vmem>> -> memref<2x128xi32, #tpu.memory_space<vmem>>
      %dma_wait3A_705 = arith.constant 0 : i32
      %dma_wait3A_706 = tpu.memref_slice %arg3[%dma_wait3A_699, %add3A_698, %dma_wait3A_705] : memref<2x2529x128xi32, #tpu.memory_space<hbm>> -> memref<1x2x128xi32, #tpu.memory_space<hbm>>
      %dma_wait3A_707 = tpu.memref_squeeze %dma_wait3A_706 : memref<1x2x128xi32, #tpu.memory_space<hbm>> -> memref<2x128xi32, #tpu.memory_space<hbm>>
      %dma_wait3A_708 = arith.constant 0 : i32
      %dma_wait3A_709 = arith.constant 0 : i32
      %dma_wait3A_710 = tpu.memref_slice %arg7[%dma_wait3A_700, %dma_wait3A_708, %dma_wait3A_709] : memref<2x2x128xi32, #tpu.memory_space<vmem>> -> memref<1x2x128xi32, #tpu.memory_space<vmem>>
      %dma_wait3A_711 = tpu.memref_squeeze %dma_wait3A_710 : memref<1x2x128xi32, #tpu.memory_space<vmem>> -> memref<2x128xi32, #tpu.memory_space<vmem>>
      %dma_wait3A_712 = arith.constant 0 : i32
      %dma_wait3A_713 = tpu.memref_slice %arg3[%dma_wait3A_699, %add3A_698, %dma_wait3A_712] : memref<2x2529x128xi32, #tpu.memory_space<hbm>> -> memref<1x2x128xi32, #tpu.memory_space<hbm>>
      %dma_wait3A_714 = tpu.memref_squeeze %dma_wait3A_713 : memref<1x2x128xi32, #tpu.memory_space<hbm>> -> memref<2x128xi32, #tpu.memory_space<hbm>>
      tpu.wait_dma2 semaphore(%arg16 : memref<!tpu.dma_semaphore, #tpu.memory_space<semaphore_mem>>) src(%dma_wait3A_714 : memref<2x128xi32, #tpu.memory_space<hbm>>) dst(%dma_wait3A_711 : memref<2x128xi32, #tpu.memory_space<vmem>>)
      %dma_start3A_715 = arith.constant 1 : i32
      %dma_start3A_716 = arith.constant 0 : i32
      %dma_start3A_717 = arith.constant 0 : i32
      %dma_start3A_718 = tpu.memref_slice %arg6[%dma_start3A_715, %dma_start3A_716, %dma_start3A_717] : memref<2x2x128xi32, #tpu.memory_space<vmem>> -> memref<1x1x128xi32, #tpu.memory_space<vmem>>
      %dma_start3A_719 = tpu.memref_squeeze %dma_start3A_718 : memref<1x1x128xi32, #tpu.memory_space<vmem>> -> memref<128xi32, #tpu.memory_space<vmem>>
      %dma_start3A_720 = arith.constant 0 : i32
      %dma_start3A_721 = arith.constant 0 : i32
      %dma_start3A_722 = tpu.memref_slice %arg2[%dma_start3A_720, %dma_start3A_721] : memref<10000x128xf32, #tpu.memory_space<hbm>> -> memref<10000x128xf32, #tpu.memory_space<hbm>>
      tpu.enqueue_indirect_dma source(%dma_start3A_722 : memref<10000x128xf32, #tpu.memory_space<hbm>>) target(%arg8 : memref<128x128xf32, #tpu.memory_space<vmem>>) offsets(%dma_start3A_719 : memref<128xi32, #tpu.memory_space<vmem>>) semaphore(%arg11 : memref<!tpu.dma_semaphore, #tpu.memory_space<semaphore_mem>>)
      %dma_start3A_723 = arith.constant 0 : i32
      %dma_start3A_724 = arith.constant 1 : i32
      %dma_start3A_725 = arith.constant 0 : i32
      %dma_start3A_726 = tpu.memref_slice %arg7[%dma_start3A_723, %dma_start3A_724, %dma_start3A_725] : memref<2x2x128xi32, #tpu.memory_space<vmem>> -> memref<1x1x128xi32, #tpu.memory_space<vmem>>
      %dma_start3A_727 = tpu.memref_squeeze %dma_start3A_726 : memref<1x1x128xi32, #tpu.memory_space<vmem>> -> memref<128xi32, #tpu.memory_space<vmem>>
      %dma_start3A_728 = arith.constant 0 : i32
      %dma_start3A_729 = arith.constant 0 : i32
      %dma_start3A_730 = tpu.memref_slice %arg10[%dma_start3A_728, %dma_start3A_729] : memref<10240x128xf32, #tpu.memory_space<vmem_shared>> -> memref<10240x128xf32, #tpu.memory_space<vmem_shared>>
      tpu.enqueue_indirect_dma source(%arg9 : memref<128x128xf32, #tpu.memory_space<vmem>>) target(%dma_start3A_730 : memref<10240x128xf32, #tpu.memory_space<vmem_shared>>) offsets(%dma_start3A_727 : memref<128xi32, #tpu.memory_space<vmem>>) semaphore(%arg14 : memref<!tpu.dma_semaphore, #tpu.memory_space<semaphore_mem>>) {add = true}
    }
    %scan3A_292 = arith.constant 19 : i32
    %dma_wait3A_293 = arith.constant 0 : i32
    %dma_wait3A_294 = arith.constant 1 : i32
    %dma_wait3A_295 = arith.constant 0 : i32
    %dma_wait3A_296 = tpu.memref_slice %arg7[%dma_wait3A_293, %dma_wait3A_294, %dma_wait3A_295] : memref<2x2x128xi32, #tpu.memory_space<vmem>> -> memref<1x1x128xi32, #tpu.memory_space<vmem>>
    %dma_wait3A_297 = tpu.memref_squeeze %dma_wait3A_296 : memref<1x1x128xi32, #tpu.memory_space<vmem>> -> memref<128xi32, #tpu.memory_space<vmem>>
    %dma_wait3A_298 = arith.constant 0 : i32
    %dma_wait3A_299 = arith.constant 0 : i32
    %dma_wait3A_300 = tpu.memref_slice %arg10[%dma_wait3A_298, %dma_wait3A_299] : memref<10240x128xf32, #tpu.memory_space<vmem_shared>> -> memref<10240x128xf32, #tpu.memory_space<vmem_shared>>
    tpu.wait_indirect_dma semaphore(%arg14 : memref<!tpu.dma_semaphore, #tpu.memory_space<semaphore_mem>>) src(%arg9 : memref<128x128xf32, #tpu.memory_space<vmem>>) dst(%dma_wait3A_300 : memref<10240x128xf32, #tpu.memory_space<vmem_shared>>)
    %dma_wait3A_301 = arith.constant 1 : i32
    %dma_wait3A_302 = arith.constant 0 : i32
    %dma_wait3A_303 = arith.constant 0 : i32
    %dma_wait3A_304 = tpu.memref_slice %arg6[%dma_wait3A_301, %dma_wait3A_302, %dma_wait3A_303] : memref<2x2x128xi32, #tpu.memory_space<vmem>> -> memref<1x1x128xi32, #tpu.memory_space<vmem>>
    %dma_wait3A_305 = tpu.memref_squeeze %dma_wait3A_304 : memref<1x1x128xi32, #tpu.memory_space<vmem>> -> memref<128xi32, #tpu.memory_space<vmem>>
    %dma_wait3A_306 = arith.constant 0 : i32
    %dma_wait3A_307 = arith.constant 0 : i32
    %dma_wait3A_308 = tpu.memref_slice %arg2[%dma_wait3A_306, %dma_wait3A_307] : memref<10000x128xf32, #tpu.memory_space<hbm>> -> memref<10000x128xf32, #tpu.memory_space<hbm>>
    tpu.wait_indirect_dma semaphore(%arg11 : memref<!tpu.dma_semaphore, #tpu.memory_space<semaphore_mem>>) src(%dma_wait3A_308 : memref<10000x128xf32, #tpu.memory_space<hbm>>) dst(%arg8 : memref<128x128xf32, #tpu.memory_space<vmem>>)
    %dma_start3A_309 = arith.constant 1 : i32
    %dma_start3A_310 = arith.constant 0 : i32
    %dma_start3A_311 = arith.constant 0 : i32
    %dma_start3A_312 = tpu.memref_slice %arg7[%dma_start3A_309, %dma_start3A_310, %dma_start3A_311] : memref<2x2x128xi32, #tpu.memory_space<vmem>> -> memref<1x1x128xi32, #tpu.memory_space<vmem>>
    %dma_start3A_313 = tpu.memref_squeeze %dma_start3A_312 : memref<1x1x128xi32, #tpu.memory_space<vmem>> -> memref<128xi32, #tpu.memory_space<vmem>>
    %dma_start3A_314 = arith.constant 0 : i32
    %dma_start3A_315 = arith.constant 0 : i32
    %dma_start3A_316 = tpu.memref_slice %arg10[%dma_start3A_314, %dma_start3A_315] : memref<10240x128xf32, #tpu.memory_space<vmem_shared>> -> memref<10240x128xf32, #tpu.memory_space<vmem_shared>>
    tpu.enqueue_indirect_dma source(%arg8 : memref<128x128xf32, #tpu.memory_space<vmem>>) target(%dma_start3A_316 : memref<10240x128xf32, #tpu.memory_space<vmem_shared>>) offsets(%dma_start3A_313 : memref<128xi32, #tpu.memory_space<vmem>>) semaphore(%arg13 : memref<!tpu.dma_semaphore, #tpu.memory_space<semaphore_mem>>) {add = true}
    %dma_wait3A_317 = arith.constant 1 : i32
    %dma_wait3A_318 = arith.constant 0 : i32
    %dma_wait3A_319 = arith.constant 0 : i32
    %dma_wait3A_320 = tpu.memref_slice %arg7[%dma_wait3A_317, %dma_wait3A_318, %dma_wait3A_319] : memref<2x2x128xi32, #tpu.memory_space<vmem>> -> memref<1x1x128xi32, #tpu.memory_space<vmem>>
    %dma_wait3A_321 = tpu.memref_squeeze %dma_wait3A_320 : memref<1x1x128xi32, #tpu.memory_space<vmem>> -> memref<128xi32, #tpu.memory_space<vmem>>
    %dma_wait3A_322 = arith.constant 0 : i32
    %dma_wait3A_323 = arith.constant 0 : i32
    %dma_wait3A_324 = tpu.memref_slice %arg10[%dma_wait3A_322, %dma_wait3A_323] : memref<10240x128xf32, #tpu.memory_space<vmem_shared>> -> memref<10240x128xf32, #tpu.memory_space<vmem_shared>>
    tpu.wait_indirect_dma semaphore(%arg13 : memref<!tpu.dma_semaphore, #tpu.memory_space<semaphore_mem>>) src(%arg8 : memref<128x128xf32, #tpu.memory_space<vmem>>) dst(%dma_wait3A_324 : memref<10240x128xf32, #tpu.memory_space<vmem_shared>>)
    %barrier3A_325 = arith.constant 0 : index
    tpu.barrier barrier_id(%barrier3A_325)
    %mul3A_326 = arith.constant 640 : i32
    %mul3A_327 = arith.muli %arg1, %mul3A_326 : i32
    %add3A_328 = arith.constant 0 : i32
    %add3A_329 = arith.addi %mul3A_327, %add3A_328 : i32
    "tpu.region"() ({
      %run_scoped3A = tpu.sem_alloc : memref<!tpu.dma_semaphore, #tpu.memory_space<semaphore_mem>>
      %dma_start3A_446 = arith.constant 0 : i32
      %dma_start3A_447 = tpu.memref_slice %arg10[%add3A_329, %dma_start3A_446] : memref<10240x128xf32, #tpu.memory_space<vmem_shared>> -> memref<128x128xf32, #tpu.memory_space<vmem_shared>>
      %dma_start3A_448 = arith.constant 0 : i32
      %dma_start3A_449 = tpu.memref_slice %arg10[%add3A_329, %dma_start3A_448] : memref<10240x128xf32, #tpu.memory_space<vmem_shared>> -> memref<128x128xf32, #tpu.memory_space<vmem_shared>>
      tpu.enqueue_dma source(%dma_start3A_449 : memref<128x128xf32, #tpu.memory_space<vmem_shared>>) target(%arg8 : memref<128x128xf32, #tpu.memory_space<vmem>>) target_semaphore(%run_scoped3A : memref<!tpu.dma_semaphore, #tpu.memory_space<semaphore_mem>>)
      %dma_wait3A_450 = arith.constant 0 : i32
      %dma_wait3A_451 = tpu.memref_slice %arg10[%add3A_329, %dma_wait3A_450] : memref<10240x128xf32, #tpu.memory_space<vmem_shared>> -> memref<128x128xf32, #tpu.memory_space<vmem_shared>>
      %dma_wait3A_452 = arith.constant 0 : i32
      %dma_wait3A_453 = tpu.memref_slice %arg10[%add3A_329, %dma_wait3A_452] : memref<10240x128xf32, #tpu.memory_space<vmem_shared>> -> memref<128x128xf32, #tpu.memory_space<vmem_shared>>
      tpu.wait_dma2 semaphore(%run_scoped3A : memref<!tpu.dma_semaphore, #tpu.memory_space<semaphore_mem>>) src(%dma_wait3A_453 : memref<128x128xf32, #tpu.memory_space<vmem_shared>>) dst(%arg8 : memref<128x128xf32, #tpu.memory_space<vmem>>)
      tpu.yield
    }) : () -> ()
    %mul3A_330 = arith.constant 640 : i32
    %mul3A_331 = arith.muli %arg1, %mul3A_330 : i32
    %add3A_332 = arith.constant 0 : i32
    %add3A_333 = arith.addi %mul3A_331, %add3A_332 : i32
    %dma_start3A_334 = arith.constant 0 : i32
    %dma_start3A_335 = tpu.memref_slice %arg5[%arg0, %add3A_333, %dma_start3A_334] : memref<2x10240x128xf32, #tpu.memory_space<hbm>> -> memref<1x128x128xf32, #tpu.memory_space<hbm>>
    %dma_start3A_336 = tpu.memref_squeeze %dma_start3A_335 : memref<1x128x128xf32, #tpu.memory_space<hbm>> -> memref<128x128xf32, #tpu.memory_space<hbm>>
    %dma_start3A_337 = arith.constant 0 : i32
    %dma_start3A_338 = tpu.memref_slice %arg5[%arg0, %add3A_333, %dma_start3A_337] : memref<2x10240x128xf32, #tpu.memory_space<hbm>> -> memref<1x128x128xf32, #tpu.memory_space<hbm>>
    %dma_start3A_339 = tpu.memref_squeeze %dma_start3A_338 : memref<1x128x128xf32, #tpu.memory_space<hbm>> -> memref<128x128xf32, #tpu.memory_space<hbm>>
    tpu.enqueue_dma source(%arg8 : memref<128x128xf32, #tpu.memory_space<vmem>>) target(%dma_start3A_339 : memref<128x128xf32, #tpu.memory_space<hbm>>) target_semaphore(%arg13 : memref<!tpu.dma_semaphore, #tpu.memory_space<semaphore_mem>>)
    %mul3A_340 = arith.constant 640 : i32
    %mul3A_341 = arith.muli %arg1, %mul3A_340 : i32
    %add3A_342 = arith.constant 128 : i32
    %add3A_343 = arith.addi %mul3A_341, %add3A_342 : i32
    "tpu.region"() ({
      %run_scoped3A = tpu.sem_alloc : memref<!tpu.dma_semaphore, #tpu.memory_space<semaphore_mem>>
      %dma_start3A_446 = arith.constant 0 : i32
      %dma_start3A_447 = tpu.memref_slice %arg10[%add3A_343, %dma_start3A_446] : memref<10240x128xf32, #tpu.memory_space<vmem_shared>> -> memref<128x128xf32, #tpu.memory_space<vmem_shared>>
      %dma_start3A_448 = arith.constant 0 : i32
      %dma_start3A_449 = tpu.memref_slice %arg10[%add3A_343, %dma_start3A_448] : memref<10240x128xf32, #tpu.memory_space<vmem_shared>> -> memref<128x128xf32, #tpu.memory_space<vmem_shared>>
      tpu.enqueue_dma source(%dma_start3A_449 : memref<128x128xf32, #tpu.memory_space<vmem_shared>>) target(%arg9 : memref<128x128xf32, #tpu.memory_space<vmem>>) target_semaphore(%run_scoped3A : memref<!tpu.dma_semaphore, #tpu.memory_space<semaphore_mem>>)
      %dma_wait3A_450 = arith.constant 0 : i32
      %dma_wait3A_451 = tpu.memref_slice %arg10[%add3A_343, %dma_wait3A_450] : memref<10240x128xf32, #tpu.memory_space<vmem_shared>> -> memref<128x128xf32, #tpu.memory_space<vmem_shared>>
      %dma_wait3A_452 = arith.constant 0 : i32
      %dma_wait3A_453 = tpu.memref_slice %arg10[%add3A_343, %dma_wait3A_452] : memref<10240x128xf32, #tpu.memory_space<vmem_shared>> -> memref<128x128xf32, #tpu.memory_space<vmem_shared>>
      tpu.wait_dma2 semaphore(%run_scoped3A : memref<!tpu.dma_semaphore, #tpu.memory_space<semaphore_mem>>) src(%dma_wait3A_453 : memref<128x128xf32, #tpu.memory_space<vmem_shared>>) dst(%arg9 : memref<128x128xf32, #tpu.memory_space<vmem>>)
      tpu.yield
    }) : () -> ()
    %mul3A_344 = arith.constant 640 : i32
    %mul3A_345 = arith.muli %arg1, %mul3A_344 : i32
    %add3A_346 = arith.constant 128 : i32
    %add3A_347 = arith.addi %mul3A_345, %add3A_346 : i32
    %dma_start3A_348 = arith.constant 0 : i32
    %dma_start3A_349 = tpu.memref_slice %arg5[%arg0, %add3A_347, %dma_start3A_348] : memref<2x10240x128xf32, #tpu.memory_space<hbm>> -> memref<1x128x128xf32, #tpu.memory_space<hbm>>
    %dma_start3A_350 = tpu.memref_squeeze %dma_start3A_349 : memref<1x128x128xf32, #tpu.memory_space<hbm>> -> memref<128x128xf32, #tpu.memory_space<hbm>>
    %dma_start3A_351 = arith.constant 0 : i32
    %dma_start3A_352 = tpu.memref_slice %arg5[%arg0, %add3A_347, %dma_start3A_351] : memref<2x10240x128xf32, #tpu.memory_space<hbm>> -> memref<1x128x128xf32, #tpu.memory_space<hbm>>
    %dma_start3A_353 = tpu.memref_squeeze %dma_start3A_352 : memref<1x128x128xf32, #tpu.memory_space<hbm>> -> memref<128x128xf32, #tpu.memory_space<hbm>>
    tpu.enqueue_dma source(%arg9 : memref<128x128xf32, #tpu.memory_space<vmem>>) target(%dma_start3A_353 : memref<128x128xf32, #tpu.memory_space<hbm>>) target_semaphore(%arg14 : memref<!tpu.dma_semaphore, #tpu.memory_space<semaphore_mem>>)
    %mul3A_354 = arith.constant 640 : i32
    %mul3A_355 = arith.muli %arg1, %mul3A_354 : i32
    %add3A_356 = arith.constant 0 : i32
    %add3A_357 = arith.addi %mul3A_355, %add3A_356 : i32
    %dma_wait3A_358 = arith.constant 0 : i32
    %dma_wait3A_359 = tpu.memref_slice %arg5[%arg0, %add3A_357, %dma_wait3A_358] : memref<2x10240x128xf32, #tpu.memory_space<hbm>> -> memref<1x128x128xf32, #tpu.memory_space<hbm>>
    %dma_wait3A_360 = tpu.memref_squeeze %dma_wait3A_359 : memref<1x128x128xf32, #tpu.memory_space<hbm>> -> memref<128x128xf32, #tpu.memory_space<hbm>>
    %dma_wait3A_361 = arith.constant 0 : i32
    %dma_wait3A_362 = tpu.memref_slice %arg5[%arg0, %add3A_357, %dma_wait3A_361] : memref<2x10240x128xf32, #tpu.memory_space<hbm>> -> memref<1x128x128xf32, #tpu.memory_space<hbm>>
    %dma_wait3A_363 = tpu.memref_squeeze %dma_wait3A_362 : memref<1x128x128xf32, #tpu.memory_space<hbm>> -> memref<128x128xf32, #tpu.memory_space<hbm>>
    tpu.wait_dma2 semaphore(%arg13 : memref<!tpu.dma_semaphore, #tpu.memory_space<semaphore_mem>>) src(%arg8 : memref<128x128xf32, #tpu.memory_space<vmem>>) dst(%dma_wait3A_363 : memref<128x128xf32, #tpu.memory_space<hbm>>)
    %mul3A_364 = arith.constant 640 : i32
    %mul3A_365 = arith.muli %arg1, %mul3A_364 : i32
    %add3A_366 = arith.constant 256 : i32
    %add3A_367 = arith.addi %mul3A_365, %add3A_366 : i32
    "tpu.region"() ({
      %run_scoped3A = tpu.sem_alloc : memref<!tpu.dma_semaphore, #tpu.memory_space<semaphore_mem>>
      %dma_start3A_446 = arith.constant 0 : i32
      %dma_start3A_447 = tpu.memref_slice %arg10[%add3A_367, %dma_start3A_446] : memref<10240x128xf32, #tpu.memory_space<vmem_shared>> -> memref<128x128xf32, #tpu.memory_space<vmem_shared>>
      %dma_start3A_448 = arith.constant 0 : i32
      %dma_start3A_449 = tpu.memref_slice %arg10[%add3A_367, %dma_start3A_448] : memref<10240x128xf32, #tpu.memory_space<vmem_shared>> -> memref<128x128xf32, #tpu.memory_space<vmem_shared>>
      tpu.enqueue_dma source(%dma_start3A_449 : memref<128x128xf32, #tpu.memory_space<vmem_shared>>) target(%arg8 : memref<128x128xf32, #tpu.memory_space<vmem>>) target_semaphore(%run_scoped3A : memref<!tpu.dma_semaphore, #tpu.memory_space<semaphore_mem>>)
      %dma_wait3A_450 = arith.constant 0 : i32
      %dma_wait3A_451 = tpu.memref_slice %arg10[%add3A_367, %dma_wait3A_450] : memref<10240x128xf32, #tpu.memory_space<vmem_shared>> -> memref<128x128xf32, #tpu.memory_space<vmem_shared>>
      %dma_wait3A_452 = arith.constant 0 : i32
      %dma_wait3A_453 = tpu.memref_slice %arg10[%add3A_367, %dma_wait3A_452] : memref<10240x128xf32, #tpu.memory_space<vmem_shared>> -> memref<128x128xf32, #tpu.memory_space<vmem_shared>>
      tpu.wait_dma2 semaphore(%run_scoped3A : memref<!tpu.dma_semaphore, #tpu.memory_space<semaphore_mem>>) src(%dma_wait3A_453 : memref<128x128xf32, #tpu.memory_space<vmem_shared>>) dst(%arg8 : memref<128x128xf32, #tpu.memory_space<vmem>>)
      tpu.yield
    }) : () -> ()
    %mul3A_368 = arith.constant 640 : i32
    %mul3A_369 = arith.muli %arg1, %mul3A_368 : i32
    %add3A_370 = arith.constant 256 : i32
    %add3A_371 = arith.addi %mul3A_369, %add3A_370 : i32
    %dma_start3A_372 = arith.constant 0 : i32
    %dma_start3A_373 = tpu.memref_slice %arg5[%arg0, %add3A_371, %dma_start3A_372] : memref<2x10240x128xf32, #tpu.memory_space<hbm>> -> memref<1x128x128xf32, #tpu.memory_space<hbm>>
    %dma_start3A_374 = tpu.memref_squeeze %dma_start3A_373 : memref<1x128x128xf32, #tpu.memory_space<hbm>> -> memref<128x128xf32, #tpu.memory_space<hbm>>
    %dma_start3A_375 = arith.constant 0 : i32
    %dma_start3A_376 = tpu.memref_slice %arg5[%arg0, %add3A_371, %dma_start3A_375] : memref<2x10240x128xf32, #tpu.memory_space<hbm>> -> memref<1x128x128xf32, #tpu.memory_space<hbm>>
    %dma_start3A_377 = tpu.memref_squeeze %dma_start3A_376 : memref<1x128x128xf32, #tpu.memory_space<hbm>> -> memref<128x128xf32, #tpu.memory_space<hbm>>
    tpu.enqueue_dma source(%arg8 : memref<128x128xf32, #tpu.memory_space<vmem>>) target(%dma_start3A_377 : memref<128x128xf32, #tpu.memory_space<hbm>>) target_semaphore(%arg13 : memref<!tpu.dma_semaphore, #tpu.memory_space<semaphore_mem>>)
    %mul3A_378 = arith.constant 640 : i32
    %mul3A_379 = arith.muli %arg1, %mul3A_378 : i32
    %add3A_380 = arith.constant 128 : i32
    %add3A_381 = arith.addi %mul3A_379, %add3A_380 : i32
    %dma_wait3A_382 = arith.constant 0 : i32
    %dma_wait3A_383 = tpu.memref_slice %arg5[%arg0, %add3A_381, %dma_wait3A_382] : memref<2x10240x128xf32, #tpu.memory_space<hbm>> -> memref<1x128x128xf32, #tpu.memory_space<hbm>>
    %dma_wait3A_384 = tpu.memref_squeeze %dma_wait3A_383 : memref<1x128x128xf32, #tpu.memory_space<hbm>> -> memref<128x128xf32, #tpu.memory_space<hbm>>
    %dma_wait3A_385 = arith.constant 0 : i32
    %dma_wait3A_386 = tpu.memref_slice %arg5[%arg0, %add3A_381, %dma_wait3A_385] : memref<2x10240x128xf32, #tpu.memory_space<hbm>> -> memref<1x128x128xf32, #tpu.memory_space<hbm>>
    %dma_wait3A_387 = tpu.memref_squeeze %dma_wait3A_386 : memref<1x128x128xf32, #tpu.memory_space<hbm>> -> memref<128x128xf32, #tpu.memory_space<hbm>>
    tpu.wait_dma2 semaphore(%arg14 : memref<!tpu.dma_semaphore, #tpu.memory_space<semaphore_mem>>) src(%arg9 : memref<128x128xf32, #tpu.memory_space<vmem>>) dst(%dma_wait3A_387 : memref<128x128xf32, #tpu.memory_space<hbm>>)
    %mul3A_388 = arith.constant 640 : i32
    %mul3A_389 = arith.muli %arg1, %mul3A_388 : i32
    %add3A_390 = arith.constant 384 : i32
    %add3A_391 = arith.addi %mul3A_389, %add3A_390 : i32
    "tpu.region"() ({
      %run_scoped3A = tpu.sem_alloc : memref<!tpu.dma_semaphore, #tpu.memory_space<semaphore_mem>>
      %dma_start3A_446 = arith.constant 0 : i32
      %dma_start3A_447 = tpu.memref_slice %arg10[%add3A_391, %dma_start3A_446] : memref<10240x128xf32, #tpu.memory_space<vmem_shared>> -> memref<128x128xf32, #tpu.memory_space<vmem_shared>>
      %dma_start3A_448 = arith.constant 0 : i32
      %dma_start3A_449 = tpu.memref_slice %arg10[%add3A_391, %dma_start3A_448] : memref<10240x128xf32, #tpu.memory_space<vmem_shared>> -> memref<128x128xf32, #tpu.memory_space<vmem_shared>>
      tpu.enqueue_dma source(%dma_start3A_449 : memref<128x128xf32, #tpu.memory_space<vmem_shared>>) target(%arg9 : memref<128x128xf32, #tpu.memory_space<vmem>>) target_semaphore(%run_scoped3A : memref<!tpu.dma_semaphore, #tpu.memory_space<semaphore_mem>>)
      %dma_wait3A_450 = arith.constant 0 : i32
      %dma_wait3A_451 = tpu.memref_slice %arg10[%add3A_391, %dma_wait3A_450] : memref<10240x128xf32, #tpu.memory_space<vmem_shared>> -> memref<128x128xf32, #tpu.memory_space<vmem_shared>>
      %dma_wait3A_452 = arith.constant 0 : i32
      %dma_wait3A_453 = tpu.memref_slice %arg10[%add3A_391, %dma_wait3A_452] : memref<10240x128xf32, #tpu.memory_space<vmem_shared>> -> memref<128x128xf32, #tpu.memory_space<vmem_shared>>
      tpu.wait_dma2 semaphore(%run_scoped3A : memref<!tpu.dma_semaphore, #tpu.memory_space<semaphore_mem>>) src(%dma_wait3A_453 : memref<128x128xf32, #tpu.memory_space<vmem_shared>>) dst(%arg9 : memref<128x128xf32, #tpu.memory_space<vmem>>)
      tpu.yield
    }) : () -> ()
    %mul3A_392 = arith.constant 640 : i32
    %mul3A_393 = arith.muli %arg1, %mul3A_392 : i32
    %add3A_394 = arith.constant 384 : i32
    %add3A_395 = arith.addi %mul3A_393, %add3A_394 : i32
    %dma_start3A_396 = arith.constant 0 : i32
    %dma_start3A_397 = tpu.memref_slice %arg5[%arg0, %add3A_395, %dma_start3A_396] : memref<2x10240x128xf32, #tpu.memory_space<hbm>> -> memref<1x128x128xf32, #tpu.memory_space<hbm>>
    %dma_start3A_398 = tpu.memref_squeeze %dma_start3A_397 : memref<1x128x128xf32, #tpu.memory_space<hbm>> -> memref<128x128xf32, #tpu.memory_space<hbm>>
    %dma_start3A_399 = arith.constant 0 : i32
    %dma_start3A_400 = tpu.memref_slice %arg5[%arg0, %add3A_395, %dma_start3A_399] : memref<2x10240x128xf32, #tpu.memory_space<hbm>> -> memref<1x128x128xf32, #tpu.memory_space<hbm>>
    %dma_start3A_401 = tpu.memref_squeeze %dma_start3A_400 : memref<1x128x128xf32, #tpu.memory_space<hbm>> -> memref<128x128xf32, #tpu.memory_space<hbm>>
    tpu.enqueue_dma source(%arg9 : memref<128x128xf32, #tpu.memory_space<vmem>>) target(%dma_start3A_401 : memref<128x128xf32, #tpu.memory_space<hbm>>) target_semaphore(%arg14 : memref<!tpu.dma_semaphore, #tpu.memory_space<semaphore_mem>>)
    %mul3A_402 = arith.constant 640 : i32
    %mul3A_403 = arith.muli %arg1, %mul3A_402 : i32
    %add3A_404 = arith.constant 256 : i32
    %add3A_405 = arith.addi %mul3A_403, %add3A_404 : i32
    %dma_wait3A_406 = arith.constant 0 : i32
    %dma_wait3A_407 = tpu.memref_slice %arg5[%arg0, %add3A_405, %dma_wait3A_406] : memref<2x10240x128xf32, #tpu.memory_space<hbm>> -> memref<1x128x128xf32, #tpu.memory_space<hbm>>
    %dma_wait3A_408 = tpu.memref_squeeze %dma_wait3A_407 : memref<1x128x128xf32, #tpu.memory_space<hbm>> -> memref<128x128xf32, #tpu.memory_space<hbm>>
    %dma_wait3A_409 = arith.constant 0 : i32
    %dma_wait3A_410 = tpu.memref_slice %arg5[%arg0, %add3A_405, %dma_wait3A_409] : memref<2x10240x128xf32, #tpu.memory_space<hbm>> -> memref<1x128x128xf32, #tpu.memory_space<hbm>>
    %dma_wait3A_411 = tpu.memref_squeeze %dma_wait3A_410 : memref<1x128x128xf32, #tpu.memory_space<hbm>> -> memref<128x128xf32, #tpu.memory_space<hbm>>
    tpu.wait_dma2 semaphore(%arg13 : memref<!tpu.dma_semaphore, #tpu.memory_space<semaphore_mem>>) src(%arg8 : memref<128x128xf32, #tpu.memory_space<vmem>>) dst(%dma_wait3A_411 : memref<128x128xf32, #tpu.memory_space<hbm>>)
    %mul3A_412 = arith.constant 640 : i32
    %mul3A_413 = arith.muli %arg1, %mul3A_412 : i32
    %add3A_414 = arith.constant 512 : i32
    %add3A_415 = arith.addi %mul3A_413, %add3A_414 : i32
    "tpu.region"() ({
      %run_scoped3A = tpu.sem_alloc : memref<!tpu.dma_semaphore, #tpu.memory_space<semaphore_mem>>
      %dma_start3A_446 = arith.constant 0 : i32
      %dma_start3A_447 = tpu.memref_slice %arg10[%add3A_415, %dma_start3A_446] : memref<10240x128xf32, #tpu.memory_space<vmem_shared>> -> memref<128x128xf32, #tpu.memory_space<vmem_shared>>
      %dma_start3A_448 = arith.constant 0 : i32
      %dma_start3A_449 = tpu.memref_slice %arg10[%add3A_415, %dma_start3A_448] : memref<10240x128xf32, #tpu.memory_space<vmem_shared>> -> memref<128x128xf32, #tpu.memory_space<vmem_shared>>
      tpu.enqueue_dma source(%dma_start3A_449 : memref<128x128xf32, #tpu.memory_space<vmem_shared>>) target(%arg8 : memref<128x128xf32, #tpu.memory_space<vmem>>) target_semaphore(%run_scoped3A : memref<!tpu.dma_semaphore, #tpu.memory_space<semaphore_mem>>)
      %dma_wait3A_450 = arith.constant 0 : i32
      %dma_wait3A_451 = tpu.memref_slice %arg10[%add3A_415, %dma_wait3A_450] : memref<10240x128xf32, #tpu.memory_space<vmem_shared>> -> memref<128x128xf32, #tpu.memory_space<vmem_shared>>
      %dma_wait3A_452 = arith.constant 0 : i32
      %dma_wait3A_453 = tpu.memref_slice %arg10[%add3A_415, %dma_wait3A_452] : memref<10240x128xf32, #tpu.memory_space<vmem_shared>> -> memref<128x128xf32, #tpu.memory_space<vmem_shared>>
      tpu.wait_dma2 semaphore(%run_scoped3A : memref<!tpu.dma_semaphore, #tpu.memory_space<semaphore_mem>>) src(%dma_wait3A_453 : memref<128x128xf32, #tpu.memory_space<vmem_shared>>) dst(%arg8 : memref<128x128xf32, #tpu.memory_space<vmem>>)
      tpu.yield
    }) : () -> ()
    %mul3A_416 = arith.constant 640 : i32
    %mul3A_417 = arith.muli %arg1, %mul3A_416 : i32
    %add3A_418 = arith.constant 512 : i32
    %add3A_419 = arith.addi %mul3A_417, %add3A_418 : i32
    %dma_start3A_420 = arith.constant 0 : i32
    %dma_start3A_421 = tpu.memref_slice %arg5[%arg0, %add3A_419, %dma_start3A_420] : memref<2x10240x128xf32, #tpu.memory_space<hbm>> -> memref<1x128x128xf32, #tpu.memory_space<hbm>>
    %dma_start3A_422 = tpu.memref_squeeze %dma_start3A_421 : memref<1x128x128xf32, #tpu.memory_space<hbm>> -> memref<128x128xf32, #tpu.memory_space<hbm>>
    %dma_start3A_423 = arith.constant 0 : i32
    %dma_start3A_424 = tpu.memref_slice %arg5[%arg0, %add3A_419, %dma_start3A_423] : memref<2x10240x128xf32, #tpu.memory_space<hbm>> -> memref<1x128x128xf32, #tpu.memory_space<hbm>>
    %dma_start3A_425 = tpu.memref_squeeze %dma_start3A_424 : memref<1x128x128xf32, #tpu.memory_space<hbm>> -> memref<128x128xf32, #tpu.memory_space<hbm>>
    tpu.enqueue_dma source(%arg8 : memref<128x128xf32, #tpu.memory_space<vmem>>) target(%dma_start3A_425 : memref<128x128xf32, #tpu.memory_space<hbm>>) target_semaphore(%arg13 : memref<!tpu.dma_semaphore, #tpu.memory_space<semaphore_mem>>)
    %mul3A_426 = arith.constant 640 : i32
    %mul3A_427 = arith.muli %arg1, %mul3A_426 : i32
    %add3A_428 = arith.constant 384 : i32
    %add3A_429 = arith.addi %mul3A_427, %add3A_428 : i32
    %dma_wait3A_430 = arith.constant 0 : i32
    %dma_wait3A_431 = tpu.memref_slice %arg5[%arg0, %add3A_429, %dma_wait3A_430] : memref<2x10240x128xf32, #tpu.memory_space<hbm>> -> memref<1x128x128xf32, #tpu.memory_space<hbm>>
    %dma_wait3A_432 = tpu.memref_squeeze %dma_wait3A_431 : memref<1x128x128xf32, #tpu.memory_space<hbm>> -> memref<128x128xf32, #tpu.memory_space<hbm>>
    %dma_wait3A_433 = arith.constant 0 : i32
    %dma_wait3A_434 = tpu.memref_slice %arg5[%arg0, %add3A_429, %dma_wait3A_433] : memref<2x10240x128xf32, #tpu.memory_space<hbm>> -> memref<1x128x128xf32, #tpu.memory_space<hbm>>
    %dma_wait3A_435 = tpu.memref_squeeze %dma_wait3A_434 : memref<1x128x128xf32, #tpu.memory_space<hbm>> -> memref<128x128xf32, #tpu.memory_space<hbm>>
    tpu.wait_dma2 semaphore(%arg14 : memref<!tpu.dma_semaphore, #tpu.memory_space<semaphore_mem>>) src(%arg9 : memref<128x128xf32, #tpu.memory_space<vmem>>) dst(%dma_wait3A_435 : memref<128x128xf32, #tpu.memory_space<hbm>>)
    %mul3A_436 = arith.constant 640 : i32
    %mul3A_437 = arith.muli %arg1, %mul3A_436 : i32
    %add3A_438 = arith.constant 512 : i32
    %add3A_439 = arith.addi %mul3A_437, %add3A_438 : i32
    %dma_wait3A_440 = arith.constant 0 : i32
    %dma_wait3A_441 = tpu.memref_slice %arg5[%arg0, %add3A_439, %dma_wait3A_440] : memref<2x10240x128xf32, #tpu.memory_space<hbm>> -> memref<1x128x128xf32, #tpu.memory_space<hbm>>
    %dma_wait3A_442 = tpu.memref_squeeze %dma_wait3A_441 : memref<1x128x128xf32, #tpu.memory_space<hbm>> -> memref<128x128xf32, #tpu.memory_space<hbm>>
    %dma_wait3A_443 = arith.constant 0 : i32
    %dma_wait3A_444 = tpu.memref_slice %arg5[%arg0, %add3A_439, %dma_wait3A_443] : memref<2x10240x128xf32, #tpu.memory_space<hbm>> -> memref<1x128x128xf32, #tpu.memory_space<hbm>>
    %dma_wait3A_445 = tpu.memref_squeeze %dma_wait3A_444 : memref<1x128x128xf32, #tpu.memory_space<hbm>> -> memref<128x128xf32, #tpu.memory_space<hbm>>
    tpu.wait_dma2 semaphore(%arg13 : memref<!tpu.dma_semaphore, #tpu.memory_space<semaphore_mem>>) src(%arg8 : memref<128x128xf32, #tpu.memory_space<vmem>>) dst(%dma_wait3A_445 : memref<128x128xf32, #tpu.memory_space<hbm>>)
    return
  }
}

module attributes {stable_mosaic.version = 14 : i64} {
  func.func @body(%arg0: i32, %arg1: memref<2x1000x144xf32, #tpu.memory_space<vmem>>, %arg2: memref<1000x128xf32, #tpu.memory_space<vmem>>, %arg3: memref<128x128xf32, #tpu.memory_space<vmem>>, %arg4: memref<1x128xf32, #tpu.memory_space<vmem>>, %arg5: memref<128x128xf32, #tpu.memory_space<vmem>>, %arg6: memref<1000x128xf32, #tpu.memory_space<vmem>>, %arg7: memref<1000x1xf32, #tpu.memory_space<vmem>>) attributes {dimension_semantics = [#tpu.dimension_semantics<arbitrary>], iteration_bounds = array<i64: 10>, scalar_prefetch = 0 : i64, scratch_operands = 0 : i64, tpu.core_type = #tpu.core_type<tc>, window_params = [{transform_indices = @transform_0, window_bounds = array<i64: 2, 1000, 144>}, {transform_indices = @transform_1, window_bounds = array<i64: 1000, 128>}, {pipeline_mode = #tpu.pipeline_mode<synchronous>, transform_indices = @transform_2, window_bounds = array<i64: 128, 128>}, {pipeline_mode = #tpu.pipeline_mode<synchronous>, transform_indices = @transform_3, window_bounds = array<i64: 1, 128>}, {pipeline_mode = #tpu.pipeline_mode<synchronous>, transform_indices = @transform_4, window_bounds = array<i64: 128, 128>}, {transform_indices = @transform_5, window_bounds = array<i64: 1000, 128>}, {transform_indices = @transform_6, window_bounds = array<i64: 1000, 1>}]} {
    %get3A = arith.constant 0 : index
    %get3A_0 = arith.constant 0 : index
    %get3A_1 = arith.constant 0 : index
    %get3A_2 = vector.load %arg1[%get3A, %get3A_0, %get3A_1] : memref<2x1000x144xf32, #tpu.memory_space<vmem>>, vector<1x1000x144xf32>
    %get3A_3 = vector.shape_cast %get3A_2 : vector<1x1000x144xf32> to vector<1000x144xf32>
    %get3A_4 = arith.constant 1 : index
    %get3A_5 = arith.constant 0 : index
    %get3A_6 = arith.constant 0 : index
    %get3A_7 = vector.load %arg1[%get3A_4, %get3A_5, %get3A_6] : memref<2x1000x144xf32, #tpu.memory_space<vmem>>, vector<1x1000x144xf32>
    %get3A_8 = vector.shape_cast %get3A_7 : vector<1x1000x144xf32> to vector<1000x144xf32>
    %add3A = arith.addf %get3A_3, %get3A_8 : vector<1000x144xf32>
    %slice3A = vector.extract_strided_slice %add3A {offsets = [0, 128], sizes = [1000, 1], strides = [1, 1]} : vector<1000x144xf32> to vector<1000x1xf32>
    %max3A = arith.constant 1.000000e+00 : f32
    %max3A_9 = vector.broadcast %max3A : f32 to vector<1000x1xf32>
    %max3A_10 = arith.maximumf %slice3A, %max3A_9 : vector<1000x1xf32>
    %div3A = arith.constant 1.000000e+00 : f32
    %div3A_11 = vector.broadcast %div3A : f32 to vector<1000x1xf32>
    %div3A_12 = arith.divf %div3A_11, %max3A_10 : vector<1000x1xf32>
    %slice3A_13 = vector.extract_strided_slice %add3A {offsets = [0, 0], sizes = [1000, 128], strides = [1, 1]} : vector<1000x144xf32> to vector<1000x128xf32>
    %mul3A = vector.broadcast %div3A_12 : vector<1000x1xf32> to vector<1000x128xf32>
    %mul3A_14 = arith.mulf %slice3A_13, %mul3A : vector<1000x128xf32>
    %get3A_15 = arith.constant 0 : index
    %get3A_16 = arith.constant 0 : index
    %get3A_17 = vector.load %arg3[%get3A_15, %get3A_16] : memref<128x128xf32, #tpu.memory_space<vmem>>, vector<128x128xf32>
    %dot_general3A = arith.constant dense<0.000000e+00> : vector<1000x128xf32>
    %dot_general3A_18 = tpu.matmul %mul3A_14, %get3A_17, %dot_general3A {dimension_numbers = #tpu.dot_dimension_numbers<[1], [0], [0], [1], [0, 0, 1, 1], [], []>, transpose_lhs_hint = false} : vector<1000x128xf32>, vector<128x128xf32>, vector<1000x128xf32> -> vector<1000x128xf32>
    %get3A_19 = arith.constant 0 : index
    %get3A_20 = arith.constant 0 : index
    %get3A_21 = vector.load %arg4[%get3A_19, %get3A_20] : memref<1x128xf32, #tpu.memory_space<vmem>>, vector<1x128xf32>
    %add3A_22 = vector.broadcast %get3A_21 : vector<1x128xf32> to vector<1000x128xf32>
    %add3A_23 = arith.addf %dot_general3A_18, %add3A_22 : vector<1000x128xf32>
    %get3A_24 = arith.constant 0 : index
    %get3A_25 = arith.constant 0 : index
    %get3A_26 = vector.load %arg2[%get3A_24, %get3A_25] : memref<1000x128xf32, #tpu.memory_space<vmem>>, vector<1000x128xf32>
    %get3A_27 = arith.constant 0 : index
    %get3A_28 = arith.constant 0 : index
    %get3A_29 = vector.load %arg5[%get3A_27, %get3A_28] : memref<128x128xf32, #tpu.memory_space<vmem>>, vector<128x128xf32>
    %dot_general3A_30 = arith.constant dense<0.000000e+00> : vector<1000x128xf32>
    %dot_general3A_31 = tpu.matmul %get3A_26, %get3A_29, %dot_general3A_30 {dimension_numbers = #tpu.dot_dimension_numbers<[1], [0], [0], [1], [0, 0, 1, 1], [], []>, transpose_lhs_hint = false} : vector<1000x128xf32>, vector<128x128xf32>, vector<1000x128xf32> -> vector<1000x128xf32>
    %add3A_32 = arith.addf %add3A_23, %dot_general3A_31 : vector<1000x128xf32>
    %max3A_33 = arith.constant 0.000000e+00 : f32
    %max3A_34 = vector.broadcast %max3A_33 : f32 to vector<1000x128xf32>
    %max3A_35 = arith.maximumf %add3A_32, %max3A_34 : vector<1000x128xf32>
    %swap3A = arith.constant 0 : index
    %swap3A_36 = arith.constant 0 : index
    %swap3A_37 = vector.load %arg6[%swap3A, %swap3A_36] : memref<1000x128xf32, #tpu.memory_space<vmem>>, vector<1000x128xf32>
    tpu.vector_store %arg6[%swap3A, %swap3A_36], %max3A_35 {strides = array<i32>} : memref<1000x128xf32, #tpu.memory_space<vmem>>, vector<1000x128xf32>,
    %swap3A_38 = arith.constant 0 : index
    %swap3A_39 = arith.constant 0 : index
    %swap3A_40 = vector.load %arg7[%swap3A_38, %swap3A_39] : memref<1000x1xf32, #tpu.memory_space<vmem>>, vector<1000x1xf32>
    tpu.vector_store %arg7[%swap3A_38, %swap3A_39], %div3A_12 {strides = array<i32>} : memref<1000x1xf32, #tpu.memory_space<vmem>>, vector<1000x1xf32>,
    return
  }
  func.func @transform_0(%arg0: i32) -> (i32, i32, i32) {
    %c0_i32 = arith.constant 0 : i32
    %c0_i32_0 = arith.constant 0 : i32
    %c0_i32_1 = arith.constant 0 : i32
    return %c0_i32, %arg0, %c0_i32_0 : i32, i32, i32
  }
  func.func @transform_1(%arg0: i32) -> (i32, i32) {
    %c0_i32 = arith.constant 0 : i32
    %c0_i32_0 = arith.constant 0 : i32
    return %arg0, %c0_i32 : i32, i32
  }
  func.func @transform_2(%arg0: i32) -> (i32, i32) {
    %c0_i32 = arith.constant 0 : i32
    %c0_i32_0 = arith.constant 0 : i32
    %c0_i32_1 = arith.constant 0 : i32
    return %c0_i32, %c0_i32_0 : i32, i32
  }
  func.func @transform_3(%arg0: i32) -> (i32, i32) {
    %c0_i32 = arith.constant 0 : i32
    %c0_i32_0 = arith.constant 0 : i32
    %c0_i32_1 = arith.constant 0 : i32
    return %c0_i32, %c0_i32_0 : i32, i32
  }
  func.func @transform_4(%arg0: i32) -> (i32, i32) {
    %c0_i32 = arith.constant 0 : i32
    %c0_i32_0 = arith.constant 0 : i32
    %c0_i32_1 = arith.constant 0 : i32
    return %c0_i32, %c0_i32_0 : i32, i32
  }
  func.func @transform_5(%arg0: i32) -> (i32, i32) {
    %c0_i32 = arith.constant 0 : i32
    %c0_i32_0 = arith.constant 0 : i32
    return %arg0, %c0_i32 : i32, i32
  }
  func.func @transform_6(%arg0: i32) -> (i32, i32) {
    %c0_i32 = arith.constant 0 : i32
    %c0_i32_0 = arith.constant 0 : i32
    return %arg0, %c0_i32 : i32, i32
  }
}

module attributes {stable_mosaic.version = 14 : i64} {
  func.func @body(%arg0: i32, %arg1: memref<2x1000x128xf32, #tpu.memory_space<vmem>>, %arg2: memref<1000x1xf32, #tpu.memory_space<vmem>>, %arg3: memref<1000x128xf32, #tpu.memory_space<vmem>>, %arg4: memref<128x128xf32, #tpu.memory_space<vmem>>, %arg5: memref<1x128xf32, #tpu.memory_space<vmem>>, %arg6: memref<128x128xf32, #tpu.memory_space<vmem>>, %arg7: memref<1000x128xf32, #tpu.memory_space<vmem>>) attributes {dimension_semantics = [#tpu.dimension_semantics<arbitrary>], iteration_bounds = array<i64: 10>, scalar_prefetch = 0 : i64, scratch_operands = 0 : i64, tpu.core_type = #tpu.core_type<tc>, window_params = [{transform_indices = @transform_0, window_bounds = array<i64: 2, 1000, 128>}, {transform_indices = @transform_1, window_bounds = array<i64: 1000, 1>}, {transform_indices = @transform_2, window_bounds = array<i64: 1000, 128>}, {pipeline_mode = #tpu.pipeline_mode<synchronous>, transform_indices = @transform_3, window_bounds = array<i64: 128, 128>}, {pipeline_mode = #tpu.pipeline_mode<synchronous>, transform_indices = @transform_4, window_bounds = array<i64: 1, 128>}, {pipeline_mode = #tpu.pipeline_mode<synchronous>, transform_indices = @transform_5, window_bounds = array<i64: 128, 128>}, {transform_indices = @transform_6, window_bounds = array<i64: 1000, 128>}]} {
    %get3A = arith.constant 0 : index
    %get3A_0 = arith.constant 0 : index
    %get3A_1 = arith.constant 0 : index
    %get3A_2 = vector.load %arg1[%get3A, %get3A_0, %get3A_1] : memref<2x1000x128xf32, #tpu.memory_space<vmem>>, vector<1x1000x128xf32>
    %get3A_3 = vector.shape_cast %get3A_2 : vector<1x1000x128xf32> to vector<1000x128xf32>
    %get3A_4 = arith.constant 1 : index
    %get3A_5 = arith.constant 0 : index
    %get3A_6 = arith.constant 0 : index
    %get3A_7 = vector.load %arg1[%get3A_4, %get3A_5, %get3A_6] : memref<2x1000x128xf32, #tpu.memory_space<vmem>>, vector<1x1000x128xf32>
    %get3A_8 = vector.shape_cast %get3A_7 : vector<1x1000x128xf32> to vector<1000x128xf32>
    %add3A = arith.addf %get3A_3, %get3A_8 : vector<1000x128xf32>
    %get3A_9 = arith.constant 0 : index
    %get3A_10 = arith.constant 0 : index
    %get3A_11 = vector.load %arg2[%get3A_9, %get3A_10] : memref<1000x1xf32, #tpu.memory_space<vmem>>, vector<1000x1xf32>
    %mul3A = vector.broadcast %get3A_11 : vector<1000x1xf32> to vector<1000x128xf32>
    %mul3A_12 = arith.mulf %add3A, %mul3A : vector<1000x128xf32>
    %get3A_13 = arith.constant 0 : index
    %get3A_14 = arith.constant 0 : index
    %get3A_15 = vector.load %arg4[%get3A_13, %get3A_14] : memref<128x128xf32, #tpu.memory_space<vmem>>, vector<128x128xf32>
    %dot_general3A = arith.constant dense<0.000000e+00> : vector<1000x128xf32>
    %dot_general3A_16 = tpu.matmul %mul3A_12, %get3A_15, %dot_general3A {dimension_numbers = #tpu.dot_dimension_numbers<[1], [0], [0], [1], [0, 0, 1, 1], [], []>, transpose_lhs_hint = false} : vector<1000x128xf32>, vector<128x128xf32>, vector<1000x128xf32> -> vector<1000x128xf32>
    %get3A_17 = arith.constant 0 : index
    %get3A_18 = arith.constant 0 : index
    %get3A_19 = vector.load %arg5[%get3A_17, %get3A_18] : memref<1x128xf32, #tpu.memory_space<vmem>>, vector<1x128xf32>
    %add3A_20 = vector.broadcast %get3A_19 : vector<1x128xf32> to vector<1000x128xf32>
    %add3A_21 = arith.addf %dot_general3A_16, %add3A_20 : vector<1000x128xf32>
    %get3A_22 = arith.constant 0 : index
    %get3A_23 = arith.constant 0 : index
    %get3A_24 = vector.load %arg3[%get3A_22, %get3A_23] : memref<1000x128xf32, #tpu.memory_space<vmem>>, vector<1000x128xf32>
    %get3A_25 = arith.constant 0 : index
    %get3A_26 = arith.constant 0 : index
    %get3A_27 = vector.load %arg6[%get3A_25, %get3A_26] : memref<128x128xf32, #tpu.memory_space<vmem>>, vector<128x128xf32>
    %dot_general3A_28 = arith.constant dense<0.000000e+00> : vector<1000x128xf32>
    %dot_general3A_29 = tpu.matmul %get3A_24, %get3A_27, %dot_general3A_28 {dimension_numbers = #tpu.dot_dimension_numbers<[1], [0], [0], [1], [0, 0, 1, 1], [], []>, transpose_lhs_hint = false} : vector<1000x128xf32>, vector<128x128xf32>, vector<1000x128xf32> -> vector<1000x128xf32>
    %add3A_30 = arith.addf %add3A_21, %dot_general3A_29 : vector<1000x128xf32>
    %reduce_max3A = arith.constant dense<0xFF800000> : vector<1000xf32>
    %reduce_max3A_31 = vector.multi_reduction <maximumf>, %add3A_30, %reduce_max3A [1] : vector<1000x128xf32> to vector<1000xf32>
    %broadcast_in_dim3A = vector.shape_cast %reduce_max3A_31 : vector<1000xf32> to vector<1000x1xf32>
    %sub3A = vector.broadcast %broadcast_in_dim3A : vector<1000x1xf32> to vector<1000x128xf32>
    %sub3A_32 = arith.subf %add3A_30, %sub3A : vector<1000x128xf32>
    %exp3A = math.exp %sub3A_32 : vector<1000x128xf32>
    %reduce_sum3A = arith.constant dense<0.000000e+00> : vector<1000xf32>
    %reduce_sum3A_33 = vector.multi_reduction <add>, %exp3A, %reduce_sum3A [1] : vector<1000x128xf32> to vector<1000xf32>
    %broadcast_in_dim3A_34 = vector.shape_cast %reduce_sum3A_33 : vector<1000xf32> to vector<1000x1xf32>
    %log3A = math.log %broadcast_in_dim3A_34 : vector<1000x1xf32>
    %sub3A_35 = vector.broadcast %log3A : vector<1000x1xf32> to vector<1000x128xf32>
    %sub3A_36 = arith.subf %sub3A_32, %sub3A_35 : vector<1000x128xf32>
    %swap3A = arith.constant 0 : index
    %swap3A_37 = arith.constant 0 : index
    %swap3A_38 = vector.load %arg7[%swap3A, %swap3A_37] : memref<1000x128xf32, #tpu.memory_space<vmem>>, vector<1000x128xf32>
    tpu.vector_store %arg7[%swap3A, %swap3A_37], %sub3A_36 {strides = array<i32>} : memref<1000x128xf32, #tpu.memory_space<vmem>>, vector<1000x128xf32>,
    return
  }
  func.func @transform_0(%arg0: i32) -> (i32, i32, i32) {
    %c0_i32 = arith.constant 0 : i32
    %c0_i32_0 = arith.constant 0 : i32
    %c0_i32_1 = arith.constant 0 : i32
    return %c0_i32, %arg0, %c0_i32_0 : i32, i32, i32
  }
  func.func @transform_1(%arg0: i32) -> (i32, i32) {
    %c0_i32 = arith.constant 0 : i32
    %c0_i32_0 = arith.constant 0 : i32
    return %arg0, %c0_i32 : i32, i32
  }
  func.func @transform_2(%arg0: i32) -> (i32, i32) {
    %c0_i32 = arith.constant 0 : i32
    %c0_i32_0 = arith.constant 0 : i32
    return %arg0, %c0_i32 : i32, i32
  }
  func.func @transform_3(%arg0: i32) -> (i32, i32) {
    %c0_i32 = arith.constant 0 : i32
    %c0_i32_0 = arith.constant 0 : i32
    %c0_i32_1 = arith.constant 0 : i32
    return %c0_i32, %c0_i32_0 : i32, i32
  }
  func.func @transform_4(%arg0: i32) -> (i32, i32) {
    %c0_i32 = arith.constant 0 : i32
    %c0_i32_0 = arith.constant 0 : i32
    %c0_i32_1 = arith.constant 0 : i32
    return %c0_i32, %c0_i32_0 : i32, i32
  }
  func.func @transform_5(%arg0: i32) -> (i32, i32) {
    %c0_i32 = arith.constant 0 : i32
    %c0_i32_0 = arith.constant 0 : i32
    %c0_i32_1 = arith.constant 0 : i32
    return %c0_i32, %c0_i32_0 : i32, i32
  }
  func.func @transform_6(%arg0: i32) -> (i32, i32) {
    %c0_i32 = arith.constant 0 : i32
    %c0_i32_0 = arith.constant 0 : i32
    return %arg0, %c0_i32 : i32, i32
  }
}

</mosaic_0001>

<sc_bundles>
// kernel: kernel.6.cloned.1.call-start
scs
__scs_entry_jumppad:
0x0: {  	(pc) =	sbr.rel $0x88, $3  }
0x1: {  	(tag) =	ssettag $0x0;
	lr =	simm.s32 $0x1  }
0x2: {  	[smem:$0x3F99] =	sst lr;
	_ =	strace $0xD0000000  }
0x3: {  	_ = 	snop  }
0x4: {  	_ = 	snop  }
0x5: {  	_ = 	snop  }
0x6: {  	_ = 	snop  }
0x7: {  	_ = 	snop  }
__scs_overlays_trampoline_lowered:
0x8: {  	[smem:$0x3FA8] =	sst s0  }
0x9: {  	[smem:$0x3FA9] =	sst s1  }
0xa: {  	[smem:$0x3FAA] =	sst s2  }
0xb: {  	[smem:$0x3FAB] =	sst s3  }
0xc: {  	[smem:$0x3FAC] =	sst s4  }
0xd: {  	[smem:$0x3FAD] =	sst s5  }
0xe: {  	[smem:$0x3FAE] =	sst s6  }
0xf: {  	[smem:$0x3FAF] =	sst s7  }
0x10: {  	[smem:$0x3FB0] =	sst s8  }
0x11: {  	[smem:$0x3FB1] =	sst s9;
	s0 =	simm.s32 @!p0 $0x0  }
0x12: {  	s1 =	sld [smem:$0x3F97];
	s0 =	simm.s32 @p0 $0x1  }
0x13: {  	[smem:$0x3FB2] =	sst s0;
	s0 =	simm.s32 @!p1 $0x0  }
0x14: {  	s2 =	sld [smem:$0x3F96];
	s0 =	simm.s32 @p1 $0x1  }
0x15: {  	[smem:$0x3FB3] =	sst s0;
	s0 =	simm.s32 @!p2 $0x0  }
0x16: {  	s3 =	sld [smem:$0x3FDB];
	s0 =	simm.s32 @p2 $0x1  }
0x17: {  	s4 =	simm.s32 $0x1BF5;
	[smem:$0x3FB5] =	sst s0  }
0x18: {  	s0 =	sld [smem:$0x3F98];
	_ =	swait.ge [sflag:s4], $0x0  }
0x19: {  	s7 =	sld [smem:$0x3F99]  }
0x1a: {  	s8 =	sadd.s32 $0xFFFFE003, lr  }
0x1b: {  	s9 =	sadd.s32 $0xFFFFFEF7, lr;
	s5 =	simm.s32 $0xFFFFFFFF;
	p2 =	slt.u32 s8, $0xFFFFF086  }
0x1c: {  	p1 =	slt.u32 s9, $0xF7A;
	s5 =	simm.s32 @!p2 $0x0  }
0x1d: {  	s5 =	simm.s32 @p1 $0x1;
	p0 =	seq.s32 s7, s2  }
0x1e: {  	s7 =	smul.u32 @!p0 $0xF7A, s2;
	p2 =	seq.s32 @!p0 s5, $0x0  }
0x1f: {  	s9 =	smul.u32 $0xF7A, s1;
	s8 =	simm.s32 @!p0 $0x1BF5;
	p2 =	por !p2, p0  }
0x20: {  	[sflag:s8] =	ssyncset.s32 @!p0 $0xFFFFF086;
	s6 =	sadd.s32 @!p0 s3, s7;
	s7 =	simm.s32 @!p0 $0x108  }
0x21: {  	s3 =	sadd.s32 s3, s9;
	s6 =	sadd.s32 @!p0 $0x88, s6;
	s7 =	simm.s32 @p2 $0x1082  }
0x22: {  	[simem:s7], [sflag:s8] =	dma.local @!p0 [hbm:s6], $0xF7A  }
0x23: {  	s9 =	sor.u32 $0xD0000000, s2;
	s6 =	simm.s32 $0x108;
	_ =	swait.ge @!p0 [sflag:s8], $0x0  }
0x24: {  	s3 =	sadd.s32 $0x88, s3;
	s6 =	simm.s32 @!p1 $0x1082;
	[sflag:s4] =	ssyncset.s32 $0xFFFFF086  }
0x25: {  	[simem:s6], [sflag:s4] =	dma.local [hbm:s3], $0xF7A  }
0x26: {  	[smem:$0x3F99] =	sst s1;
	(tag) =	ssettag s2;
	_ =	strace s9  }
0x27: {  	s1 =	sld [smem:$0x3FA9]  }
0x28: {  	s2 =	sld [smem:$0x3FAA]  }
0x29: {  	s4 =	sld [smem:$0x3FAC]  }
0x2a: {  	p0 =	seq.s32 s5, $0x0;
	s5 =	sld [smem:$0x3FAD]  }
0x2b: {  	s6 =	sld [smem:$0x3FAE]  }
0x2c: {  	s7 =	sld [smem:$0x3FAF]  }
0x2d: {  	s3 =	simm.s32 $0x108;
	s8 =	sld [smem:$0x3FB0]  }
0x2e: {  	s3 =	simm.s32 @!p0 $0x1082;
	s9 =	sld [smem:$0x3FB1]  }
0x2f: {  	lr =	sadd.s32 s0, s3;
	s0 =	sld [smem:$0x3FA8]  }
0x30: {  	s3 =	sld [smem:$0x3FAB]  }
0x31: {  	[smem:$0x3FB4] =	sst s10  }
0x32: {  	s10 =	sld [smem:$0x3FB2];
	_ =	sdelay $0x3  }
0x33: {  	p0 =	seq.s32 s10, $0x1;
	s10 =	sld [smem:$0x3FB4];
	_ =	sdelay $0x3  }
0x34: {  	[smem:$0x3FB4] =	sst s10  }
0x35: {  	s10 =	sld [smem:$0x3FB3];
	_ =	sdelay $0x3  }
0x36: {  	p1 =	seq.s32 s10, $0x1;
	s10 =	sld [smem:$0x3FB4];
	_ =	sdelay $0x3  }
0x37: {  	[smem:$0x3FB4] =	sst s10  }
0x38: {  	s10 =	sld [smem:$0x3FB5]  }
0x39: {  	_ = 	snop;
	(pc) =	sbr.ind lr, $3  }
0x3a: {  	_ = 	snop  }
0x3b: {  	_ = 	snop  }
0x3c: {  	p2 =	seq.s32 s10, $0x1;
	s10 =	sld [smem:$0x3FB4]  }
0x3d: {  	_ =	shalt  }
0x3e: {  	_ =	shalt  }
0x3f: {  	_ =	shalt  }
0x40: {  	_ =	shalt  }
0x41: {  	_ =	shalt  }
0x42: {  	_ =	shalt  }
0x43: {  	_ =	shalt  }
0x44: {  	_ =	shalt  }
0x45: {  	_ =	shalt  }
0x46: {  	_ =	shalt  }
0x47: {  	_ =	shalt  }
0x48: {  	_ =	shalt  }
0x49: {  	_ =	shalt  }
0x4a: {  	_ =	shalt  }
0x4b: {  	_ =	shalt  }
0x4c: {  	_ =	shalt  }
0x4d: {  	_ =	shalt  }
0x4e: {  	_ =	shalt  }
0x4f: {  	_ =	shalt  }
0x50: {  	_ =	shalt  }
0x51: {  	_ =	shalt  }
0x52: {  	_ =	shalt  }
0x53: {  	_ =	shalt  }
0x54: {  	_ =	shalt  }
0x55: {  	_ =	shalt  }
0x56: {  	_ =	shalt  }
0x57: {  	_ =	shalt  }
0x58: {  	_ =	shalt  }
0x59: {  	_ =	shalt  }
0x5a: {  	_ =	shalt  }
0x5b: {  	_ =	shalt  }
0x5c: {  	_ =	shalt  }
0x5d: {  	_ =	shalt  }
0x5e: {  	_ =	shalt  }
0x5f: {  	_ =	shalt  }
0x60: {  	_ =	shalt  }
0x61: {  	_ =	shalt  }
0x62: {  	_ =	shalt  }
0x63: {  	_ =	shalt  }
0x64: {  	_ =	shalt  }
0x65: {  	_ =	shalt  }
0x66: {  	_ =	shalt  }
0x67: {  	_ =	shalt  }
0x68: {  	_ =	shalt  }
0x69: {  	_ =	shalt  }
0x6a: {  	_ =	shalt  }
0x6b: {  	_ =	shalt  }
0x6c: {  	_ =	shalt  }
0x6d: {  	_ =	shalt  }
0x6e: {  	_ =	shalt  }
0x6f: {  	_ =	shalt  }
0x70: {  	_ =	shalt  }
0x71: {  	_ =	shalt  }
0x72: {  	_ =	shalt  }
0x73: {  	_ =	shalt  }
0x74: {  	_ =	shalt  }
0x75: {  	_ =	shalt  }
0x76: {  	_ =	shalt  }
0x77: {  	_ =	shalt  }
0x78: {  	_ =	shalt  }
0x79: {  	_ =	shalt  }
0x7a: {  	_ =	shalt  }
0x7b: {  	_ =	shalt  }
0x7c: {  	_ =	shalt  }
0x7d: {  	_ =	shalt  }
0x7e: {  	_ =	shalt  }
0x7f: {  	_ =	shalt  }
0x80: {  	_ =	shalt  }
0x81: {  	_ =	shalt  }
0x82: {  	_ =	shalt  }
0x83: {  	_ =	shalt  }
0x84: {  	_ =	shalt  }
0x85: {  	_ =	shalt  }
0x86: {  	_ =	shalt  }
0x87: {  	_ =	shalt  }
.Lfunc_end0:
.L_simem_size_0:
called_computation_lowered:
.L_overlay_start_0:
0x88: {  	s2 =	sld [smem:$0x3FD9]  }
0x89: {  	s3 =	sld [smem:$0x3FFE];
	_ =	sdelay $0x1  }
0x8a: {  	s1 =	srdreg.scid  }
0x8b: {  	s0 =	sand.u32 $0x1, s1  }
0x8c: {  	s17 =	sshll.u32 s0, $0xA;
	s2 =	sadd.s32 s3, s2  }
0x8d: {  	s2 =	sadd.s32 s2, s17  }
0x8e: {  	[smem:$0x3FC0] =	sst s2  }
0x8f: {  	_ = 	snop  }
0x90: {  	s2 =	sld [smem:$0x3FD0];
	(tm) =	ssettm $0x1  }
0x91: {  	s18 =	sld [smem:$0x3FFB];
	_ =	sdelay $0x3  }
0x92: {  	_ =	strace s18  }
0x93: {  	s3 =	sld [smem:$0x3FFC];
	_ =	sdelay $0x3  }
0x94: {  	_ =	strace s3  }
0x95: {  	s3 =	sld [smem:$0x3FFD];
	_ =	sdelay $0x3  }
0x96: {  	_ =	strace s3  }
0x97: {  	_ =	strace $0x8FFFFFFF  }
0x98: {  	s19 =	sld [smem:$0x3FDB];
	_ =	sdelay $0x1  }
0x99: {  	s4 =	simm.s32 $_scs_section_size  }
0x9a: {  	s5 =	simm.s32 $_size__tile_overlayer_lowered;
	s6 =	simm.s32 $_tile_overlayer_lowered  }
0x9b: {  	s22 =	simm.s32 $0x1BFF;
	s21 =	sshll.u32 s6, $0x1;
	s3 =	sadd.s32 s4, s19  }
0x9c: {  	s7 =	simm.s32 $0x0;
	s20 =	sshll.u32 s5, $0x1;
	s5 =	sadd.s32 s21, s3  }
0x9d: {  	[timem:s7], [sflag:s22] =	dma.local [hbm:s5], s20  }
0x9e: {  	_ =	swait.ge [sflag:s22], s20  }
0x9f: {  	s4 =	ssub.s32 $0x0, s20;
	[sflag:s22] =	ssyncset.done $0x0  }
0xa0: {  	[sflag:s22] =	ssyncadd.s32 s4;
	_ =	sdelay $0x1  }
0xa1: {  	s23 =	simm.s32 $0x1B8B  }
0xa2: {  	_ =	swait.ge [sflag:s23], $0x1  }
0xa3: {  	[sflag:s23] =	ssyncset.done $0x0  }
0xa4: {  	s25 =	simm.s32 $0x1B8E;
	s24 =	sld [smem:$0x3FFE];
	[sflag:s23] =	ssyncadd.s32 $0xFFFFFFFF  }
0xa5: {  	s26 =	simm.s32 $execute0_lowered;
	[smem:$0x3FD2] =	sst s25  }
0xa6: {  	s5 =	sshll.u32 s26, $0x1;
	_ =	strace $0x80000046;
	[dreg:$0x1] =	wrdreg $0xFFFFFFFF  }
0xa7: {  	s28 =	simm.s32 $_size_execute0_lowered;
	s3 =	sadd.s32 s3, s5;
	[dreg:$0x0] =	wrdreg $0x0  }
0xa8: {  	s5 =	sshll.u32 s28, $0x1;
	[dreg:$0x2] =	wrdreg s3  }
0xa9: {  	[dreg:$0x3] =	wrdreg s5  }
0xaa: {  	[dreg:$0x4] =	wrdreg $0xC0  }
0xab: {  	_ =	task [dreg:s7], $0x5FFFF  }
0xac: {  	[dreg:$0x1] =	wrdreg $0xFFFFFFFF  }
0xad: {  	[dreg:$0x0] =	wrdreg $0x60  }
0xae: {  	[dreg:$0x2] =	wrdreg s24  }
0xaf: {  	[dreg:$0x3] =	wrdreg s2  }
0xb0: {  	[dreg:$0x4] =	wrdreg $0x94000  }
0xb1: {  	[dreg:$0x5] =	wrdreg $0x9  }
0xb2: {  	_ =	task.clear_ibuf [dreg:s7], $0x6FFFF;
	_ =	strace $0x90000046  }
0xb3: {  	s29 =	simm.s32 $0x9;
	_ =	strace $0x80000048  }
0xb4: {  	_ =	swait.ge [sflag:s29], $0x1  }
0xb5: {  	[sflag:s29] =	ssyncadd.s32 $0xFFFFFFFF  }
0xb6: {  	_ =	strace $0x90000048  }
0xb7: {  	_ =	sfence  }
0xb8: {  	s30 =	sld [smem:$0x0];
	_ =	sdelay $0x2  }
0xb9: {  	s31 =	sshll.u32 s1, $0xD;
	s1 =	sshrl.u32 s1, $0x2  }
0xba: {  	s3 =	sand.u32 $0x4000, s31;
	s1 =	sadd.s32 s1, s30  }
0xbb: {  	s0 =	sor.u32 s3, s0;
	s1 =	sshll.u32 s1, $0x11  }
0xbc: {  	s0 =	sor.u32 s1, s0  }
0xbd: {  	s0 =	sadd.s32 $0x8F2B, s0  }
0xbe: {  	[sflag:s0] =	ssyncadd.remote.s32 $0x1  }
0xbf: {  	_ =	sfence.sel $0xFFFF  }
0xc0: {  	[dreg:$0x0] =	wrdreg $0xFFFFFFFF;
	(pc) =	sbr.abs _section_cstart, $3  }
0xc1: {  	[dreg:$0x1] =	wrdreg $0xFFFFFFFF  }
0xc2: {  	_ =	task.clear_ibuf [dreg:s7], $0x2FFFF;
	_ =	strace $0x9FFFFFFF  }
0xc3: {  	(tm) =	ssettm $0x7FFFFFFF  }
tec
execute0_lowered:
.L_overlay_start_1:
0x0: {  	(tag) =	ssettag $0x1  }
0x1: {  	s0 =	rddreg [dreg:$0x0]  }
0x2: {  	s2 =	rddreg [dreg:$0x2];
	s3 =	simm.s32 $0x0  }
0x3: {  	s1 =	srdreg.scid;
	s19 =	stileid.u32;
	s28 =	simm.s32 $0x80  }
0x4: {  	s29 =	simm.s32 $0x100;
	s30 =	simm.s32 $0x300;
	s31 =	simm.s32 $0x4C00  }
0x5: {  	[smem:$0x7FF] =	sst s3;
	s5 =	sadd.s32 $0x16200, s0;
	s4 =	sadd.s32 $0x2400, s0  }
0x6: {  	s1 =	sand.u32 $0x1, s1;
	s12 =	smul.u32 $0x16800, s19;
	s0 =	sadd.s32 $0x42200, s0  }
0x7: {  	_ =	strace $0x80000047;
	s6 =	ssub.s32 $0x2, s1;
	s18 =	smul.u32 $0x168000, s1  }
0x8: {  	s7 =	sshll.u32 s1, $0x4;
	s1 =	smul.u32 $0x4F00, s1;
	s8 =	sshrl.u32 s6, $0x1  }
0x9: {  	s7 =	sor.u32 s19, s7;
	s14 =	sadd.s32 $0x4800, s12;
	s15 =	sadd.s32 $0x9000, s12  }
0xa: {  	s16 =	sadd.s32 $0xD800, s12;
	s17 =	sadd.s32 $0x12000, s12;
	s13 =	ssub.s32 s6, s8  }
0xb: {  	s9 =	smul.u32 $0x2780, s7;
	s6 =	sadd.s32 s12, s2;
	s7 =	sadd.s32 s14, s2  }
0xc: {  	s8 =	sadd.s32 s15, s2;
	s10 =	sadd.s32 s16, s2;
	s11 =	sadd.s32 s17, s2  }
0xd: {  	s12 =	sadd.s32 s12, s18;
	s14 =	sadd.s32 s18, s14;
	s15 =	sadd.s32 s18, s15  }
0xe: {  	s22 =	sadd.s32 s18, s16;
	s23 =	sadd.s32 s18, s17;
	s16 =	simm.s32 $0x0  }
0xf: {  	s12 =	sshrl.u32 s12, $0x3;
	s14 =	sshrl.u32 s14, $0x3;
	s24 =	sshrl.u32 s23, $0x3  }
0x10: {  	s23 =	simm.s32 $0x7;
	s9 =	sshrl.u32 s9, $0x3;
	s12 =	sadd.s32 s0, s12  }
0x11: {  	s9 =	sadd.s32 s4, s9;
	[dreg:$0x7] =	wrdreg s12;
	s12 =	sadd.s32 s0, s14  }
0x12: {  	s14 =	simm.s32 $0x180;
	s20 =	sadd.s32 $0x9E10, s9;
	[dreg:$0x8] =	wrdreg s12  }
0x13: {  	s25 =	sadd.s32 $0x20, s9;
	s26 =	sadd.s32 $0x9E30, s9;
	[dreg:$0x4] =	wrdreg s20  }
0x14: {  	s12 =	sshrl.u32 s22, $0x3;
	s22 =	simm.s32 $0x400;
	[dreg:$0x5] =	wrdreg s25  }
0x15: {  	[dreg:$0x6] =	wrdreg s26;
	s20 =	sshrl.u32 s15, $0x3;
	s12 =	sadd.s32 s0, s12  }
0x16: {  	s25 =	smul.u32 $0x4F0, s19;
	s26 =	sadd.s32 s1, s4;
	s4 =	simm.s32 $0x2  }
0x17: {  	s1 =	simm.s32 $0x6;
	s15 =	simm.s32 $0x380;
	s21 =	sadd.s32 s0, s20  }
0x18: {  	[dreg:$0xa] =	wrdreg s12;
	s0 =	sadd.s32 s0, s24;
	s20 =	smax.u32 s13, $0x1  }
0x19: {  	s24 =	simm.s32 $0x1;
	s12 =	simm.s32 $0x280;
	[dreg:$0x9] =	wrdreg s21  }
0x1a: {  	s13 =	simm.s32 $0x4;
	[dreg:$0xb] =	wrdreg s0;
	s21 =	sadd.s32 s25, s26  }
0x1b: {  	s25 =	simm.s32 $0x200;
	s26 =	simm.s32 $0x5;
	s0 =	simm.s32 $0x3  }
.LBB2_1:
0x1c: {  	s17 =	rddreg [dreg:$0x1]  }
0x1d: {  	[tilespmem:s22], [sflag:$0x7] =	stream.linear.gather [hbm4b:s17+s3], $0x4800, $0x38;
	[tilespmem:$0x1FC00] =	vst v63  }
0x1e: {  	_ =	swait.ge [sflag:s23], $0x4800  }
0x1f: {  	[sflag:s23] =	ssyncset.done $0x0  }
0x20: {  	[sflag:s23] =	ssyncadd.s32 $0xFFFFB800  }
0x21: {  	[spmem:s6] =	stream.linear.scatter [tilespmem:s22], [sflag:$0x1], $0x4800, $0x38;
	[tilespmem:$0x1FC00] =	vst v63  }
0x22: {  	_ = 	snop  }
0x23: {  	[spmem:s7] =	stream.linear.scatter [tilespmem:s22], [sflag:$0x1], $0x4800, $0x38;
	[tilespmem:$0x1FC00] =	vst v63  }
0x24: {  	_ = 	snop  }
0x25: {  	[spmem:s8] =	stream.linear.scatter [tilespmem:s22], [sflag:$0x1], $0x4800, $0x38;
	[tilespmem:$0x1FC00] =	vst v63  }
0x26: {  	_ = 	snop  }
0x27: {  	[spmem:s10] =	stream.linear.scatter [tilespmem:s22], [sflag:$0x1], $0x4800, $0x38;
	[tilespmem:$0x1FC00] =	vst v63  }
0x28: {  	_ = 	snop  }
0x29: {  	[spmem:s11] =	stream.linear.scatter [tilespmem:s22], [sflag:$0x1], $0x4800, $0x38;
	[tilespmem:$0x1FC00] =	vst v63  }
0x2a: {  	_ =	swait.ge [sflag:s24], $0x4800  }
0x2b: {  	[sflag:s24] =	ssyncset.done $0x0  }
0x2c: {  	[sflag:s24] =	ssyncadd.s32 $0xFFFFB800  }
0x2d: {  	_ =	swait.ge [sflag:s24], $0x4800  }
0x2e: {  	[sflag:s24] =	ssyncset.done $0x0  }
0x2f: {  	[sflag:s24] =	ssyncadd.s32 $0xFFFFB800  }
0x30: {  	_ =	swait.ge [sflag:s24], $0x4800  }
0x31: {  	[sflag:s24] =	ssyncset.done $0x0  }
0x32: {  	[sflag:s24] =	ssyncadd.s32 $0xFFFFB800  }
0x33: {  	_ =	swait.ge [sflag:s24], $0x4800  }
0x34: {  	[sflag:s24] =	ssyncset.done $0x0  }
0x35: {  	[sflag:s24] =	ssyncadd.s32 $0xFFFFB800  }
0x36: {  	_ =	swait.ge [sflag:s24], $0x4800  }
0x37: {  	[sflag:s24] =	ssyncset.done $0x0  }
0x38: {  	[sflag:s24] =	ssyncadd.s32 $0xFFFFB800  }
0x39: {  	[bflag:$0x0] =	sbarrier.arrive $0xFFFF  }
0x3a: {  	[tilespmem:s3], [sflag:$0x5] =	stream.linear.gather [hbm4b:s9+s3], $0x100, $0x38;
	[tilespmem:$0x1FC00] =	vst v63  }
0x3b: {  	s18 =	rddreg [dreg:$0x4]  }
0x3c: {  	[tilespmem:s25], [sflag:$0x5] =	stream.linear.gather [hbm4b:s18+s3], $0x100, $0x38;
	[tilespmem:$0x1FC00] =	vst v63  }
0x3d: {  	_ =	swait.ge [sflag:s26], $0x100  }
0x3e: {  	[sflag:s26] =	ssyncset.done $0x0  }
0x3f: {  	[sflag:s26] =	ssyncadd.s32 $0xFFFFFF00  }
0x40: {  	_ =	swait.ge [sflag:s26], $0x100  }
0x41: {  	[sflag:s26] =	ssyncset.done $0x0  }
0x42: {  	[sflag:s26] =	ssyncadd.s32 $0xFFFFFF00  }
0x43: {  	[tilespmem:s22], [sflag:$0x1] =	stream.indirect.gather [hbm4b:s5+s28], $0x90, s3, s28, $0xb8;
	[tilespmem:$0x1FC00] =	vst v63  }
0x44: {  	s19 =	rddreg [dreg:$0x5]  }
0x45: {  	[tilespmem:s29], [sflag:$0x6] =	stream.linear.gather [hbm4b:s19+s3], $0x100, $0x38;
	[tilespmem:$0x1FC00] =	vst v63  }
0x46: {  	s18 =	rddreg [dreg:$0x6]  }
0x47: {  	[tilespmem:s30], [sflag:$0x6] =	stream.linear.gather [hbm4b:s18+s3], $0x100, $0x38;
	[tilespmem:$0x1FC00] =	vst v63  }
0x48: {  	_ =	swait.ge [sflag:s24], $0x4800  }
0x49: {  	[sflag:s24] =	ssyncset.done $0x0  }
0x4a: {  	[sflag:s24] =	ssyncadd.s32 $0xFFFFB800  }
0x4b: {  	[tilespmem:s31], [sflag:$0x2] =	stream.indirect.gather [hbm4b:s5+s28], $0x90, s28, s28, $0xb8;
	[tilespmem:$0x1FC00] =	vst v63  }
0x4c: {  	_ = 	snop  }
0x4d: {  	[spmem:s2] =	stream.indirect.scatter.add.f32 [tilespmem:s22], [sflag:$0x3], $0x90, s25, s28, $0xb8;
	[tilespmem:$0x1FC00] =	vst v63  }
0x4e: {  	_ =	swait.ge [sflag:s0], $0x4800  }
0x4f: {  	[sflag:s0] =	ssyncset.done $0x0  }
0x50: {  	[sflag:s0] =	ssyncadd.s32 $0xFFFFB800  }
0x51: {  	_ =	swait.ge [sflag:s4], $0x4800  }
0x52: {  	[sflag:s4] =	ssyncset.done $0x0  }
0x53: {  	[sflag:s4] =	ssyncadd.s32 $0xFFFFB800  }
0x54: {  	_ =	swait.ge [sflag:s1], $0x100  }
0x55: {  	[sflag:s1] =	ssyncset.done $0x0  }
0x56: {  	[sflag:s1] =	ssyncadd.s32 $0xFFFFFF00  }
0x57: {  	_ =	swait.ge [sflag:s1], $0x100  }
0x58: {  	[sflag:s1] =	ssyncset.done $0x0  }
0x59: {  	[sflag:s1] =	ssyncadd.s32 $0xFFFFFF00  }
0x5a: {  	[tilespmem:s22], [sflag:$0x1] =	stream.indirect.gather [hbm4b:s5+s28], $0x90, s29, s28, $0xb8;
	[tilespmem:$0x1FC00] =	vst v63  }
0x5b: {  	_ = 	snop  }
0x5c: {  	[spmem:s2] =	stream.indirect.scatter.add.f32 [tilespmem:s31], [sflag:$0x4], $0x90, s12, s28, $0xb8;
	[tilespmem:$0x1FC00] =	vst v63  }
0x5d: {  	_ =	swait.ge [sflag:s13], $0x4800  }
0x5e: {  	s17 =	sadd.s32 $0x0, s21;
	[sflag:s13] =	ssyncset.done $0x0  }
0x5f: {  	s18 =	sadd.s32 $0x40, s17;
	[sflag:s13] =	ssyncadd.s32 $0xFFFFB800  }
0x60: {  	[tilespmem:s3], [sflag:$0x5] =	stream.linear.gather [hbm4b:s18+s3], $0x100, $0x38;
	[tilespmem:$0x1FC00] =	vst v63  }
0x61: {  	s19 =	sadd.s32 $0x9E50, s17  }
0x62: {  	[tilespmem:s25], [sflag:$0x5] =	stream.linear.gather [hbm4b:s19+s3], $0x100, $0x38;
	[tilespmem:$0x1FC00] =	vst v63  }
0x63: {  	_ =	swait.ge [sflag:s24], $0x4800  }
0x64: {  	[sflag:s24] =	ssyncset.done $0x0  }
0x65: {  	[sflag:s24] =	ssyncadd.s32 $0xFFFFB800  }
0x66: {  	[tilespmem:s31], [sflag:$0x2] =	stream.indirect.gather [hbm4b:s5+s28], $0x90, s14, s28, $0xb8;
	[tilespmem:$0x1FC00] =	vst v63  }
0x67: {  	_ = 	snop  }
0x68: {  	[spmem:s2] =	stream.indirect.scatter.add.f32 [tilespmem:s22], [sflag:$0x3], $0x90, s30, s28, $0xb8;
	[tilespmem:$0x1FC00] =	vst v63  }
0x69: {  	_ =	swait.ge [sflag:s0], $0x4800  }
0x6a: {  	[sflag:s0] =	ssyncset.done $0x0  }
0x6b: {  	[sflag:s0] =	ssyncadd.s32 $0xFFFFB800  }
0x6c: {  	_ =	swait.ge [sflag:s4], $0x4800  }
0x6d: {  	[sflag:s4] =	ssyncset.done $0x0  }
0x6e: {  	[sflag:s4] =	ssyncadd.s32 $0xFFFFB800  }
0x6f: {  	_ =	swait.ge [sflag:s26], $0x100  }
0x70: {  	[sflag:s26] =	ssyncset.done $0x0  }
0x71: {  	[sflag:s26] =	ssyncadd.s32 $0xFFFFFF00  }
0x72: {  	_ =	swait.ge [sflag:s26], $0x100  }
0x73: {  	[sflag:s26] =	ssyncset.done $0x0  }
0x74: {  	[sflag:s26] =	ssyncadd.s32 $0xFFFFFF00  }
0x75: {  	[tilespmem:s22], [sflag:$0x1] =	stream.indirect.gather [hbm4b:s5+s28], $0x90, s3, s28, $0xb8;
	[tilespmem:$0x1FC00] =	vst v63  }
0x76: {  	_ = 	snop  }
0x77: {  	[spmem:s2] =	stream.indirect.scatter.add.f32 [tilespmem:s31], [sflag:$0x4], $0x90, s15, s28, $0xb8;
	[tilespmem:$0x1FC00] =	vst v63  }
0x78: {  	_ =	swait.ge [sflag:s13], $0x4800  }
0x79: {  	[sflag:s13] =	ssyncset.done $0x0  }
0x7a: {  	s19 =	sadd.s32 $0x60, s17;
	[sflag:s13] =	ssyncadd.s32 $0xFFFFB800  }
0x7b: {  	[tilespmem:s29], [sflag:$0x6] =	stream.linear.gather [hbm4b:s19+s3], $0x100, $0x38;
	[tilespmem:$0x1FC00] =	vst v63  }
0x7c: {  	s17 =	sadd.s32 $0x9E70, s17  }
0x7d: {  	[tilespmem:s30], [sflag:$0x6] =	stream.linear.gather [hbm4b:s17+s3], $0x100, $0x38;
	[tilespmem:$0x1FC00] =	vst v63  }
0x7e: {  	_ =	swait.ge [sflag:s24], $0x4800  }
0x7f: {  	[sflag:s24] =	ssyncset.done $0x0  }
0x80: {  	[sflag:s24] =	ssyncadd.s32 $0xFFFFB800  }
0x81: {  	[tilespmem:s31], [sflag:$0x2] =	stream.indirect.gather [hbm4b:s5+s28], $0x90, s28, s28, $0xb8;
	[tilespmem:$0x1FC00] =	vst v63  }
0x82: {  	_ = 	snop  }
0x83: {  	[spmem:s2] =	stream.indirect.scatter.add.f32 [tilespmem:s22], [sflag:$0x3], $0x90, s25, s28, $0xb8;
	[tilespmem:$0x1FC00] =	vst v63  }
0x84: {  	_ =	swait.ge [sflag:s0], $0x4800  }
0x85: {  	[sflag:s0] =	ssyncset.done $0x0  }
0x86: {  	[sflag:s0] =	ssyncadd.s32 $0xFFFFB800  }
0x87: {  	_ =	swait.ge [sflag:s4], $0x4800  }
0x88: {  	[sflag:s4] =	ssyncset.done $0x0  }
0x89: {  	[sflag:s4] =	ssyncadd.s32 $0xFFFFB800  }
0x8a: {  	_ =	swait.ge [sflag:s1], $0x100  }
0x8b: {  	[sflag:s1] =	ssyncset.done $0x0  }
0x8c: {  	[sflag:s1] =	ssyncadd.s32 $0xFFFFFF00  }
0x8d: {  	_ =	swait.ge [sflag:s1], $0x100  }
0x8e: {  	[sflag:s1] =	ssyncset.done $0x0  }
0x8f: {  	s17 =	simm.s32 $0x40;
	[sflag:s1] =	ssyncadd.s32 $0xFFFFFF00  }
0x90: {  	[tilespmem:s22], [sflag:$0x1] =	stream.indirect.gather [hbm4b:s5+s28], $0x90, s29, s28, $0xb8;
	[tilespmem:$0x1FC00] =	vst v63  }
.LBB2_2:
0x91: {  	[spmem:s2] =	stream.indirect.scatter.add.f32 [tilespmem:s31], [sflag:$0x4], $0x90, s12, s28, $0xb8;
	[tilespmem:$0x1FC00] =	vst v63  }
0x92: {  	s18 =	smov.u32 s17  }
0x93: {  	p0 =	sne.s32 s17, $0x480;
	s17 =	sadd.s32 $0x40, s17;
	_ =	swait.ge [sflag:s13], $0x4800  }
0x94: {  	s18 =	sadd.s32 s18, s21;
	[sflag:s13] =	ssyncset.done $0x0  }
0x95: {  	s19 =	sadd.s32 $0x40, s18;
	[sflag:s13] =	ssyncadd.s32 $0xFFFFB800  }
0x96: {  	[tilespmem:s3], [sflag:$0x5] =	stream.linear.gather [hbm4b:s19+s3], $0x100, $0x38;
	[tilespmem:$0x1FC00] =	vst v63  }
0x97: {  	s19 =	sadd.s32 $0x9E50, s18  }
0x98: {  	[tilespmem:s25], [sflag:$0x5] =	stream.linear.gather [hbm4b:s19+s3], $0x100, $0x38;
	[tilespmem:$0x1FC00] =	vst v63  }
0x99: {  	_ =	swait.ge [sflag:s24], $0x4800  }
0x9a: {  	[sflag:s24] =	ssyncset.done $0x0  }
0x9b: {  	[sflag:s24] =	ssyncadd.s32 $0xFFFFB800  }
0x9c: {  	[tilespmem:s31], [sflag:$0x2] =	stream.indirect.gather [hbm4b:s5+s28], $0x90, s14, s28, $0xb8;
	[tilespmem:$0x1FC00] =	vst v63  }
0x9d: {  	_ = 	snop  }
0x9e: {  	[spmem:s2] =	stream.indirect.scatter.add.f32 [tilespmem:s22], [sflag:$0x3], $0x90, s30, s28, $0xb8;
	[tilespmem:$0x1FC00] =	vst v63  }
0x9f: {  	_ =	swait.ge [sflag:s0], $0x4800  }
0xa0: {  	[sflag:s0] =	ssyncset.done $0x0  }
0xa1: {  	[sflag:s0] =	ssyncadd.s32 $0xFFFFB800  }
0xa2: {  	_ =	swait.ge [sflag:s4], $0x4800  }
0xa3: {  	[sflag:s4] =	ssyncset.done $0x0  }
0xa4: {  	[sflag:s4] =	ssyncadd.s32 $0xFFFFB800  }
0xa5: {  	_ =	swait.ge [sflag:s26], $0x100  }
0xa6: {  	[sflag:s26] =	ssyncset.done $0x0  }
0xa7: {  	[sflag:s26] =	ssyncadd.s32 $0xFFFFFF00  }
0xa8: {  	_ =	swait.ge [sflag:s26], $0x100  }
0xa9: {  	[sflag:s26] =	ssyncset.done $0x0  }
0xaa: {  	[sflag:s26] =	ssyncadd.s32 $0xFFFFFF00  }
0xab: {  	[tilespmem:s22], [sflag:$0x1] =	stream.indirect.gather [hbm4b:s5+s28], $0x90, s3, s28, $0xb8;
	[tilespmem:$0x1FC00] =	vst v63  }
0xac: {  	_ = 	snop  }
0xad: {  	[spmem:s2] =	stream.indirect.scatter.add.f32 [tilespmem:s31], [sflag:$0x4], $0x90, s15, s28, $0xb8;
	[tilespmem:$0x1FC00] =	vst v63  }
0xae: {  	_ =	swait.ge [sflag:s13], $0x4800  }
0xaf: {  	[sflag:s13] =	ssyncset.done $0x0  }
0xb0: {  	s19 =	sadd.s32 $0x60, s18;
	[sflag:s13] =	ssyncadd.s32 $0xFFFFB800  }
0xb1: {  	[tilespmem:s29], [sflag:$0x6] =	stream.linear.gather [hbm4b:s19+s3], $0x100, $0x38;
	[tilespmem:$0x1FC00] =	vst v63  }
0xb2: {  	s18 =	sadd.s32 $0x9E70, s18  }
0xb3: {  	[tilespmem:s30], [sflag:$0x6] =	stream.linear.gather [hbm4b:s18+s3], $0x100, $0x38;
	[tilespmem:$0x1FC00] =	vst v63  }
0xb4: {  	_ =	swait.ge [sflag:s24], $0x4800  }
0xb5: {  	[sflag:s24] =	ssyncset.done $0x0  }
0xb6: {  	[sflag:s24] =	ssyncadd.s32 $0xFFFFB800  }
0xb7: {  	[tilespmem:s31], [sflag:$0x2] =	stream.indirect.gather [hbm4b:s5+s28], $0x90, s28, s28, $0xb8;
	[tilespmem:$0x1FC00] =	vst v63  }
0xb8: {  	_ = 	snop  }
0xb9: {  	[spmem:s2] =	stream.indirect.scatter.add.f32 [tilespmem:s22], [sflag:$0x3], $0x90, s25, s28, $0xb8;
	[tilespmem:$0x1FC00] =	vst v63  }
0xba: {  	_ =	swait.ge [sflag:s0], $0x4800  }
0xbb: {  	[sflag:s0] =	ssyncset.done $0x0  }
0xbc: {  	[sflag:s0] =	ssyncadd.s32 $0xFFFFB800  }
0xbd: {  	_ =	swait.ge [sflag:s4], $0x4800  }
0xbe: {  	[sflag:s4] =	ssyncset.done $0x0  }
0xbf: {  	[sflag:s4] =	ssyncadd.s32 $0xFFFFB800  }
0xc0: {  	_ =	swait.ge [sflag:s1], $0x100  }
0xc1: {  	[sflag:s1] =	ssyncset.done $0x0  }
.Ltmp0:
0xc2: {  	[sflag:s1] =	ssyncadd.s32 $0xFFFFFF00;
	(pc) =	sbr.rel @p0 .LBB2_2-.Ltmp0, $4  }
0xc3: {  	_ =	swait.ge [sflag:s1], $0x100  }
0xc4: {  	[sflag:s1] =	ssyncset.done $0x0  }
0xc5: {  	[sflag:s1] =	ssyncadd.s32 $0xFFFFFF00  }
0xc6: {  	[tilespmem:s22], [sflag:$0x1] =	stream.indirect.gather [hbm4b:s5+s28], $0x90, s29, s28, $0xb8;
	[tilespmem:$0x1FC00] =	vst v63  }
0xc7: {  	[spmem:s2] =	stream.indirect.scatter.add.f32 [tilespmem:s31], [sflag:$0x4], $0x90, s12, s28, $0xb8;
	[tilespmem:$0x1FC00] =	vst v63  }
0xc8: {  	_ =	swait.ge [sflag:s13], $0x4800  }
0xc9: {  	[sflag:s13] =	ssyncset.done $0x0  }
0xca: {  	[sflag:s13] =	ssyncadd.s32 $0xFFFFB800  }
0xcb: {  	_ =	swait.ge [sflag:s24], $0x4800  }
0xcc: {  	[sflag:s24] =	ssyncset.done $0x0  }
0xcd: {  	[sflag:s24] =	ssyncadd.s32 $0xFFFFB800  }
0xce: {  	[spmem:s2] =	stream.indirect.scatter.add.f32 [tilespmem:s22], [sflag:$0x3], $0x90, s30, s28, $0xb8;
	[tilespmem:$0x1FC00] =	vst v63  }
0xcf: {  	_ =	swait.ge [sflag:s0], $0x4800  }
0xd0: {  	[sflag:s0] =	ssyncset.done $0x0  }
0xd1: {  	[sflag:s0] =	ssyncadd.s32 $0xFFFFB800  }
0xd2: {  	[bflag:$0x0] =	sbarrier.arrive $0xFFFF  }
0xd3: {  	[tilespmem:s22], [sflag:$0x7] =	stream.linear.gather [spmem:s6], $0x4800, $0x38;
	[tilespmem:$0x1FC00] =	vst v63  }
0xd4: {  	_ =	swait.ge [sflag:s23], $0x4800  }
0xd5: {  	[sflag:s23] =	ssyncset.done $0x0  }
0xd6: {  	s17 =	rddreg [dreg:$0x7];
	[sflag:s23] =	ssyncadd.s32 $0xFFFFB800  }
0xd7: {  	[hbm4b:s17+s3] =	stream.linear.scatter [tilespmem:s22], [sflag:$0x3], $0x4800, $0x38;
	[tilespmem:$0x1FC00] =	vst v63  }
0xd8: {  	_ = 	snop  }
0xd9: {  	[tilespmem:s31], [sflag:$0x7] =	stream.linear.gather [spmem:s7], $0x4800, $0x38;
	[tilespmem:$0x1FC00] =	vst v63  }
0xda: {  	_ =	swait.ge [sflag:s23], $0x4800  }
0xdb: {  	[sflag:s23] =	ssyncset.done $0x0  }
0xdc: {  	s18 =	rddreg [dreg:$0x8];
	[sflag:s23] =	ssyncadd.s32 $0xFFFFB800  }
0xdd: {  	[hbm4b:s18+s3] =	stream.linear.scatter [tilespmem:s31], [sflag:$0x4], $0x4800, $0x38;
	[tilespmem:$0x1FC00] =	vst v63  }
0xde: {  	_ =	swait.ge [sflag:s0], $0x4800  }
0xdf: {  	[sflag:s0] =	ssyncset.done $0x0  }
0xe0: {  	[sflag:s0] =	ssyncadd.s32 $0xFFFFB800  }
0xe1: {  	[tilespmem:s22], [sflag:$0x7] =	stream.linear.gather [spmem:s8], $0x4800, $0x38;
	[tilespmem:$0x1FC00] =	vst v63  }
0xe2: {  	_ =	swait.ge [sflag:s23], $0x4800  }
0xe3: {  	[sflag:s23] =	ssyncset.done $0x0  }
0xe4: {  	s19 =	rddreg [dreg:$0x9];
	[sflag:s23] =	ssyncadd.s32 $0xFFFFB800  }
0xe5: {  	[hbm4b:s19+s3] =	stream.linear.scatter [tilespmem:s22], [sflag:$0x3], $0x4800, $0x38;
	[tilespmem:$0x1FC00] =	vst v63  }
0xe6: {  	_ =	swait.ge [sflag:s13], $0x4800  }
0xe7: {  	[sflag:s13] =	ssyncset.done $0x0  }
0xe8: {  	[sflag:s13] =	ssyncadd.s32 $0xFFFFB800  }
0xe9: {  	[tilespmem:s31], [sflag:$0x7] =	stream.linear.gather [spmem:s10], $0x4800, $0x38;
	[tilespmem:$0x1FC00] =	vst v63  }
0xea: {  	_ =	swait.ge [sflag:s23], $0x4800  }
0xeb: {  	[sflag:s23] =	ssyncset.done $0x0  }
0xec: {  	s18 =	rddreg [dreg:$0xa];
	[sflag:s23] =	ssyncadd.s32 $0xFFFFB800  }
0xed: {  	[hbm4b:s18+s3] =	stream.linear.scatter [tilespmem:s31], [sflag:$0x4], $0x4800, $0x38;
	[tilespmem:$0x1FC00] =	vst v63  }
0xee: {  	_ =	swait.ge [sflag:s0], $0x4800  }
0xef: {  	[sflag:s0] =	ssyncset.done $0x0  }
0xf0: {  	[sflag:s0] =	ssyncadd.s32 $0xFFFFB800  }
0xf1: {  	[tilespmem:s22], [sflag:$0x7] =	stream.linear.gather [spmem:s11], $0x4800, $0x38;
	[tilespmem:$0x1FC00] =	vst v63  }
0xf2: {  	_ =	swait.ge [sflag:s23], $0x4800  }
0xf3: {  	[sflag:s23] =	ssyncset.done $0x0  }
0xf4: {  	s16 =	sadd.s32 $0x1, s16;
	s19 =	rddreg [dreg:$0xb];
	[sflag:s23] =	ssyncadd.s32 $0xFFFFB800  }
0xf5: {  	[hbm4b:s19+s3] =	stream.linear.scatter [tilespmem:s22], [sflag:$0x3], $0x4800, $0x38;
	[tilespmem:$0x1FC00] =	vst v63  }
0xf6: {  	p0 =	sne.s32 s16, s20;
	_ =	swait.ge [sflag:s13], $0x4800  }
.Ltmp1:
0xf7: {  	[sflag:s13] =	ssyncset.done $0x0;
	(pc) =	sbr.rel @p0 .LBB2_1-.Ltmp1, $4  }
0xf8: {  	[sflag:s13] =	ssyncadd.s32 $0xFFFFB800  }
0xf9: {  	_ =	swait.ge [sflag:s0], $0x4800  }
0xfa: {  	[sflag:s0] =	ssyncset.done $0x0  }
0xfb: {  	[sflag:s0] =	ssyncadd.s32 $0xFFFFB800  }
0xfc: {  	_ =	sfence.sel $0x180000  }
0xfd: {  	[bflag:$0x0] =	sbarrier.arrive $0xFFFF  }
0xfe: {  	_ =	strace $0x90000047  }
0xff: {  	s0 =	stileid.u32;
	[bflag:$0x2] =	sbarrier.arrive $0xFFFF  }
0x100: {  	p0 =	sne.s32 s0, $0x0;
	s0 =	rddreg [dreg:$0x3]  }
0x101: {  	s0 =	sadd.s32 @!p0 $0x100000, s0  }
0x102: {  	[sflag:s0] =	ssyncadd.tile.s32 @!p0 $0x1;
	_ =	shalt  }
.Lfunc_end2:
_tile_overlayer_lowered:
.L_overlay_start_2:
0x103: {  	(tag) =	ssettag $0x2  }
0x104: {  	s0 =	rddreg [dreg:$0x0];
	s2 =	stileid.u32  }
0x105: {  	s1 =	rddreg [dreg:$0x1];
	p0 =	sne.s32 s2, $0x0  }
0x106: {  	s3 =	rddreg [dreg:$0x2];
	[bflag:$0x3] =	sbarrier.arrive $0xFFFF;
	s2 =	simm.s32 @!p0 $0x1C07  }
0x107: {  	[timem:s3], [sflag:s2] =	dma.local @!p0 [hbm:s0], s1  }
0x108: {  	s0 =	simm.s32 @!p0 $0x7  }
0x109: {  	_ =	swait.ge @!p0 [sflag:s0], s1  }
0x10a: {  	s1 =	ssub.s32 @!p0 $0x0, s1;
	[sflag:s0] =	ssyncset.done @!p0 $0x0  }
0x10b: {  	[sflag:s0] =	ssyncadd.s32 @!p0 s1  }
0x10c: {  	[bflag:$0x3] =	sbarrier.arrive $0xFFFF  }
0x10d: {  	_ =	shalt  }

// kernel: kernel.9.cloned.1.call-start
scs
__scs_entry_jumppad:
0x0: {  	(pc) =	sbr.rel $0x88, $3  }
0x1: {  	(tag) =	ssettag $0x0;
	lr =	simm.s32 $0x1  }
0x2: {  	[smem:$0x3F99] =	sst lr;
	_ =	strace $0xD0000000  }
0x3: {  	_ = 	snop  }
0x4: {  	_ = 	snop  }
0x5: {  	_ = 	snop  }
0x6: {  	_ = 	snop  }
0x7: {  	_ = 	snop  }
__scs_overlays_trampoline_lowered:
0x8: {  	[smem:$0x3FA8] =	sst s0  }
0x9: {  	[smem:$0x3FA9] =	sst s1  }
0xa: {  	[smem:$0x3FAA] =	sst s2  }
0xb: {  	[smem:$0x3FAB] =	sst s3  }
0xc: {  	[smem:$0x3FAC] =	sst s4  }
0xd: {  	[smem:$0x3FAD] =	sst s5  }
0xe: {  	[smem:$0x3FAE] =	sst s6  }
0xf: {  	[smem:$0x3FAF] =	sst s7  }
0x10: {  	[smem:$0x3FB0] =	sst s8  }
0x11: {  	[smem:$0x3FB1] =	sst s9;
	s0 =	simm.s32 @!p0 $0x0  }
0x12: {  	s1 =	sld [smem:$0x3F97];
	s0 =	simm.s32 @p0 $0x1  }
0x13: {  	[smem:$0x3FB2] =	sst s0;
	s0 =	simm.s32 @!p1 $0x0  }
0x14: {  	s2 =	sld [smem:$0x3F96];
	s0 =	simm.s32 @p1 $0x1  }
0x15: {  	[smem:$0x3FB3] =	sst s0;
	s0 =	simm.s32 @!p2 $0x0  }
0x16: {  	s3 =	sld [smem:$0x3FDB];
	s0 =	simm.s32 @p2 $0x1  }
0x17: {  	s4 =	simm.s32 $0x1BF5;
	[smem:$0x3FB5] =	sst s0  }
0x18: {  	s0 =	sld [smem:$0x3F98];
	_ =	swait.ge [sflag:s4], $0x0  }
0x19: {  	s7 =	sld [smem:$0x3F99]  }
0x1a: {  	s8 =	sadd.s32 $0xFFFFE003, lr  }
0x1b: {  	s9 =	sadd.s32 $0xFFFFFEF7, lr;
	s5 =	simm.s32 $0xFFFFFFFF;
	p2 =	slt.u32 s8, $0xFFFFF086  }
0x1c: {  	p1 =	slt.u32 s9, $0xF7A;
	s5 =	simm.s32 @!p2 $0x0  }
0x1d: {  	s5 =	simm.s32 @p1 $0x1;
	p0 =	seq.s32 s7, s2  }
0x1e: {  	s7 =	smul.u32 @!p0 $0xF7A, s2;
	p2 =	seq.s32 @!p0 s5, $0x0  }
0x1f: {  	s9 =	smul.u32 $0xF7A, s1;
	s8 =	simm.s32 @!p0 $0x1BF5;
	p2 =	por !p2, p0  }
0x20: {  	[sflag:s8] =	ssyncset.s32 @!p0 $0xFFFFF086;
	s6 =	sadd.s32 @!p0 s3, s7;
	s7 =	simm.s32 @!p0 $0x108  }
0x21: {  	s3 =	sadd.s32 s3, s9;
	s6 =	sadd.s32 @!p0 $0x88, s6;
	s7 =	simm.s32 @p2 $0x1082  }
0x22: {  	[simem:s7], [sflag:s8] =	dma.local @!p0 [hbm:s6], $0xF7A  }
0x23: {  	s9 =	sor.u32 $0xD0000000, s2;
	s6 =	simm.s32 $0x108;
	_ =	swait.ge @!p0 [sflag:s8], $0x0  }
0x24: {  	s3 =	sadd.s32 $0x88, s3;
	s6 =	simm.s32 @!p1 $0x1082;
	[sflag:s4] =	ssyncset.s32 $0xFFFFF086  }
0x25: {  	[simem:s6], [sflag:s4] =	dma.local [hbm:s3], $0xF7A  }
0x26: {  	[smem:$0x3F99] =	sst s1;
	(tag) =	ssettag s2;
	_ =	strace s9  }
0x27: {  	s1 =	sld [smem:$0x3FA9]  }
0x28: {  	s2 =	sld [smem:$0x3FAA]  }
0x29: {  	s4 =	sld [smem:$0x3FAC]  }
0x2a: {  	p0 =	seq.s32 s5, $0x0;
	s5 =	sld [smem:$0x3FAD]  }
0x2b: {  	s6 =	sld [smem:$0x3FAE]  }
0x2c: {  	s7 =	sld [smem:$0x3FAF]  }
0x2d: {  	s3 =	simm.s32 $0x108;
	s8 =	sld [smem:$0x3FB0]  }
0x2e: {  	s3 =	simm.s32 @!p0 $0x1082;
	s9 =	sld [smem:$0x3FB1]  }
0x2f: {  	lr =	sadd.s32 s0, s3;
	s0 =	sld [smem:$0x3FA8]  }
0x30: {  	s3 =	sld [smem:$0x3FAB]  }
0x31: {  	[smem:$0x3FB4] =	sst s10  }
0x32: {  	s10 =	sld [smem:$0x3FB2];
	_ =	sdelay $0x3  }
0x33: {  	p0 =	seq.s32 s10, $0x1;
	s10 =	sld [smem:$0x3FB4];
	_ =	sdelay $0x3  }
0x34: {  	[smem:$0x3FB4] =	sst s10  }
0x35: {  	s10 =	sld [smem:$0x3FB3];
	_ =	sdelay $0x3  }
0x36: {  	p1 =	seq.s32 s10, $0x1;
	s10 =	sld [smem:$0x3FB4];
	_ =	sdelay $0x3  }
0x37: {  	[smem:$0x3FB4] =	sst s10  }
0x38: {  	s10 =	sld [smem:$0x3FB5]  }
0x39: {  	_ = 	snop;
	(pc) =	sbr.ind lr, $3  }
0x3a: {  	_ = 	snop  }
0x3b: {  	_ = 	snop  }
0x3c: {  	p2 =	seq.s32 s10, $0x1;
	s10 =	sld [smem:$0x3FB4]  }
0x3d: {  	_ =	shalt  }
0x3e: {  	_ =	shalt  }
0x3f: {  	_ =	shalt  }
0x40: {  	_ =	shalt  }
0x41: {  	_ =	shalt  }
0x42: {  	_ =	shalt  }
0x43: {  	_ =	shalt  }
0x44: {  	_ =	shalt  }
0x45: {  	_ =	shalt  }
0x46: {  	_ =	shalt  }
0x47: {  	_ =	shalt  }
0x48: {  	_ =	shalt  }
0x49: {  	_ =	shalt  }
0x4a: {  	_ =	shalt  }
0x4b: {  	_ =	shalt  }
0x4c: {  	_ =	shalt  }
0x4d: {  	_ =	shalt  }
0x4e: {  	_ =	shalt  }
0x4f: {  	_ =	shalt  }
0x50: {  	_ =	shalt  }
0x51: {  	_ =	shalt  }
0x52: {  	_ =	shalt  }
0x53: {  	_ =	shalt  }
0x54: {  	_ =	shalt  }
0x55: {  	_ =	shalt  }
0x56: {  	_ =	shalt  }
0x57: {  	_ =	shalt  }
0x58: {  	_ =	shalt  }
0x59: {  	_ =	shalt  }
0x5a: {  	_ =	shalt  }
0x5b: {  	_ =	shalt  }
0x5c: {  	_ =	shalt  }
0x5d: {  	_ =	shalt  }
0x5e: {  	_ =	shalt  }
0x5f: {  	_ =	shalt  }
0x60: {  	_ =	shalt  }
0x61: {  	_ =	shalt  }
0x62: {  	_ =	shalt  }
0x63: {  	_ =	shalt  }
0x64: {  	_ =	shalt  }
0x65: {  	_ =	shalt  }
0x66: {  	_ =	shalt  }
0x67: {  	_ =	shalt  }
0x68: {  	_ =	shalt  }
0x69: {  	_ =	shalt  }
0x6a: {  	_ =	shalt  }
0x6b: {  	_ =	shalt  }
0x6c: {  	_ =	shalt  }
0x6d: {  	_ =	shalt  }
0x6e: {  	_ =	shalt  }
0x6f: {  	_ =	shalt  }
0x70: {  	_ =	shalt  }
0x71: {  	_ =	shalt  }
0x72: {  	_ =	shalt  }
0x73: {  	_ =	shalt  }
0x74: {  	_ =	shalt  }
0x75: {  	_ =	shalt  }
0x76: {  	_ =	shalt  }
0x77: {  	_ =	shalt  }
0x78: {  	_ =	shalt  }
0x79: {  	_ =	shalt  }
0x7a: {  	_ =	shalt  }
0x7b: {  	_ =	shalt  }
0x7c: {  	_ =	shalt  }
0x7d: {  	_ =	shalt  }
0x7e: {  	_ =	shalt  }
0x7f: {  	_ =	shalt  }
0x80: {  	_ =	shalt  }
0x81: {  	_ =	shalt  }
0x82: {  	_ =	shalt  }
0x83: {  	_ =	shalt  }
0x84: {  	_ =	shalt  }
0x85: {  	_ =	shalt  }
0x86: {  	_ =	shalt  }
0x87: {  	_ =	shalt  }
.Lfunc_end0:
.L_simem_size_0:
called_computation.1_lowered:
.L_overlay_start_0:
0x88: {  	s2 =	sld [smem:$0x3FD9]  }
0x89: {  	s3 =	sld [smem:$0x3FFE];
	_ =	sdelay $0x1  }
0x8a: {  	s1 =	srdreg.scid  }
0x8b: {  	s0 =	sand.u32 $0x1, s1  }
0x8c: {  	s17 =	sshll.u32 s0, $0xA;
	s2 =	sadd.s32 s3, s2  }
0x8d: {  	s2 =	sadd.s32 s2, s17  }
0x8e: {  	[smem:$0x3FC0] =	sst s2  }
0x8f: {  	_ = 	snop  }
0x90: {  	s2 =	sld [smem:$0x3FD0];
	(tm) =	ssettm $0x1  }
0x91: {  	s18 =	sld [smem:$0x3FFB];
	_ =	sdelay $0x3  }
0x92: {  	_ =	strace s18  }
0x93: {  	s3 =	sld [smem:$0x3FFC];
	_ =	sdelay $0x3  }
0x94: {  	_ =	strace s3  }
0x95: {  	s3 =	sld [smem:$0x3FFD];
	_ =	sdelay $0x3  }
0x96: {  	_ =	strace s3  }
0x97: {  	_ =	strace $0x8FFFFFFF  }
0x98: {  	s19 =	sld [smem:$0x3FDB];
	_ =	sdelay $0x1  }
0x99: {  	s4 =	simm.s32 $_scs_section_size  }
0x9a: {  	s5 =	simm.s32 $_size__tile_overlayer_lowered;
	s6 =	simm.s32 $_tile_overlayer_lowered  }
0x9b: {  	s22 =	simm.s32 $0x1BFF;
	s21 =	sshll.u32 s6, $0x1;
	s3 =	sadd.s32 s4, s19  }
0x9c: {  	s7 =	simm.s32 $0x0;
	s20 =	sshll.u32 s5, $0x1;
	s5 =	sadd.s32 s21, s3  }
0x9d: {  	[timem:s7], [sflag:s22] =	dma.local [hbm:s5], s20  }
0x9e: {  	_ =	swait.ge [sflag:s22], s20  }
0x9f: {  	s4 =	ssub.s32 $0x0, s20;
	[sflag:s22] =	ssyncset.done $0x0  }
0xa0: {  	[sflag:s22] =	ssyncadd.s32 s4;
	_ =	sdelay $0x1  }
0xa1: {  	s23 =	simm.s32 $0x1B8B  }
0xa2: {  	_ =	swait.ge [sflag:s23], $0x1  }
0xa3: {  	[sflag:s23] =	ssyncset.done $0x0  }
0xa4: {  	s25 =	simm.s32 $0x1B8E;
	s24 =	sld [smem:$0x3FFE];
	[sflag:s23] =	ssyncadd.s32 $0xFFFFFFFF  }
0xa5: {  	s26 =	simm.s32 $execute0_lowered;
	[smem:$0x3FD2] =	sst s25  }
0xa6: {  	s5 =	sshll.u32 s26, $0x1;
	_ =	strace $0x80000049;
	[dreg:$0x1] =	wrdreg $0xFFFFFFFF  }
0xa7: {  	s28 =	simm.s32 $_size_execute0_lowered;
	s3 =	sadd.s32 s3, s5;
	[dreg:$0x0] =	wrdreg $0x0  }
0xa8: {  	s5 =	sshll.u32 s28, $0x1;
	[dreg:$0x2] =	wrdreg s3  }
0xa9: {  	[dreg:$0x3] =	wrdreg s5  }
0xaa: {  	[dreg:$0x4] =	wrdreg $0xC0  }
0xab: {  	_ =	task [dreg:s7], $0x5FFFF  }
0xac: {  	[dreg:$0x1] =	wrdreg $0xFFFFFFFF  }
0xad: {  	[dreg:$0x0] =	wrdreg $0x60  }
0xae: {  	[dreg:$0x2] =	wrdreg s2  }
0xaf: {  	[dreg:$0x3] =	wrdreg s24  }
0xb0: {  	[dreg:$0x4] =	wrdreg $0x84000  }
0xb1: {  	[dreg:$0x5] =	wrdreg $0x9  }
0xb2: {  	_ =	task.clear_ibuf [dreg:s7], $0x6FFFF;
	_ =	strace $0x90000049  }
0xb3: {  	s29 =	simm.s32 $0x9;
	_ =	strace $0x8000004B  }
0xb4: {  	_ =	swait.ge [sflag:s29], $0x1  }
0xb5: {  	[sflag:s29] =	ssyncadd.s32 $0xFFFFFFFF  }
0xb6: {  	_ =	strace $0x9000004B  }
0xb7: {  	_ =	sfence  }
0xb8: {  	s30 =	sld [smem:$0x0];
	_ =	sdelay $0x2  }
0xb9: {  	s31 =	sshll.u32 s1, $0xD;
	s1 =	sshrl.u32 s1, $0x2  }
0xba: {  	s3 =	sand.u32 $0x4000, s31;
	s1 =	sadd.s32 s1, s30  }
0xbb: {  	s0 =	sor.u32 s3, s0;
	s1 =	sshll.u32 s1, $0x11  }
0xbc: {  	s0 =	sor.u32 s1, s0  }
0xbd: {  	s0 =	sadd.s32 $0x8F2B, s0  }
0xbe: {  	[sflag:s0] =	ssyncadd.remote.s32 $0x1  }
0xbf: {  	_ =	sfence.sel $0xFFFF  }
0xc0: {  	[dreg:$0x0] =	wrdreg $0xFFFFFFFF;
	(pc) =	sbr.abs _section_cstart, $3  }
0xc1: {  	[dreg:$0x1] =	wrdreg $0xFFFFFFFF  }
0xc2: {  	_ =	task.clear_ibuf [dreg:s7], $0x2FFFF;
	_ =	strace $0x9FFFFFFF  }
0xc3: {  	(tm) =	ssettm $0x7FFFFFFF  }
tec
execute0_lowered:
.L_overlay_start_1:
0x0: {  	(tag) =	ssettag $0x1  }
0x1: {  	s1 =	rddreg [dreg:$0x0]  }
0x2: {  	s0 =	rddreg [dreg:$0x1]  }
0x3: {  	s2 =	rddreg [dreg:$0x2];
	s3 =	simm.s32 $0x0;
	s5 =	srdreg.scid  }
0x4: {  	s19 =	stileid.u32;
	s28 =	simm.s32 $0x80;
	s29 =	simm.s32 $0x100  }
0x5: {  	s30 =	simm.s32 $0x300;
	s31 =	simm.s32 $0x4400;
	[smem:$0x7FF] =	sst s3  }
0x6: {  	s4 =	sadd.s32 $0x2400, s0;
	s6 =	sadd.s32 $0x16200, s0;
	s5 =	sand.u32 $0x1, s5  }
0x7: {  	s12 =	smul.u32 $0x14000, s19;
	s0 =	sadd.s32 $0x16A00, s0;
	_ =	strace $0x8000004A  }
0x8: {  	[dreg:$0x4] =	wrdreg s6;
	s24 =	ssub.s32 $0x2, s5;
	s18 =	smul.u32 $0x140000, s5  }
0x9: {  	s7 =	sshll.u32 s5, $0x4;
	s5 =	smul.u32 $0x4F00, s5;
	s8 =	sshrl.u32 s24, $0x1  }
0xa: {  	s7 =	sor.u32 s19, s7;
	s14 =	sadd.s32 $0x4000, s12;
	s6 =	sadd.s32 s12, s2  }
0xb: {  	s15 =	sadd.s32 $0x8000, s12;
	s16 =	sadd.s32 $0xC000, s12;
	s17 =	sadd.s32 $0x10000, s12  }
0xc: {  	s13 =	ssub.s32 s24, s8;
	s9 =	smul.u32 $0x2780, s7;
	s7 =	sadd.s32 s14, s2  }
0xd: {  	s8 =	sadd.s32 s15, s2;
	s10 =	sadd.s32 s16, s2;
	s11 =	sadd.s32 s17, s2  }
0xe: {  	s12 =	sadd.s32 s12, s18;
	s14 =	sadd.s32 s18, s14;
	s15 =	sadd.s32 s18, s15  }
0xf: {  	s22 =	sadd.s32 s18, s16;
	s23 =	sadd.s32 s18, s17;
	s16 =	simm.s32 $0x0  }
0x10: {  	s12 =	sshrl.u32 s12, $0x3;
	s14 =	sshrl.u32 s14, $0x3;
	s24 =	sshrl.u32 s23, $0x3  }
0x11: {  	s23 =	simm.s32 $0x7;
	s9 =	sshrl.u32 s9, $0x3;
	s12 =	sadd.s32 s0, s12  }
0x12: {  	s9 =	sadd.s32 s4, s9;
	[dreg:$0x8] =	wrdreg s12;
	s12 =	sadd.s32 s0, s14  }
0x13: {  	s14 =	simm.s32 $0x180;
	s20 =	sadd.s32 $0x9E10, s9;
	[dreg:$0x9] =	wrdreg s12  }
0x14: {  	s25 =	sadd.s32 $0x20, s9;
	s26 =	sadd.s32 $0x9E30, s9;
	[dreg:$0x5] =	wrdreg s20  }
0x15: {  	s12 =	sshrl.u32 s22, $0x3;
	s22 =	simm.s32 $0x400;
	[dreg:$0x6] =	wrdreg s25  }
0x16: {  	[dreg:$0x7] =	wrdreg s26;
	s20 =	sshrl.u32 s15, $0x3;
	s12 =	sadd.s32 s0, s12  }
0x17: {  	s25 =	smul.u32 $0x4F0, s19;
	s26 =	sadd.s32 s5, s4;
	s4 =	simm.s32 $0x2  }
0x18: {  	s5 =	simm.s32 $0x6;
	s15 =	simm.s32 $0x380;
	s21 =	sadd.s32 s0, s20  }
0x19: {  	[dreg:$0xb] =	wrdreg s12;
	s0 =	sadd.s32 s0, s24;
	s20 =	smax.u32 s13, $0x1  }
0x1a: {  	s24 =	simm.s32 $0x1;
	s12 =	simm.s32 $0x280;
	[dreg:$0xa] =	wrdreg s21  }
0x1b: {  	s13 =	simm.s32 $0x4;
	[dreg:$0xc] =	wrdreg s0;
	s21 =	sadd.s32 s25, s26  }
0x1c: {  	s25 =	simm.s32 $0x200;
	s26 =	simm.s32 $0x5;
	s0 =	simm.s32 $0x3  }
.LBB2_1:
0x1d: {  	s17 =	rddreg [dreg:$0x4]  }
0x1e: {  	[tilespmem:s22], [sflag:$0x7] =	stream.linear.gather [hbm4b:s17+s3], $0x4000, $0x38;
	[tilespmem:$0x1C400] =	vst v63  }
0x1f: {  	_ =	swait.ge [sflag:s23], $0x4000  }
0x20: {  	[sflag:s23] =	ssyncset.done $0x0  }
0x21: {  	[sflag:s23] =	ssyncadd.s32 $0xFFFFC000  }
0x22: {  	[spmem:s6] =	stream.linear.scatter [tilespmem:s22], [sflag:$0x1], $0x4000, $0x38;
	[tilespmem:$0x1C400] =	vst v63  }
0x23: {  	_ = 	snop  }
0x24: {  	[spmem:s7] =	stream.linear.scatter [tilespmem:s22], [sflag:$0x1], $0x4000, $0x38;
	[tilespmem:$0x1C400] =	vst v63  }
0x25: {  	_ = 	snop  }
0x26: {  	[spmem:s8] =	stream.linear.scatter [tilespmem:s22], [sflag:$0x1], $0x4000, $0x38;
	[tilespmem:$0x1C400] =	vst v63  }
0x27: {  	_ = 	snop  }
0x28: {  	[spmem:s10] =	stream.linear.scatter [tilespmem:s22], [sflag:$0x1], $0x4000, $0x38;
	[tilespmem:$0x1C400] =	vst v63  }
0x29: {  	_ = 	snop  }
0x2a: {  	[spmem:s11] =	stream.linear.scatter [tilespmem:s22], [sflag:$0x1], $0x4000, $0x38;
	[tilespmem:$0x1C400] =	vst v63  }
0x2b: {  	_ =	swait.ge [sflag:s24], $0x4000  }
0x2c: {  	[sflag:s24] =	ssyncset.done $0x0  }
0x2d: {  	[sflag:s24] =	ssyncadd.s32 $0xFFFFC000  }
0x2e: {  	_ =	swait.ge [sflag:s24], $0x4000  }
0x2f: {  	[sflag:s24] =	ssyncset.done $0x0  }
0x30: {  	[sflag:s24] =	ssyncadd.s32 $0xFFFFC000  }
0x31: {  	_ =	swait.ge [sflag:s24], $0x4000  }
0x32: {  	[sflag:s24] =	ssyncset.done $0x0  }
0x33: {  	[sflag:s24] =	ssyncadd.s32 $0xFFFFC000  }
0x34: {  	_ =	swait.ge [sflag:s24], $0x4000  }
0x35: {  	[sflag:s24] =	ssyncset.done $0x0  }
0x36: {  	[sflag:s24] =	ssyncadd.s32 $0xFFFFC000  }
0x37: {  	_ =	swait.ge [sflag:s24], $0x4000  }
0x38: {  	[sflag:s24] =	ssyncset.done $0x0  }
0x39: {  	[sflag:s24] =	ssyncadd.s32 $0xFFFFC000  }
0x3a: {  	[bflag:$0x0] =	sbarrier.arrive $0xFFFF  }
0x3b: {  	[tilespmem:s3], [sflag:$0x5] =	stream.linear.gather [hbm4b:s9+s3], $0x100, $0x38;
	[tilespmem:$0x1C400] =	vst v63  }
0x3c: {  	s18 =	rddreg [dreg:$0x5]  }
0x3d: {  	[tilespmem:s25], [sflag:$0x5] =	stream.linear.gather [hbm4b:s18+s3], $0x100, $0x38;
	[tilespmem:$0x1C400] =	vst v63  }
0x3e: {  	_ =	swait.ge [sflag:s26], $0x100  }
0x3f: {  	[sflag:s26] =	ssyncset.done $0x0  }
0x40: {  	[sflag:s26] =	ssyncadd.s32 $0xFFFFFF00  }
0x41: {  	_ =	swait.ge [sflag:s26], $0x100  }
0x42: {  	[sflag:s26] =	ssyncset.done $0x0  }
0x43: {  	[sflag:s26] =	ssyncadd.s32 $0xFFFFFF00  }
0x44: {  	[tilespmem:s22], [sflag:$0x1] =	stream.indirect.gather [hbm4b:s1+s28], $0x80, s3, s28, $0xb8;
	[tilespmem:$0x1C400] =	vst v63  }
0x45: {  	s19 =	rddreg [dreg:$0x6]  }
0x46: {  	[tilespmem:s29], [sflag:$0x6] =	stream.linear.gather [hbm4b:s19+s3], $0x100, $0x38;
	[tilespmem:$0x1C400] =	vst v63  }
0x47: {  	s18 =	rddreg [dreg:$0x7]  }
0x48: {  	[tilespmem:s30], [sflag:$0x6] =	stream.linear.gather [hbm4b:s18+s3], $0x100, $0x38;
	[tilespmem:$0x1C400] =	vst v63  }
0x49: {  	_ =	swait.ge [sflag:s24], $0x4000  }
0x4a: {  	[sflag:s24] =	ssyncset.done $0x0  }
0x4b: {  	[sflag:s24] =	ssyncadd.s32 $0xFFFFC000  }
0x4c: {  	[tilespmem:s31], [sflag:$0x2] =	stream.indirect.gather [hbm4b:s1+s28], $0x80, s28, s28, $0xb8;
	[tilespmem:$0x1C400] =	vst v63  }
0x4d: {  	_ = 	snop  }
0x4e: {  	[spmem:s2] =	stream.indirect.scatter.add.f32 [tilespmem:s22], [sflag:$0x3], $0x80, s25, s28, $0xb8;
	[tilespmem:$0x1C400] =	vst v63  }
0x4f: {  	_ =	swait.ge [sflag:s0], $0x4000  }
0x50: {  	[sflag:s0] =	ssyncset.done $0x0  }
0x51: {  	[sflag:s0] =	ssyncadd.s32 $0xFFFFC000  }
0x52: {  	_ =	swait.ge [sflag:s4], $0x4000  }
0x53: {  	[sflag:s4] =	ssyncset.done $0x0  }
0x54: {  	[sflag:s4] =	ssyncadd.s32 $0xFFFFC000  }
0x55: {  	_ =	swait.ge [sflag:s5], $0x100  }
0x56: {  	[sflag:s5] =	ssyncset.done $0x0  }
0x57: {  	[sflag:s5] =	ssyncadd.s32 $0xFFFFFF00  }
0x58: {  	_ =	swait.ge [sflag:s5], $0x100  }
0x59: {  	[sflag:s5] =	ssyncset.done $0x0  }
0x5a: {  	[sflag:s5] =	ssyncadd.s32 $0xFFFFFF00  }
0x5b: {  	[tilespmem:s22], [sflag:$0x1] =	stream.indirect.gather [hbm4b:s1+s28], $0x80, s29, s28, $0xb8;
	[tilespmem:$0x1C400] =	vst v63  }
0x5c: {  	_ = 	snop  }
0x5d: {  	[spmem:s2] =	stream.indirect.scatter.add.f32 [tilespmem:s31], [sflag:$0x4], $0x80, s12, s28, $0xb8;
	[tilespmem:$0x1C400] =	vst v63  }
0x5e: {  	_ =	swait.ge [sflag:s13], $0x4000  }
0x5f: {  	s17 =	sadd.s32 $0x0, s21;
	[sflag:s13] =	ssyncset.done $0x0  }
0x60: {  	s18 =	sadd.s32 $0x40, s17;
	[sflag:s13] =	ssyncadd.s32 $0xFFFFC000  }
0x61: {  	[tilespmem:s3], [sflag:$0x5] =	stream.linear.gather [hbm4b:s18+s3], $0x100, $0x38;
	[tilespmem:$0x1C400] =	vst v63  }
0x62: {  	s19 =	sadd.s32 $0x9E50, s17  }
0x63: {  	[tilespmem:s25], [sflag:$0x5] =	stream.linear.gather [hbm4b:s19+s3], $0x100, $0x38;
	[tilespmem:$0x1C400] =	vst v63  }
0x64: {  	_ =	swait.ge [sflag:s24], $0x4000  }
0x65: {  	[sflag:s24] =	ssyncset.done $0x0  }
0x66: {  	[sflag:s24] =	ssyncadd.s32 $0xFFFFC000  }
0x67: {  	[tilespmem:s31], [sflag:$0x2] =	stream.indirect.gather [hbm4b:s1+s28], $0x80, s14, s28, $0xb8;
	[tilespmem:$0x1C400] =	vst v63  }
0x68: {  	_ = 	snop  }
0x69: {  	[spmem:s2] =	stream.indirect.scatter.add.f32 [tilespmem:s22], [sflag:$0x3], $0x80, s30, s28, $0xb8;
	[tilespmem:$0x1C400] =	vst v63  }
0x6a: {  	_ =	swait.ge [sflag:s0], $0x4000  }
0x6b: {  	[sflag:s0] =	ssyncset.done $0x0  }
0x6c: {  	[sflag:s0] =	ssyncadd.s32 $0xFFFFC000  }
0x6d: {  	_ =	swait.ge [sflag:s4], $0x4000  }
0x6e: {  	[sflag:s4] =	ssyncset.done $0x0  }
0x6f: {  	[sflag:s4] =	ssyncadd.s32 $0xFFFFC000  }
0x70: {  	_ =	swait.ge [sflag:s26], $0x100  }
0x71: {  	[sflag:s26] =	ssyncset.done $0x0  }
0x72: {  	[sflag:s26] =	ssyncadd.s32 $0xFFFFFF00  }
0x73: {  	_ =	swait.ge [sflag:s26], $0x100  }
0x74: {  	[sflag:s26] =	ssyncset.done $0x0  }
0x75: {  	[sflag:s26] =	ssyncadd.s32 $0xFFFFFF00  }
0x76: {  	[tilespmem:s22], [sflag:$0x1] =	stream.indirect.gather [hbm4b:s1+s28], $0x80, s3, s28, $0xb8;
	[tilespmem:$0x1C400] =	vst v63  }
0x77: {  	_ = 	snop  }
0x78: {  	[spmem:s2] =	stream.indirect.scatter.add.f32 [tilespmem:s31], [sflag:$0x4], $0x80, s15, s28, $0xb8;
	[tilespmem:$0x1C400] =	vst v63  }
0x79: {  	_ =	swait.ge [sflag:s13], $0x4000  }
0x7a: {  	[sflag:s13] =	ssyncset.done $0x0  }
0x7b: {  	s19 =	sadd.s32 $0x60, s17;
	[sflag:s13] =	ssyncadd.s32 $0xFFFFC000  }
0x7c: {  	[tilespmem:s29], [sflag:$0x6] =	stream.linear.gather [hbm4b:s19+s3], $0x100, $0x38;
	[tilespmem:$0x1C400] =	vst v63  }
0x7d: {  	s17 =	sadd.s32 $0x9E70, s17  }
0x7e: {  	[tilespmem:s30], [sflag:$0x6] =	stream.linear.gather [hbm4b:s17+s3], $0x100, $0x38;
	[tilespmem:$0x1C400] =	vst v63  }
0x7f: {  	_ =	swait.ge [sflag:s24], $0x4000  }
0x80: {  	[sflag:s24] =	ssyncset.done $0x0  }
0x81: {  	[sflag:s24] =	ssyncadd.s32 $0xFFFFC000  }
0x82: {  	[tilespmem:s31], [sflag:$0x2] =	stream.indirect.gather [hbm4b:s1+s28], $0x80, s28, s28, $0xb8;
	[tilespmem:$0x1C400] =	vst v63  }
0x83: {  	_ = 	snop  }
0x84: {  	[spmem:s2] =	stream.indirect.scatter.add.f32 [tilespmem:s22], [sflag:$0x3], $0x80, s25, s28, $0xb8;
	[tilespmem:$0x1C400] =	vst v63  }
0x85: {  	_ =	swait.ge [sflag:s0], $0x4000  }
0x86: {  	[sflag:s0] =	ssyncset.done $0x0  }
0x87: {  	[sflag:s0] =	ssyncadd.s32 $0xFFFFC000  }
0x88: {  	_ =	swait.ge [sflag:s4], $0x4000  }
0x89: {  	[sflag:s4] =	ssyncset.done $0x0  }
0x8a: {  	[sflag:s4] =	ssyncadd.s32 $0xFFFFC000  }
0x8b: {  	_ =	swait.ge [sflag:s5], $0x100  }
0x8c: {  	[sflag:s5] =	ssyncset.done $0x0  }
0x8d: {  	[sflag:s5] =	ssyncadd.s32 $0xFFFFFF00  }
0x8e: {  	_ =	swait.ge [sflag:s5], $0x100  }
0x8f: {  	[sflag:s5] =	ssyncset.done $0x0  }
0x90: {  	s17 =	simm.s32 $0x40;
	[sflag:s5] =	ssyncadd.s32 $0xFFFFFF00  }
0x91: {  	[tilespmem:s22], [sflag:$0x1] =	stream.indirect.gather [hbm4b:s1+s28], $0x80, s29, s28, $0xb8;
	[tilespmem:$0x1C400] =	vst v63  }
.LBB2_2:
0x92: {  	[spmem:s2] =	stream.indirect.scatter.add.f32 [tilespmem:s31], [sflag:$0x4], $0x80, s12, s28, $0xb8;
	[tilespmem:$0x1C400] =	vst v63  }
0x93: {  	s18 =	smov.u32 s17  }
0x94: {  	p0 =	sne.s32 s17, $0x480;
	s17 =	sadd.s32 $0x40, s17;
	_ =	swait.ge [sflag:s13], $0x4000  }
0x95: {  	s18 =	sadd.s32 s18, s21;
	[sflag:s13] =	ssyncset.done $0x0  }
0x96: {  	s19 =	sadd.s32 $0x40, s18;
	[sflag:s13] =	ssyncadd.s32 $0xFFFFC000  }
0x97: {  	[tilespmem:s3], [sflag:$0x5] =	stream.linear.gather [hbm4b:s19+s3], $0x100, $0x38;
	[tilespmem:$0x1C400] =	vst v63  }
0x98: {  	s19 =	sadd.s32 $0x9E50, s18  }
0x99: {  	[tilespmem:s25], [sflag:$0x5] =	stream.linear.gather [hbm4b:s19+s3], $0x100, $0x38;
	[tilespmem:$0x1C400] =	vst v63  }
0x9a: {  	_ =	swait.ge [sflag:s24], $0x4000  }
0x9b: {  	[sflag:s24] =	ssyncset.done $0x0  }
0x9c: {  	[sflag:s24] =	ssyncadd.s32 $0xFFFFC000  }
0x9d: {  	[tilespmem:s31], [sflag:$0x2] =	stream.indirect.gather [hbm4b:s1+s28], $0x80, s14, s28, $0xb8;
	[tilespmem:$0x1C400] =	vst v63  }
0x9e: {  	_ = 	snop  }
0x9f: {  	[spmem:s2] =	stream.indirect.scatter.add.f32 [tilespmem:s22], [sflag:$0x3], $0x80, s30, s28, $0xb8;
	[tilespmem:$0x1C400] =	vst v63  }
0xa0: {  	_ =	swait.ge [sflag:s0], $0x4000  }
0xa1: {  	[sflag:s0] =	ssyncset.done $0x0  }
0xa2: {  	[sflag:s0] =	ssyncadd.s32 $0xFFFFC000  }
0xa3: {  	_ =	swait.ge [sflag:s4], $0x4000  }
0xa4: {  	[sflag:s4] =	ssyncset.done $0x0  }
0xa5: {  	[sflag:s4] =	ssyncadd.s32 $0xFFFFC000  }
0xa6: {  	_ =	swait.ge [sflag:s26], $0x100  }
0xa7: {  	[sflag:s26] =	ssyncset.done $0x0  }
0xa8: {  	[sflag:s26] =	ssyncadd.s32 $0xFFFFFF00  }
0xa9: {  	_ =	swait.ge [sflag:s26], $0x100  }
0xaa: {  	[sflag:s26] =	ssyncset.done $0x0  }
0xab: {  	[sflag:s26] =	ssyncadd.s32 $0xFFFFFF00  }
0xac: {  	[tilespmem:s22], [sflag:$0x1] =	stream.indirect.gather [hbm4b:s1+s28], $0x80, s3, s28, $0xb8;
	[tilespmem:$0x1C400] =	vst v63  }
0xad: {  	_ = 	snop  }
0xae: {  	[spmem:s2] =	stream.indirect.scatter.add.f32 [tilespmem:s31], [sflag:$0x4], $0x80, s15, s28, $0xb8;
	[tilespmem:$0x1C400] =	vst v63  }
0xaf: {  	_ =	swait.ge [sflag:s13], $0x4000  }
0xb0: {  	[sflag:s13] =	ssyncset.done $0x0  }
0xb1: {  	s19 =	sadd.s32 $0x60, s18;
	[sflag:s13] =	ssyncadd.s32 $0xFFFFC000  }
0xb2: {  	[tilespmem:s29], [sflag:$0x6] =	stream.linear.gather [hbm4b:s19+s3], $0x100, $0x38;
	[tilespmem:$0x1C400] =	vst v63  }
0xb3: {  	s18 =	sadd.s32 $0x9E70, s18  }
0xb4: {  	[tilespmem:s30], [sflag:$0x6] =	stream.linear.gather [hbm4b:s18+s3], $0x100, $0x38;
	[tilespmem:$0x1C400] =	vst v63  }
0xb5: {  	_ =	swait.ge [sflag:s24], $0x4000  }
0xb6: {  	[sflag:s24] =	ssyncset.done $0x0  }
0xb7: {  	[sflag:s24] =	ssyncadd.s32 $0xFFFFC000  }
0xb8: {  	[tilespmem:s31], [sflag:$0x2] =	stream.indirect.gather [hbm4b:s1+s28], $0x80, s28, s28, $0xb8;
	[tilespmem:$0x1C400] =	vst v63  }
0xb9: {  	_ = 	snop  }
0xba: {  	[spmem:s2] =	stream.indirect.scatter.add.f32 [tilespmem:s22], [sflag:$0x3], $0x80, s25, s28, $0xb8;
	[tilespmem:$0x1C400] =	vst v63  }
0xbb: {  	_ =	swait.ge [sflag:s0], $0x4000  }
0xbc: {  	[sflag:s0] =	ssyncset.done $0x0  }
0xbd: {  	[sflag:s0] =	ssyncadd.s32 $0xFFFFC000  }
0xbe: {  	_ =	swait.ge [sflag:s4], $0x4000  }
0xbf: {  	[sflag:s4] =	ssyncset.done $0x0  }
0xc0: {  	[sflag:s4] =	ssyncadd.s32 $0xFFFFC000  }
0xc1: {  	_ =	swait.ge [sflag:s5], $0x100  }
0xc2: {  	[sflag:s5] =	ssyncset.done $0x0  }
.Ltmp0:
0xc3: {  	[sflag:s5] =	ssyncadd.s32 $0xFFFFFF00;
	(pc) =	sbr.rel @p0 .LBB2_2-.Ltmp0, $4  }
0xc4: {  	_ =	swait.ge [sflag:s5], $0x100  }
0xc5: {  	[sflag:s5] =	ssyncset.done $0x0  }
0xc6: {  	[sflag:s5] =	ssyncadd.s32 $0xFFFFFF00  }
0xc7: {  	[tilespmem:s22], [sflag:$0x1] =	stream.indirect.gather [hbm4b:s1+s28], $0x80, s29, s28, $0xb8;
	[tilespmem:$0x1C400] =	vst v63  }
0xc8: {  	[spmem:s2] =	stream.indirect.scatter.add.f32 [tilespmem:s31], [sflag:$0x4], $0x80, s12, s28, $0xb8;
	[tilespmem:$0x1C400] =	vst v63  }
0xc9: {  	_ =	swait.ge [sflag:s13], $0x4000  }
0xca: {  	[sflag:s13] =	ssyncset.done $0x0  }
0xcb: {  	[sflag:s13] =	ssyncadd.s32 $0xFFFFC000  }
0xcc: {  	_ =	swait.ge [sflag:s24], $0x4000  }
0xcd: {  	[sflag:s24] =	ssyncset.done $0x0  }
0xce: {  	[sflag:s24] =	ssyncadd.s32 $0xFFFFC000  }
0xcf: {  	[spmem:s2] =	stream.indirect.scatter.add.f32 [tilespmem:s22], [sflag:$0x3], $0x80, s30, s28, $0xb8;
	[tilespmem:$0x1C400] =	vst v63  }
0xd0: {  	_ =	swait.ge [sflag:s0], $0x4000  }
0xd1: {  	[sflag:s0] =	ssyncset.done $0x0  }
0xd2: {  	[sflag:s0] =	ssyncadd.s32 $0xFFFFC000  }
0xd3: {  	[bflag:$0x0] =	sbarrier.arrive $0xFFFF  }
0xd4: {  	[tilespmem:s22], [sflag:$0x7] =	stream.linear.gather [spmem:s6], $0x4000, $0x38;
	[tilespmem:$0x1C400] =	vst v63  }
0xd5: {  	_ =	swait.ge [sflag:s23], $0x4000  }
0xd6: {  	[sflag:s23] =	ssyncset.done $0x0  }
0xd7: {  	s17 =	rddreg [dreg:$0x8];
	[sflag:s23] =	ssyncadd.s32 $0xFFFFC000  }
0xd8: {  	[hbm4b:s17+s3] =	stream.linear.scatter [tilespmem:s22], [sflag:$0x3], $0x4000, $0x38;
	[tilespmem:$0x1C400] =	vst v63  }
0xd9: {  	_ = 	snop  }
0xda: {  	[tilespmem:s31], [sflag:$0x7] =	stream.linear.gather [spmem:s7], $0x4000, $0x38;
	[tilespmem:$0x1C400] =	vst v63  }
0xdb: {  	_ =	swait.ge [sflag:s23], $0x4000  }
0xdc: {  	[sflag:s23] =	ssyncset.done $0x0  }
0xdd: {  	s18 =	rddreg [dreg:$0x9];
	[sflag:s23] =	ssyncadd.s32 $0xFFFFC000  }
0xde: {  	[hbm4b:s18+s3] =	stream.linear.scatter [tilespmem:s31], [sflag:$0x4], $0x4000, $0x38;
	[tilespmem:$0x1C400] =	vst v63  }
0xdf: {  	_ =	swait.ge [sflag:s0], $0x4000  }
0xe0: {  	[sflag:s0] =	ssyncset.done $0x0  }
0xe1: {  	[sflag:s0] =	ssyncadd.s32 $0xFFFFC000  }
0xe2: {  	[tilespmem:s22], [sflag:$0x7] =	stream.linear.gather [spmem:s8], $0x4000, $0x38;
	[tilespmem:$0x1C400] =	vst v63  }
0xe3: {  	_ =	swait.ge [sflag:s23], $0x4000  }
0xe4: {  	[sflag:s23] =	ssyncset.done $0x0  }
0xe5: {  	s19 =	rddreg [dreg:$0xa];
	[sflag:s23] =	ssyncadd.s32 $0xFFFFC000  }
0xe6: {  	[hbm4b:s19+s3] =	stream.linear.scatter [tilespmem:s22], [sflag:$0x3], $0x4000, $0x38;
	[tilespmem:$0x1C400] =	vst v63  }
0xe7: {  	_ =	swait.ge [sflag:s13], $0x4000  }
0xe8: {  	[sflag:s13] =	ssyncset.done $0x0  }
0xe9: {  	[sflag:s13] =	ssyncadd.s32 $0xFFFFC000  }
0xea: {  	[tilespmem:s31], [sflag:$0x7] =	stream.linear.gather [spmem:s10], $0x4000, $0x38;
	[tilespmem:$0x1C400] =	vst v63  }
0xeb: {  	_ =	swait.ge [sflag:s23], $0x4000  }
0xec: {  	[sflag:s23] =	ssyncset.done $0x0  }
0xed: {  	s18 =	rddreg [dreg:$0xb];
	[sflag:s23] =	ssyncadd.s32 $0xFFFFC000  }
0xee: {  	[hbm4b:s18+s3] =	stream.linear.scatter [tilespmem:s31], [sflag:$0x4], $0x4000, $0x38;
	[tilespmem:$0x1C400] =	vst v63  }
0xef: {  	_ =	swait.ge [sflag:s0], $0x4000  }
0xf0: {  	[sflag:s0] =	ssyncset.done $0x0  }
0xf1: {  	[sflag:s0] =	ssyncadd.s32 $0xFFFFC000  }
0xf2: {  	[tilespmem:s22], [sflag:$0x7] =	stream.linear.gather [spmem:s11], $0x4000, $0x38;
	[tilespmem:$0x1C400] =	vst v63  }
0xf3: {  	_ =	swait.ge [sflag:s23], $0x4000  }
0xf4: {  	[sflag:s23] =	ssyncset.done $0x0  }
0xf5: {  	s16 =	sadd.s32 $0x1, s16;
	s19 =	rddreg [dreg:$0xc];
	[sflag:s23] =	ssyncadd.s32 $0xFFFFC000  }
0xf6: {  	[hbm4b:s19+s3] =	stream.linear.scatter [tilespmem:s22], [sflag:$0x3], $0x4000, $0x38;
	[tilespmem:$0x1C400] =	vst v63  }
0xf7: {  	p0 =	sne.s32 s16, s20;
	_ =	swait.ge [sflag:s13], $0x4000  }
.Ltmp1:
0xf8: {  	[sflag:s13] =	ssyncset.done $0x0;
	(pc) =	sbr.rel @p0 .LBB2_1-.Ltmp1, $4  }
0xf9: {  	[sflag:s13] =	ssyncadd.s32 $0xFFFFC000  }
0xfa: {  	_ =	swait.ge [sflag:s0], $0x4000  }
0xfb: {  	[sflag:s0] =	ssyncset.done $0x0  }
0xfc: {  	[sflag:s0] =	ssyncadd.s32 $0xFFFFC000  }
0xfd: {  	_ =	sfence.sel $0x180000  }
0xfe: {  	[bflag:$0x0] =	sbarrier.arrive $0xFFFF  }
0xff: {  	_ =	strace $0x9000004A  }
0x100: {  	s0 =	stileid.u32;
	[bflag:$0x2] =	sbarrier.arrive $0xFFFF  }
0x101: {  	p0 =	sne.s32 s0, $0x0;
	s0 =	rddreg [dreg:$0x3]  }
0x102: {  	s0 =	sadd.s32 @!p0 $0x100000, s0  }
0x103: {  	[sflag:s0] =	ssyncadd.tile.s32 @!p0 $0x1;
	_ =	shalt  }
.Lfunc_end2:
_tile_overlayer_lowered:
.L_overlay_start_2:
0x104: {  	(tag) =	ssettag $0x2  }
0x105: {  	s0 =	rddreg [dreg:$0x0];
	s2 =	stileid.u32  }
0x106: {  	s1 =	rddreg [dreg:$0x1];
	p0 =	sne.s32 s2, $0x0  }
0x107: {  	s3 =	rddreg [dreg:$0x2];
	[bflag:$0x3] =	sbarrier.arrive $0xFFFF;
	s2 =	simm.s32 @!p0 $0x1C07  }
0x108: {  	[timem:s3], [sflag:s2] =	dma.local @!p0 [hbm:s0], s1  }
0x109: {  	s0 =	simm.s32 @!p0 $0x7  }
0x10a: {  	_ =	swait.ge @!p0 [sflag:s0], s1  }
0x10b: {  	s1 =	ssub.s32 @!p0 $0x0, s1;
	[sflag:s0] =	ssyncset.done @!p0 $0x0  }
0x10c: {  	[sflag:s0] =	ssyncadd.s32 @!p0 s1  }
0x10d: {  	[bflag:$0x3] =	sbarrier.arrive $0xFFFF  }
0x10e: {  	_ =	shalt  }

</sc_bundles>
